<compile_context>
chip_gen: v7x
topology: tpu7x:2x2x1
jax: 0.10.2.dev20260603
libtpu: 0.0.44.dev20260713+nightly
codegen_flags: <defaults>
</compile_context>

<pallas_src>
import functools

import jax
import jax.numpy as jnp
import numpy as np
from jax import lax
from jax.experimental import pallas as pl
from jax.experimental.pallas import tpu as pltpu
from jax.experimental.pallas import tpu_sc as plsc

_S = 512
_RADII = (0.1, 0.2, 0.4)
_NSAMP = (16, 32, 128)
_B, _N = 4, 4096
_NSUB, _NLANE = 32, 128


def _fps_body(xyzc_ref, fps_ref, cen_ref):
    xyzc = xyzc_ref[...]
    xs = xyzc[:, 0]
    ys = xyzc[:, 1]
    zs = xyzc[:, 2]
    shp = (_B, _NSUB, _NLANE)
    j2 = (lax.broadcasted_iota(jnp.int32, shp, 1) * _NLANE
          + lax.broadcasted_iota(jnp.int32, shp, 2))
    si = lax.broadcasted_iota(jnp.int32, (_B, 1, _S), 2)

    def body(i, carry):
        dist, far, acc = carry
        m = j2 == far
        csum = jnp.sum(jnp.where(m[:, None], xyzc, 0.0), axis=(2, 3),
                       keepdims=True)
        cx = csum[:, 0]
        cy = csum[:, 1]
        cz = csum[:, 2]
        dx = xs - cx
        dy = ys - cy
        dz = zs - cz
        d = (dx * dx + dy * dy) + dz * dz
        dist = jnp.minimum(dist, d)
        mx = jnp.max(dist, axis=(1, 2), keepdims=True)
        far2 = jnp.min(jnp.where(dist == mx, j2, _N), axis=(1, 2),
                       keepdims=True)
        vals = jnp.concatenate(
            [far,
             lax.bitcast_convert_type(cx, jnp.int32),
             lax.bitcast_convert_type(cy, jnp.int32),
             lax.bitcast_convert_type(cz, jnp.int32)], axis=1)
        acc = jnp.where(si == i, vals, acc)
        return dist, far2, acc

    dist0 = jnp.full(shp, 1e10, jnp.float32)
    far0 = jnp.zeros((_B, 1, 1), jnp.int32)
    acc0 = jnp.zeros((_B, 4, _S), jnp.int32)
    _, _, acc = lax.fori_loop(0, _S, body, (dist0, far0, acc0))
    fps_ref[...] = acc[:, 0]
    cen_ref[...] = lax.bitcast_convert_type(acc[:, 1:4], jnp.float32)


def _run_fps(xyz):
    xyzc = jnp.transpose(xyz, (0, 2, 1)).reshape(_B, 3, _NSUB, _NLANE)
    fps, cen = pl.pallas_call(
        _fps_body,
        out_shape=(jax.ShapeDtypeStruct((_B, _S), jnp.int32),
                   jax.ShapeDtypeStruct((_B, 3, _S), jnp.float32)),
    )(xyzc)
    new_xyz = jnp.transpose(cen, (0, 2, 1))
    return fps, new_xyz


_SB = 64


def _dist_body(cen_ref, xyzt_ref, cn2_ref, xn2_ref, dists_ref, gfirst_ref):
    c = cen_ref[0]
    xt = xyzt_ref[0]
    m = jnp.dot(c, xt, preferred_element_type=jnp.float32)
    d = (-2.0 * m + cn2_ref[0, 0, 0][:, None]) + xn2_ref[0, 0][None, :]
    dists_ref[0] = d
    mn = jnp.min(d, axis=1, keepdims=True)
    iN = lax.broadcasted_iota(jnp.int32, (_SB, _N), 1)
    gfirst_ref[0, 0, 0] = jnp.min(jnp.where(d == mn, iN, _N), axis=1)


def _run_dists(xyz, new_xyz, cn2, xn2):
    xyzt = jnp.transpose(xyz, (0, 2, 1))
    cn2r = cn2.reshape(_B, _S // _SB, 1, _SB)
    xn2r = xn2.reshape(_B, 1, _N)
    grid = (_B, _S // _SB)
    dists, gfirst = pl.pallas_call(
        _dist_body,
        grid=grid,
        in_specs=[
            pl.BlockSpec((1, _SB, 3), lambda b, s: (b, s, 0)),
            pl.BlockSpec((1, 3, _N), lambda b, s: (b, 0, 0)),
            pl.BlockSpec((1, 1, 1, _SB), lambda b, s: (b, s, 0, 0)),
            pl.BlockSpec((1, 1, _N), lambda b, s: (b, 0, 0)),
        ],
        out_specs=(pl.BlockSpec((1, _SB, _N), lambda b, s: (b, s, 0)),
                   pl.BlockSpec((1, 1, 1, _SB), lambda b, s: (b, s, 0, 0))),
        out_shape=(jax.ShapeDtypeStruct((_B, _S, _N), jnp.float32),
                   jax.ShapeDtypeStruct((_B, _S // _SB, 1, _SB), jnp.int32)),
    )(new_xyz, xyzt, cn2r, xn2r)
    return dists, gfirst.reshape(_B, _S)


_R2 = tuple(np.float32(r ** 2) for r in _RADII)
_NW = 32
_RPW = (_B * _S) // _NW
_NCHUNK = _N // 16


def _sc_body(dists_hbm, gfirst_hbm, ptable_hbm, cen8_hbm, out1, out2, out3,
             ptab_v, drow, gf_v, cvm, buf1, buf2, buf3, gb1, gb2, gb3,
             dsem, wsem, csem):
    wid = lax.axis_index("s") * 2 + lax.axis_index("c")
    base = wid * _RPW
    b = wid // (_NW // _B)
    pltpu.sync_copy(ptable_hbm.at[pl.ds(b * (_N * 6), _N * 6)], ptab_v)
    pltpu.sync_copy(gfirst_hbm.at[pl.ds(base, _RPW)],
                    gf_v.at[pl.ds(0, _RPW)])
    iota = lax.iota(jnp.int32, 16)
    ones = jnp.ones((16,), jnp.int32)
    zeros = jnp.zeros((16,), jnp.int32)
    BSK = _B * _S
    branches = ((16, buf1, gb1, out1), (32, buf2, gb2, out2),
                (128, buf3, gb3, out3))
    pltpu.async_copy(dists_hbm.at[base], drow.at[0], dsem)

    def row_fn(r, _):
        t = base + r
        rb = lax.rem(r, 2)
        q = lax.rem(r, 8)
        t0 = t - q
        pltpu.async_copy(cen8_hbm.at[pl.ds(t * 8, 8)],
                         cvm.at[pl.ds(0, 8)], csem)
        pltpu.make_async_copy(dists_hbm.at[t], drow.at[rb], dsem).wait()

        @pl.when(r + 1 < _RPW)
        def _():
            pltpu.async_copy(dists_hbm.at[t + 1], drow.at[1 - rb], dsem)

        def chunk_fn(c, cnts):
            c1, c2, c3 = cnts
            d16 = drow[rb, pl.ds(c * 16, 16)]
            idxg = iota + c * 16
            m3 = d16 <= _R2[2]
            m2 = d16 <= _R2[1]
            m1 = d16 <= _R2[0]
            p3 = plsc.cumsum(jnp.where(m3, ones, zeros))
            p2 = plsc.cumsum(jnp.where(m2, ones, zeros))
            p1 = plsc.cumsum(jnp.where(m1, ones, zeros))
            q3 = c3 + p3 - 1
            q2 = c2 + p2 - 1
            q1 = c1 + p1 - 1
            plsc.store_scatter(buf3, [q3], idxg, mask=m3 & (q3 < 128))
            plsc.store_scatter(buf2, [q2], idxg, mask=m2 & (q2 < 32))
            plsc.store_scatter(buf1, [q1], idxg, mask=m1 & (q1 < 16))
            return c1 + p1[15], c2 + p2[15], c3 + p3[15]

        cnts = lax.fori_loop(0, _NCHUNK, chunk_fn, (0, 0, 0),
                             unroll=2)

        @pl.when((q == 0) & (r >= 8))
        def _():
            for (k, buf, gb, out) in branches:
                for c in range(6):
                    pltpu.make_async_copy(
                        gb.at[pl.ds(c * (8 * k), 8 * k)],
                        out.at[pl.ds(c * (BSK * k) + (t0 - 8) * k, 8 * k)],
                        wsem).wait()

        gfg = gf_v[pl.ds(r, 16)][0]
        gvec = zeros + gfg
        pltpu.make_async_copy(cen8_hbm.at[pl.ds(t * 8, 8)],
                              cvm.at[pl.ds(0, 8)], csem).wait()
        cv = cvm[pl.ds(0, 16)]
        cs = (cv[0], cv[1], cv[2])
        for (k, buf, gb, out), cnt in zip(branches, cnts):
            qk = q * k
            for mc in range(k // 16):
                pos = iota + (mc * 16)
                v = buf[pl.ds(mc * 16, 16)]
                idx16 = jnp.where(pos < cnt, v, gvec)
                a0 = idx16 * 6
                for c in range(6):
                    vals = plsc.load_gather(ptab_v, [a0 + c])
                    if c < 3:
                        vals = vals - cs[c]
                    plsc.store_scatter(
                        gb, [iota + (qk + c * (8 * k) + mc * 16)], vals)

        @pl.when(q == 7)
        def _():
            for (k, buf, gb, out) in branches:
                for c in range(6):
                    pltpu.async_copy(
                        gb.at[pl.ds(c * (8 * k), 8 * k)],
                        out.at[pl.ds(c * (BSK * k) + t0 * k, 8 * k)],
                        wsem)
        return ()

    lax.fori_loop(0, _RPW, row_fn, ())
    t0l = base + _RPW - 8
    for (k, buf, gb, out) in branches:
        for c in range(6):
            pltpu.make_async_copy(
                gb.at[pl.ds(c * (8 * k), 8 * k)],
                out.at[pl.ds(c * (BSK * k) + t0l * k, 8 * k)],
                wsem).wait()


def _select_gather(dists, gfirst, ptable, cen8):
    dists_f = dists.reshape(_B * _S, _N)
    gfirst_f = gfirst.reshape(_B * _S)
    ptable_f = ptable.reshape(_B * _N * 6)
    mesh = plsc.VectorSubcoreMesh(core_axis_name="c", subcore_axis_name="s")
    f32 = jnp.float32
    fn = pl.kernel(
        _sc_body,
        out_type=[jax.ShapeDtypeStruct((6 * _B * _S * 16,), f32),
                  jax.ShapeDtypeStruct((6 * _B * _S * 32,), f32),
                  jax.ShapeDtypeStruct((6 * _B * _S * 128,), f32)],
        mesh=mesh,
        compiler_params=pltpu.CompilerParams(needs_layout_passes=False),
        scratch_types=[
            pltpu.VMEM((_N * 6,), f32),
            pltpu.VMEM((2, _N), f32),
            pltpu.VMEM((_RPW + 16,), jnp.int32),
            pltpu.VMEM((16,), f32),
            pltpu.VMEM((32,), jnp.int32),
            pltpu.VMEM((48,), jnp.int32),
            pltpu.VMEM((144,), jnp.int32),
            pltpu.VMEM((6 * 8 * 16,), f32),
            pltpu.VMEM((6 * 8 * 32,), f32),
            pltpu.VMEM((6 * 8 * 128,), f32),
            pltpu.SemaphoreType.DMA,
            pltpu.SemaphoreType.DMA,
            pltpu.SemaphoreType.DMA,
        ],
    )
    o1, o2, o3 = fn(dists_f, gfirst_f, ptable_f, cen8)
    return [o1.reshape(6, _B * _S * 16),
            o2.reshape(6, _B * _S * 32),
            o3.reshape(6, _B * _S * 128)]


def _mlp_body(g_ref, *wrefs, bs, k, nlayer):
    x = g_ref[...]
    for li in range(nlayer):
        w, sc, b = wrefs[3 * li], wrefs[3 * li + 1], wrefs[3 * li + 2]
        x = jnp.dot(w[...], x, preferred_element_type=jnp.float32)
        x = sc[...][:, None] * x + b[...][:, None]
        x = jnp.maximum(x, 0.0)
    out_ref = wrefs[3 * nlayer]
    cout = x.shape[0]
    out_ref[...] = jnp.max(x.reshape(cout, bs, k), axis=2)


def _run_mlp(g, layers, k):
    bs = 256
    nlayer = len(layers)
    cout = layers[-1][0].shape[0]
    wargs = []
    in_specs = [
        pl.BlockSpec((6, bs * k), lambda i: (0, i)),
    ]
    for (w, sc, b) in layers:
        wargs += [w, sc, b]
        in_specs += [pl.BlockSpec(w.shape, lambda i: (0, 0)),
                     pl.BlockSpec(sc.shape, lambda i: (0,)),
                     pl.BlockSpec(b.shape, lambda i: (0,))]
    fn = functools.partial(_mlp_body, bs=bs, k=k, nlayer=nlayer)
    return pl.pallas_call(
        fn,
        grid=(_B * _S // bs,),
        in_specs=in_specs,
        out_specs=pl.BlockSpec((cout, bs), lambda i: (0, i)),
        out_shape=jax.ShapeDtypeStruct((cout, _B * _S), jnp.float32),
    )(g, *wargs)


def kernel(xyz, feature, params):
    cn2_full = jnp.sum(xyz ** 2, -1)
    fps, new_xyz = _run_fps(xyz)
    cnew2 = jnp.sum(new_xyz ** 2, -1)
    dists, gfirst = _run_dists(xyz, new_xyz, cnew2, cn2_full)
    ptable = jnp.concatenate([xyz, feature], axis=-1)
    cen8 = jnp.pad(new_xyz.reshape(_B * _S, 3),
                   ((0, 0), (0, 5))).reshape(_B * _S * 8)
    groups = _select_gather(dists, gfirst, ptable, cen8)
    outs = []
    for gi, layers, k in zip(groups, params, _NSAMP):
        outs.append(_run_mlp(gi, layers, k))
    new_feat = jnp.transpose(jnp.concatenate(outs, axis=0)).reshape(
        _B, _S, -1)
    return new_xyz, new_feat, fps

# --- scband reference (transcript-rebuilt; emitter-appended) ---
"""Pipeline reference for scband-point-net-set-abstraction-msg-23270132810092 (READ-ONLY COPY).

The authoritative reference and input builder live on the scoring server;
editing this copy changes nothing except your own understanding.
"""

import jax, jax.numpy as jnp
import numpy as np

NPOINT = 512
RADIUS_LIST = (0.1, 0.2, 0.4)
NSAMPLE_LIST = (16, 32, 128)
MLP_LIST = ((32, 32, 64), (64, 64, 128), (64, 96, 128))
IN_CH = 3
B, N = 4, 4096


def index_points(points, idx):
    # points: [B, N, C]; idx: [B, S] or [B, S, K]
    return jax.vmap(lambda p, i: p[i])(points, idx)


def square_distance(src, dst):
    dist = -2.0 * jnp.matmul(src, jnp.swapaxes(dst, 1, 2))
    dist = dist + jnp.sum(src ** 2, -1)[:, :, None]
    dist = dist + jnp.sum(dst ** 2, -1)[:, None, :]
    return dist


def farthest_point_sample(xyz, npoint):
    # deterministic variant: initial farthest index = 0 (torch code uses randint)
    b, n, _ = xyz.shape
    batch = jnp.arange(b)
    def body(i, state):
        centroids, distance, farthest = state
        centroids = centroids.at[:, i].set(farthest)
        centroid = xyz[batch, farthest][:, None, :]
        dist = jnp.sum((xyz - centroid) ** 2, -1)
        distance = jnp.minimum(distance, dist)
        farthest = jnp.argmax(distance, axis=-1).astype(jnp.int32)
        return (centroids, distance, farthest)
    init = (jnp.zeros((b, npoint), jnp.int32),
            jnp.full((b, n), 1e10, xyz.dtype),
            jnp.zeros((b,), jnp.int32))
    centroids, _, _ = jax.lax.fori_loop(0, npoint, body, init)
    return centroids


def query_ball_point(radius, nsample, xyz, new_xyz):
    b, n, _ = xyz.shape
    s = new_xyz.shape[1]
    sqrdists = square_distance(new_xyz, xyz)  # [B, S, N]
    group_idx = jnp.broadcast_to(jnp.arange(n, dtype=jnp.int32), (b, s, n))
    group_idx = jnp.where(sqrdists > radius ** 2, n, group_idx)
    group_idx = jnp.sort(group_idx, axis=-1)[:, :, :nsample]
    group_first = jnp.argmin(sqrdists, axis=-1).astype(jnp.int32)[:, :, None]
    group_first = jnp.broadcast_to(group_first, group_idx.shape)
    group_idx = jnp.where(group_idx == n, group_first, group_idx)
    return group_idx


def run_mlp(x, layers):
    # x: [B, C, S, K]; each layer = 1x1 conv (no bias) + folded BN affine + ReLU
    for (W, s, b_) in layers:
        x = jnp.einsum('bcsk,oc->bosk', x, W)
        x = s[None, :, None, None] * x + b_[None, :, None, None]
        x = jax.nn.relu(x)
    return x


def setup_inputs(seed: int = 0):
    key = jax.random.key(seed)
    k1, k2, kp = jax.random.split(key, 3)
    xyz = jax.random.uniform(k1, (B, N, 3), jnp.float32)
    feature = jax.random.normal(k2, (B, N, IN_CH), jnp.float32)
    params = []
    for mlp in MLP_LIST:
        cin = IN_CH + 3
        layers = []
        for cout in mlp:
            kp, kw = jax.random.split(kp)
            W = jax.random.normal(kw, (cout, cin), jnp.float32) / np.sqrt(cin)
            s = jnp.ones((cout,), jnp.float32)
            b_ = jnp.zeros((cout,), jnp.float32)
            layers.append((W, s, b_))
            cin = cout
        params.append(tuple(layers))
    return {'xyz': xyz, 'feature': feature, 'params': tuple(params)}


def reference(xyz, feature, params):
    S = NPOINT
    fps = farthest_point_sample(xyz, S)
    new_xyz = index_points(xyz, fps)  # [B, S, 3]
    outs = []
    for i, (radius, K) in enumerate(zip(RADIUS_LIST, NSAMPLE_LIST)):
        gidx = query_ball_point(radius, K, xyz, new_xyz)  # [B, S, K]
        g_xyz = index_points(xyz, gidx) - new_xyz[:, :, None, :]
        g_feat = index_points(feature, gidx)
        grouped = jnp.concatenate([g_xyz, g_feat], axis=-1)  # [B, S, K, 3+C]
        grouped = jnp.transpose(grouped, (0, 3, 1, 2))  # [B, 3+C, S, K]
        out = run_mlp(grouped, params[i])
        outs.append(jnp.max(out, axis=-1))  # [B, Cout, S]
    new_feat = jnp.transpose(jnp.concatenate(outs, axis=1), (0, 2, 1))  # [B, S, 320]
    return new_xyz, new_feat, fps

if __name__ == "__main__":
    import jax
    _d = setup_inputs()
    print(jax.jit(kernel)(*tuple(_d.values())))

</pallas_src>

<mosaic_0001>
#map = affine_map<(d0, d1) -> (0, 0)>
#map1 = affine_map<(d0, d1) -> (0)>
module attributes {stable_mosaic.version = 14 : i64} {
  func.func @_sc_body(%arg0: i32, %arg1: i32, %arg2: memref<2048x4096xf32, #tpu.memory_space<hbm>>, %arg3: memref<2048xi32, #tpu.memory_space<hbm>>, %arg4: memref<98304xf32, #tpu.memory_space<hbm>>, %arg5: memref<16384xf32, #tpu.memory_space<hbm>>, %arg6: memref<196608xf32, #tpu.memory_space<hbm>>, %arg7: memref<393216xf32, #tpu.memory_space<hbm>>, %arg8: memref<1572864xf32, #tpu.memory_space<hbm>>, %arg9: memref<24576xf32, #tpu.memory_space<vmem>>, %arg10: memref<2x4096xf32, #tpu.memory_space<vmem>>, %arg11: memref<80xi32, #tpu.memory_space<vmem>>, %arg12: memref<16xf32, #tpu.memory_space<vmem>>, %arg13: memref<32xi32, #tpu.memory_space<vmem>>, %arg14: memref<48xi32, #tpu.memory_space<vmem>>, %arg15: memref<144xi32, #tpu.memory_space<vmem>>, %arg16: memref<768xf32, #tpu.memory_space<vmem>>, %arg17: memref<1536xf32, #tpu.memory_space<vmem>>, %arg18: memref<6144xf32, #tpu.memory_space<vmem>>, %arg19: memref<!tpu.dma_semaphore, #tpu.memory_space<semaphore_mem>>, %arg20: memref<!tpu.dma_semaphore, #tpu.memory_space<semaphore_mem>>, %arg21: memref<!tpu.dma_semaphore, #tpu.memory_space<semaphore_mem>>) attributes {dimension_semantics = [#tpu.dimension_semantics<core_parallel>, #tpu.dimension_semantics<subcore_parallel>], iteration_bounds = array<i64: 2, 16>, scalar_prefetch = 0 : i64, scratch_operands = 13 : i64, tpu.core_type = #tpu.core_type<sc_vector_subcore>, window_params = [{transform_indices = #map}, {transform_indices = #map1}, {transform_indices = #map1}, {transform_indices = #map1}, {transform_indices = #map1}, {transform_indices = #map1}, {transform_indices = #map1}]} {
    %mul3A = arith.constant 2 : i32
    %mul3A_0 = arith.muli %arg1, %mul3A : i32
    %add3A = arith.addi %mul3A_0, %arg0 : i32
    %mul3A_1 = arith.constant 64 : i32
    %mul3A_2 = arith.muli %add3A, %mul3A_1 : i32
    %jit3A = arith.constant 8 : i32
    %div3A = arith.divsi %add3A, %jit3A : i32
    %sign3A = arith.constant 0 : i32
    %sign3A_3 = arith.cmpi sgt, %add3A, %sign3A : i32
    %sign3A_4 = arith.extui %sign3A_3 : i1 to i32
    %sign3A_5 = arith.constant 0 : i32
    %sign3A_6 = arith.cmpi slt, %add3A, %sign3A_5 : i32
    %sign3A_7 = arith.extui %sign3A_6 : i1 to i32
    %sign3A_8 = arith.subi %sign3A_4, %sign3A_7 : i32
    %sign3A_9 = arith.constant 0 : i32
    %sign3A_10 = arith.cmpi sgt, %jit3A, %sign3A_9 : i32
    %sign3A_11 = arith.extui %sign3A_10 : i1 to i32
    %sign3A_12 = arith.constant 0 : i32
    %sign3A_13 = arith.cmpi slt, %jit3A, %sign3A_12 : i32
    %sign3A_14 = arith.extui %sign3A_13 : i1 to i32
    %sign3A_15 = arith.subi %sign3A_11, %sign3A_14 : i32
    %ne3A = arith.cmpi ne, %sign3A_8, %sign3A_15 : i32
    %rem3A = arith.remsi %add3A, %jit3A : i32
    %ne3A_16 = arith.constant 0 : i32
    %ne3A_17 = arith.cmpi ne, %rem3A, %ne3A_16 : i32
    %and3A = arith.andi %ne3A, %ne3A_17 : i1
    %sub3A = arith.constant 1 : i32
    %sub3A_18 = arith.subi %div3A, %sub3A : i32
    %select_n3A = arith.select %and3A, %sub3A_18, %div3A : i32
    %mul3A_19 = arith.constant 24576 : i32
    %mul3A_20 = arith.muli %select_n3A, %mul3A_19 : i32
    "tpu.region"() ({
      %run_scoped3A = tpu.sem_alloc : memref<!tpu.dma_semaphore, #tpu.memory_space<semaphore_mem>>
      %dma_start3A_223 = tpu.memref_slice %arg4[%mul3A_20] : memref<98304xf32, #tpu.memory_space<hbm>> -> memref<24576xf32, #tpu.memory_space<hbm>>
      %dma_start3A_224 = tpu.memref_slice %arg4[%mul3A_20] : memref<98304xf32, #tpu.memory_space<hbm>> -> memref<24576xf32, #tpu.memory_space<hbm>>
      tpu.enqueue_dma source(%dma_start3A_224 : memref<24576xf32, #tpu.memory_space<hbm>>) target(%arg9 : memref<24576xf32, #tpu.memory_space<vmem>>) target_semaphore(%run_scoped3A : memref<!tpu.dma_semaphore, #tpu.memory_space<semaphore_mem>>)
      %dma_wait3A_225 = tpu.memref_slice %arg4[%mul3A_20] : memref<98304xf32, #tpu.memory_space<hbm>> -> memref<24576xf32, #tpu.memory_space<hbm>>
      %dma_wait3A_226 = tpu.memref_slice %arg4[%mul3A_20] : memref<98304xf32, #tpu.memory_space<hbm>> -> memref<24576xf32, #tpu.memory_space<hbm>>
      tpu.wait_dma2 semaphore(%run_scoped3A : memref<!tpu.dma_semaphore, #tpu.memory_space<semaphore_mem>>) src(%dma_wait3A_226 : memref<24576xf32, #tpu.memory_space<hbm>>) dst(%arg9 : memref<24576xf32, #tpu.memory_space<vmem>>)
      tpu.yield
    }) : () -> ()
    "tpu.region"() ({
      %run_scoped3A = tpu.sem_alloc : memref<!tpu.dma_semaphore, #tpu.memory_space<semaphore_mem>>
      %dma_start3A_223 = arith.constant 0 : i32
      %dma_start3A_224 = tpu.memref_slice %arg11[%dma_start3A_223] : memref<80xi32, #tpu.memory_space<vmem>> -> memref<64xi32, #tpu.memory_space<vmem>>
      %dma_start3A_225 = tpu.memref_slice %arg3[%mul3A_2] : memref<2048xi32, #tpu.memory_space<hbm>> -> memref<64xi32, #tpu.memory_space<hbm>>
      %dma_start3A_226 = arith.constant 0 : i32
      %dma_start3A_227 = tpu.memref_slice %arg11[%dma_start3A_226] : memref<80xi32, #tpu.memory_space<vmem>> -> memref<64xi32, #tpu.memory_space<vmem>>
      %dma_start3A_228 = tpu.memref_slice %arg3[%mul3A_2] : memref<2048xi32, #tpu.memory_space<hbm>> -> memref<64xi32, #tpu.memory_space<hbm>>
      tpu.enqueue_dma source(%dma_start3A_228 : memref<64xi32, #tpu.memory_space<hbm>>) target(%dma_start3A_227 : memref<64xi32, #tpu.memory_space<vmem>>) target_semaphore(%run_scoped3A : memref<!tpu.dma_semaphore, #tpu.memory_space<semaphore_mem>>)
      %dma_wait3A_229 = arith.constant 0 : i32
      %dma_wait3A_230 = tpu.memref_slice %arg11[%dma_wait3A_229] : memref<80xi32, #tpu.memory_space<vmem>> -> memref<64xi32, #tpu.memory_space<vmem>>
      %dma_wait3A_231 = tpu.memref_slice %arg3[%mul3A_2] : memref<2048xi32, #tpu.memory_space<hbm>> -> memref<64xi32, #tpu.memory_space<hbm>>
      %dma_wait3A_232 = arith.constant 0 : i32
      %dma_wait3A_233 = tpu.memref_slice %arg11[%dma_wait3A_232] : memref<80xi32, #tpu.memory_space<vmem>> -> memref<64xi32, #tpu.memory_space<vmem>>
      %dma_wait3A_234 = tpu.memref_slice %arg3[%mul3A_2] : memref<2048xi32, #tpu.memory_space<hbm>> -> memref<64xi32, #tpu.memory_space<hbm>>
      tpu.wait_dma2 semaphore(%run_scoped3A : memref<!tpu.dma_semaphore, #tpu.memory_space<semaphore_mem>>) src(%dma_wait3A_234 : memref<64xi32, #tpu.memory_space<hbm>>) dst(%dma_wait3A_233 : memref<64xi32, #tpu.memory_space<vmem>>)
      tpu.yield
    }) : () -> ()
    %iota3A = tpu.iota {dimensions = array<i32: 0>} : vector<16xi32>
    %broadcast_in_dim3A = arith.constant 1 : i32
    %broadcast_in_dim3A_21 = vector.broadcast %broadcast_in_dim3A : i32 to vector<16xi32>
    %broadcast_in_dim3A_22 = arith.constant 0 : i32
    %broadcast_in_dim3A_23 = vector.broadcast %broadcast_in_dim3A_22 : i32 to vector<16xi32>
    %dma_start3A = arith.constant 0 : i32
    %dma_start3A_24 = arith.constant 0 : i32
    %dma_start3A_25 = tpu.memref_slice %arg10[%dma_start3A, %dma_start3A_24] : memref<2x4096xf32, #tpu.memory_space<vmem>> -> memref<1x4096xf32, #tpu.memory_space<vmem>>
    %dma_start3A_26 = tpu.memref_squeeze %dma_start3A_25 : memref<1x4096xf32, #tpu.memory_space<vmem>> -> memref<4096xf32, #tpu.memory_space<vmem>>
    %dma_start3A_27 = arith.constant 0 : i32
    %dma_start3A_28 = tpu.memref_slice %arg2[%mul3A_2, %dma_start3A_27] : memref<2048x4096xf32, #tpu.memory_space<hbm>> -> memref<1x4096xf32, #tpu.memory_space<hbm>>
    %dma_start3A_29 = tpu.memref_squeeze %dma_start3A_28 : memref<1x4096xf32, #tpu.memory_space<hbm>> -> memref<4096xf32, #tpu.memory_space<hbm>>
    %dma_start3A_30 = arith.constant 0 : i32
    %dma_start3A_31 = tpu.memref_slice %arg10[%dma_start3A, %dma_start3A_30] : memref<2x4096xf32, #tpu.memory_space<vmem>> -> memref<1x4096xf32, #tpu.memory_space<vmem>>
    %dma_start3A_32 = tpu.memref_squeeze %dma_start3A_31 : memref<1x4096xf32, #tpu.memory_space<vmem>> -> memref<4096xf32, #tpu.memory_space<vmem>>
    %dma_start3A_33 = arith.constant 0 : i32
    %dma_start3A_34 = tpu.memref_slice %arg2[%mul3A_2, %dma_start3A_33] : memref<2048x4096xf32, #tpu.memory_space<hbm>> -> memref<1x4096xf32, #tpu.memory_space<hbm>>
    %dma_start3A_35 = tpu.memref_squeeze %dma_start3A_34 : memref<1x4096xf32, #tpu.memory_space<hbm>> -> memref<4096xf32, #tpu.memory_space<hbm>>
    tpu.enqueue_dma source(%dma_start3A_35 : memref<4096xf32, #tpu.memory_space<hbm>>) target(%dma_start3A_32 : memref<4096xf32, #tpu.memory_space<vmem>>) target_semaphore(%arg19 : memref<!tpu.dma_semaphore, #tpu.memory_space<semaphore_mem>>)
    %scan3A = arith.constant 0 : i32
    %scan3A_36 = arith.constant 64 : i32
    %scan3A_37 = arith.addi %scan3A, %scan3A_36 : i32
    %scan3A_38 = arith.constant 1 : i32
    scf.for %scan3A_223 = %scan3A to %scan3A_37 step %scan3A_38  : i32 {
      %add3A_224 = arith.addi %mul3A_2, %scan3A_223 : i32
      %rem3A_225 = arith.constant 2 : i32
      %rem3A_226 = arith.remsi %scan3A_223, %rem3A_225 : i32
      %rem3A_227 = arith.constant 8 : i32
      %rem3A_228 = arith.remsi %scan3A_223, %rem3A_227 : i32
      %sub3A_229 = arith.subi %add3A_224, %rem3A_228 : i32
      %mul3A_230 = arith.constant 8 : i32
      %mul3A_231 = arith.muli %add3A_224, %mul3A_230 : i32
      %dma_start3A_232 = arith.constant 0 : i32
      %dma_start3A_233 = tpu.memref_slice %arg12[%dma_start3A_232] : memref<16xf32, #tpu.memory_space<vmem>> -> memref<8xf32, #tpu.memory_space<vmem>>
      %dma_start3A_234 = tpu.memref_slice %arg5[%mul3A_231] : memref<16384xf32, #tpu.memory_space<hbm>> -> memref<8xf32, #tpu.memory_space<hbm>>
      %dma_start3A_235 = arith.constant 0 : i32
      %dma_start3A_236 = tpu.memref_slice %arg12[%dma_start3A_235] : memref<16xf32, #tpu.memory_space<vmem>> -> memref<8xf32, #tpu.memory_space<vmem>>
      %dma_start3A_237 = tpu.memref_slice %arg5[%mul3A_231] : memref<16384xf32, #tpu.memory_space<hbm>> -> memref<8xf32, #tpu.memory_space<hbm>>
      tpu.enqueue_dma source(%dma_start3A_237 : memref<8xf32, #tpu.memory_space<hbm>>) target(%dma_start3A_236 : memref<8xf32, #tpu.memory_space<vmem>>) target_semaphore(%arg21 : memref<!tpu.dma_semaphore, #tpu.memory_space<semaphore_mem>>)
      %dma_wait3A_238 = arith.constant 0 : i32
      %dma_wait3A_239 = tpu.memref_slice %arg10[%rem3A_226, %dma_wait3A_238] : memref<2x4096xf32, #tpu.memory_space<vmem>> -> memref<1x4096xf32, #tpu.memory_space<vmem>>
      %dma_wait3A_240 = tpu.memref_squeeze %dma_wait3A_239 : memref<1x4096xf32, #tpu.memory_space<vmem>> -> memref<4096xf32, #tpu.memory_space<vmem>>
      %dma_wait3A_241 = arith.constant 0 : i32
      %dma_wait3A_242 = tpu.memref_slice %arg2[%add3A_224, %dma_wait3A_241] : memref<2048x4096xf32, #tpu.memory_space<hbm>> -> memref<1x4096xf32, #tpu.memory_space<hbm>>
      %dma_wait3A_243 = tpu.memref_squeeze %dma_wait3A_242 : memref<1x4096xf32, #tpu.memory_space<hbm>> -> memref<4096xf32, #tpu.memory_space<hbm>>
      %dma_wait3A_244 = arith.constant 0 : i32
      %dma_wait3A_245 = tpu.memref_slice %arg10[%rem3A_226, %dma_wait3A_244] : memref<2x4096xf32, #tpu.memory_space<vmem>> -> memref<1x4096xf32, #tpu.memory_space<vmem>>
      %dma_wait3A_246 = tpu.memref_squeeze %dma_wait3A_245 : memref<1x4096xf32, #tpu.memory_space<vmem>> -> memref<4096xf32, #tpu.memory_space<vmem>>
      %dma_wait3A_247 = arith.constant 0 : i32
      %dma_wait3A_248 = tpu.memref_slice %arg2[%add3A_224, %dma_wait3A_247] : memref<2048x4096xf32, #tpu.memory_space<hbm>> -> memref<1x4096xf32, #tpu.memory_space<hbm>>
      %dma_wait3A_249 = tpu.memref_squeeze %dma_wait3A_248 : memref<1x4096xf32, #tpu.memory_space<hbm>> -> memref<4096xf32, #tpu.memory_space<hbm>>
      tpu.wait_dma2 semaphore(%arg19 : memref<!tpu.dma_semaphore, #tpu.memory_space<semaphore_mem>>) src(%dma_wait3A_249 : memref<4096xf32, #tpu.memory_space<hbm>>) dst(%dma_wait3A_246 : memref<4096xf32, #tpu.memory_space<vmem>>)
      %add3A_250 = arith.constant 1 : i32
      %add3A_251 = arith.addi %scan3A_223, %add3A_250 : i32
      %lt3A = arith.constant 64 : i32
      %lt3A_252 = arith.cmpi slt, %add3A_251, %lt3A : i32
      %convert_element_type3A = arith.extui %lt3A_252 : i1 to i32
      %cond3A = arith.constant 0 : i32
      %cond3A_253 = arith.cmpi ne, %convert_element_type3A, %cond3A : i32
      scf.if %cond3A_253 {
        %add3A_1145 = arith.constant 1 : i32
        %add3A_1146 = arith.addi %add3A_224, %add3A_1145 : i32
        %sub3A_1147 = arith.constant 1 : i32
        %sub3A_1148 = arith.subi %sub3A_1147, %rem3A_226 : i32
        %dma_start3A_1149 = arith.constant 0 : i32
        %dma_start3A_1150 = tpu.memref_slice %arg10[%sub3A_1148, %dma_start3A_1149] : memref<2x4096xf32, #tpu.memory_space<vmem>> -> memref<1x4096xf32, #tpu.memory_space<vmem>>
        %dma_start3A_1151 = tpu.memref_squeeze %dma_start3A_1150 : memref<1x4096xf32, #tpu.memory_space<vmem>> -> memref<4096xf32, #tpu.memory_space<vmem>>
        %dma_start3A_1152 = arith.constant 0 : i32
        %dma_start3A_1153 = tpu.memref_slice %arg2[%add3A_1146, %dma_start3A_1152] : memref<2048x4096xf32, #tpu.memory_space<hbm>> -> memref<1x4096xf32, #tpu.memory_space<hbm>>
        %dma_start3A_1154 = tpu.memref_squeeze %dma_start3A_1153 : memref<1x4096xf32, #tpu.memory_space<hbm>> -> memref<4096xf32, #tpu.memory_space<hbm>>
        %dma_start3A_1155 = arith.constant 0 : i32
        %dma_start3A_1156 = tpu.memref_slice %arg10[%sub3A_1148, %dma_start3A_1155] : memref<2x4096xf32, #tpu.memory_space<vmem>> -> memref<1x4096xf32, #tpu.memory_space<vmem>>
        %dma_start3A_1157 = tpu.memref_squeeze %dma_start3A_1156 : memref<1x4096xf32, #tpu.memory_space<vmem>> -> memref<4096xf32, #tpu.memory_space<vmem>>
        %dma_start3A_1158 = arith.constant 0 : i32
        %dma_start3A_1159 = tpu.memref_slice %arg2[%add3A_1146, %dma_start3A_1158] : memref<2048x4096xf32, #tpu.memory_space<hbm>> -> memref<1x4096xf32, #tpu.memory_space<hbm>>
        %dma_start3A_1160 = tpu.memref_squeeze %dma_start3A_1159 : memref<1x4096xf32, #tpu.memory_space<hbm>> -> memref<4096xf32, #tpu.memory_space<hbm>>
        tpu.enqueue_dma source(%dma_start3A_1160 : memref<4096xf32, #tpu.memory_space<hbm>>) target(%dma_start3A_1157 : memref<4096xf32, #tpu.memory_space<vmem>>) target_semaphore(%arg19 : memref<!tpu.dma_semaphore, #tpu.memory_space<semaphore_mem>>)
      } else {
      }
      %scan3A_254 = arith.constant 0 : i32
      %scan3A_255 = arith.constant 0 : i32
      %scan3A_256 = arith.constant 0 : i32
      %scan3A_257 = arith.constant 0 : i32
      %scan3A_258 = arith.constant 256 : i32
      %scan3A_259 = arith.addi %scan3A_257, %scan3A_258 : i32
      %scan3A_260 = arith.constant 2 : i32
      %scan3A_261:3 = scf.for %scan3A_1145 = %scan3A_257 to %scan3A_259 step %scan3A_260 iter_args(%scan3A_1146 = %scan3A_254, %scan3A_1147 = %scan3A_255, %scan3A_1148 = %scan3A_256) -> (i32, i32, i32)  : i32 {
        %mul3A_1149 = arith.constant 16 : i32
        %mul3A_1150 = arith.muli %scan3A_1145, %mul3A_1149 : i32
        %get3A_1151 = arith.index_cast %rem3A_226 : i32 to index
        %get3A_1152 = arith.index_cast %mul3A_1150 : i32 to index
        %get3A_1153 = tpu.vector_load %arg10[%get3A_1151, %get3A_1152] {strides = array<i32>} : memref<2x4096xf32, #tpu.memory_space<vmem>>, vector<16xf32>,
        %mul3A_1154 = arith.constant 16 : i32
        %mul3A_1155 = arith.muli %scan3A_1145, %mul3A_1154 : i32
        %add3A_1156 = vector.broadcast %mul3A_1155 : i32 to vector<16xi32>
        %add3A_1157 = arith.addi %iota3A, %add3A_1156 : vector<16xi32>
        %le3A = arith.constant 1.600000e-01 : f32
        %le3A_1158 = vector.broadcast %le3A : f32 to vector<16xf32>
        %le3A_1159 = arith.cmpf ole, %get3A_1153, %le3A_1158 : vector<16xf32>
        %le3A_1160 = arith.constant 4.000000e-02 : f32
        %le3A_1161 = vector.broadcast %le3A_1160 : f32 to vector<16xf32>
        %le3A_1162 = arith.cmpf ole, %get3A_1153, %le3A_1161 : vector<16xf32>
        %le3A_1163 = arith.constant 0.00999999977 : f32
        %le3A_1164 = vector.broadcast %le3A_1163 : f32 to vector<16xf32>
        %le3A_1165 = arith.cmpf ole, %get3A_1153, %le3A_1164 : vector<16xf32>
        %select_n3A_1166 = arith.select %le3A_1159, %broadcast_in_dim3A_21, %broadcast_in_dim3A_23 : vector<16xi1>, vector<16xi32>
        %broadcast_in_dim3A_1167 = arith.constant true
        %broadcast_in_dim3A_1168 = vector.broadcast %broadcast_in_dim3A_1167 : i1 to vector<16xi1>
        %masked_cumsum3A = tpu.scan <sum>, %select_n3A_1166 masked %broadcast_in_dim3A_1168 : vector<16xi32>, vector<16xi1> -> vector<16xi32>
        %select_n3A_1169 = arith.select %le3A_1162, %broadcast_in_dim3A_21, %broadcast_in_dim3A_23 : vector<16xi1>, vector<16xi32>
        %broadcast_in_dim3A_1170 = arith.constant true
        %broadcast_in_dim3A_1171 = vector.broadcast %broadcast_in_dim3A_1170 : i1 to vector<16xi1>
        %masked_cumsum3A_1172 = tpu.scan <sum>, %select_n3A_1169 masked %broadcast_in_dim3A_1171 : vector<16xi32>, vector<16xi1> -> vector<16xi32>
        %select_n3A_1173 = arith.select %le3A_1165, %broadcast_in_dim3A_21, %broadcast_in_dim3A_23 : vector<16xi1>, vector<16xi32>
        %broadcast_in_dim3A_1174 = arith.constant true
        %broadcast_in_dim3A_1175 = vector.broadcast %broadcast_in_dim3A_1174 : i1 to vector<16xi1>
        %masked_cumsum3A_1176 = tpu.scan <sum>, %select_n3A_1173 masked %broadcast_in_dim3A_1175 : vector<16xi32>, vector<16xi1> -> vector<16xi32>
        %add3A_1177 = vector.broadcast %scan3A_1148 : i32 to vector<16xi32>
        %add3A_1178 = arith.addi %add3A_1177, %masked_cumsum3A : vector<16xi32>
        %sub3A_1179 = arith.constant 1 : i32
        %sub3A_1180 = vector.broadcast %sub3A_1179 : i32 to vector<16xi32>
        %sub3A_1181 = arith.subi %add3A_1178, %sub3A_1180 : vector<16xi32>
        %add3A_1182 = vector.broadcast %scan3A_1147 : i32 to vector<16xi32>
        %add3A_1183 = arith.addi %add3A_1182, %masked_cumsum3A_1172 : vector<16xi32>
        %sub3A_1184 = arith.constant 1 : i32
        %sub3A_1185 = vector.broadcast %sub3A_1184 : i32 to vector<16xi32>
        %sub3A_1186 = arith.subi %add3A_1183, %sub3A_1185 : vector<16xi32>
        %add3A_1187 = vector.broadcast %scan3A_1146 : i32 to vector<16xi32>
        %add3A_1188 = arith.addi %add3A_1187, %masked_cumsum3A_1176 : vector<16xi32>
        %sub3A_1189 = arith.constant 1 : i32
        %sub3A_1190 = vector.broadcast %sub3A_1189 : i32 to vector<16xi32>
        %sub3A_1191 = arith.subi %add3A_1188, %sub3A_1190 : vector<16xi32>
        %lt3A_1192 = arith.constant 128 : i32
        %lt3A_1193 = vector.broadcast %lt3A_1192 : i32 to vector<16xi32>
        %lt3A_1194 = arith.cmpi slt, %sub3A_1181, %lt3A_1193 : vector<16xi32>
        %and3A_1195 = arith.andi %le3A_1159, %lt3A_1194 : vector<16xi1>
        tpu.vector_store_idx %arg15[%sub3A_1181], %add3A_1157 masked %and3A_1195 : memref<144xi32, #tpu.memory_space<vmem>>[vector<16xi32>], vector<16xi32>, vector<16xi1>
        %lt3A_1196 = arith.constant 32 : i32
        %lt3A_1197 = vector.broadcast %lt3A_1196 : i32 to vector<16xi32>
        %lt3A_1198 = arith.cmpi slt, %sub3A_1186, %lt3A_1197 : vector<16xi32>
        %and3A_1199 = arith.andi %le3A_1162, %lt3A_1198 : vector<16xi1>
        tpu.vector_store_idx %arg14[%sub3A_1186], %add3A_1157 masked %and3A_1199 : memref<48xi32, #tpu.memory_space<vmem>>[vector<16xi32>], vector<16xi32>, vector<16xi1>
        %lt3A_1200 = arith.constant 16 : i32
        %lt3A_1201 = vector.broadcast %lt3A_1200 : i32 to vector<16xi32>
        %lt3A_1202 = arith.cmpi slt, %sub3A_1191, %lt3A_1201 : vector<16xi32>
        %and3A_1203 = arith.andi %le3A_1165, %lt3A_1202 : vector<16xi1>
        tpu.vector_store_idx %arg13[%sub3A_1191], %add3A_1157 masked %and3A_1203 : memref<32xi32, #tpu.memory_space<vmem>>[vector<16xi32>], vector<16xi32>, vector<16xi1>
        %slice3A_1204 = vector.extract_strided_slice %masked_cumsum3A_1176 {offsets = [15], sizes = [1], strides = [1]} : vector<16xi32> to vector<1xi32>
        %squeeze3A_1205 = vector.extract %slice3A_1204[0] : i32 from vector<1xi32>
        %add3A_1206 = arith.addi %scan3A_1146, %squeeze3A_1205 : i32
        %slice3A_1207 = vector.extract_strided_slice %masked_cumsum3A_1172 {offsets = [15], sizes = [1], strides = [1]} : vector<16xi32> to vector<1xi32>
        %squeeze3A_1208 = vector.extract %slice3A_1207[0] : i32 from vector<1xi32>
        %add3A_1209 = arith.addi %scan3A_1147, %squeeze3A_1208 : i32
        %slice3A_1210 = vector.extract_strided_slice %masked_cumsum3A {offsets = [15], sizes = [1], strides = [1]} : vector<16xi32> to vector<1xi32>
        %squeeze3A_1211 = vector.extract %slice3A_1210[0] : i32 from vector<1xi32>
        %add3A_1212 = arith.addi %scan3A_1148, %squeeze3A_1211 : i32
        %scan3A_1213 = arith.constant 1 : i32
        %scan3A_1214 = arith.addi %scan3A_1145, %scan3A_1213 : i32
        %mul3A_1215 = arith.constant 16 : i32
        %mul3A_1216 = arith.muli %scan3A_1214, %mul3A_1215 : i32
        %get3A_1217 = arith.index_cast %rem3A_226 : i32 to index
        %get3A_1218 = arith.index_cast %mul3A_1216 : i32 to index
        %get3A_1219 = tpu.vector_load %arg10[%get3A_1217, %get3A_1218] {strides = array<i32>} : memref<2x4096xf32, #tpu.memory_space<vmem>>, vector<16xf32>,
        %mul3A_1220 = arith.constant 16 : i32
        %mul3A_1221 = arith.muli %scan3A_1214, %mul3A_1220 : i32
        %add3A_1222 = vector.broadcast %mul3A_1221 : i32 to vector<16xi32>
        %add3A_1223 = arith.addi %iota3A, %add3A_1222 : vector<16xi32>
        %le3A_1224 = arith.constant 1.600000e-01 : f32
        %le3A_1225 = vector.broadcast %le3A_1224 : f32 to vector<16xf32>
        %le3A_1226 = arith.cmpf ole, %get3A_1219, %le3A_1225 : vector<16xf32>
        %le3A_1227 = arith.constant 4.000000e-02 : f32
        %le3A_1228 = vector.broadcast %le3A_1227 : f32 to vector<16xf32>
        %le3A_1229 = arith.cmpf ole, %get3A_1219, %le3A_1228 : vector<16xf32>
        %le3A_1230 = arith.constant 0.00999999977 : f32
        %le3A_1231 = vector.broadcast %le3A_1230 : f32 to vector<16xf32>
        %le3A_1232 = arith.cmpf ole, %get3A_1219, %le3A_1231 : vector<16xf32>
        %select_n3A_1233 = arith.select %le3A_1226, %broadcast_in_dim3A_21, %broadcast_in_dim3A_23 : vector<16xi1>, vector<16xi32>
        %broadcast_in_dim3A_1234 = arith.constant true
        %broadcast_in_dim3A_1235 = vector.broadcast %broadcast_in_dim3A_1234 : i1 to vector<16xi1>
        %masked_cumsum3A_1236 = tpu.scan <sum>, %select_n3A_1233 masked %broadcast_in_dim3A_1235 : vector<16xi32>, vector<16xi1> -> vector<16xi32>
        %select_n3A_1237 = arith.select %le3A_1229, %broadcast_in_dim3A_21, %broadcast_in_dim3A_23 : vector<16xi1>, vector<16xi32>
        %broadcast_in_dim3A_1238 = arith.constant true
        %broadcast_in_dim3A_1239 = vector.broadcast %broadcast_in_dim3A_1238 : i1 to vector<16xi1>
        %masked_cumsum3A_1240 = tpu.scan <sum>, %select_n3A_1237 masked %broadcast_in_dim3A_1239 : vector<16xi32>, vector<16xi1> -> vector<16xi32>
        %select_n3A_1241 = arith.select %le3A_1232, %broadcast_in_dim3A_21, %broadcast_in_dim3A_23 : vector<16xi1>, vector<16xi32>
        %broadcast_in_dim3A_1242 = arith.constant true
        %broadcast_in_dim3A_1243 = vector.broadcast %broadcast_in_dim3A_1242 : i1 to vector<16xi1>
        %masked_cumsum3A_1244 = tpu.scan <sum>, %select_n3A_1241 masked %broadcast_in_dim3A_1243 : vector<16xi32>, vector<16xi1> -> vector<16xi32>
        %add3A_1245 = vector.broadcast %add3A_1212 : i32 to vector<16xi32>
        %add3A_1246 = arith.addi %add3A_1245, %masked_cumsum3A_1236 : vector<16xi32>
        %sub3A_1247 = arith.constant 1 : i32
        %sub3A_1248 = vector.broadcast %sub3A_1247 : i32 to vector<16xi32>
        %sub3A_1249 = arith.subi %add3A_1246, %sub3A_1248 : vector<16xi32>
        %add3A_1250 = vector.broadcast %add3A_1209 : i32 to vector<16xi32>
        %add3A_1251 = arith.addi %add3A_1250, %masked_cumsum3A_1240 : vector<16xi32>
        %sub3A_1252 = arith.constant 1 : i32
        %sub3A_1253 = vector.broadcast %sub3A_1252 : i32 to vector<16xi32>
        %sub3A_1254 = arith.subi %add3A_1251, %sub3A_1253 : vector<16xi32>
        %add3A_1255 = vector.broadcast %add3A_1206 : i32 to vector<16xi32>
        %add3A_1256 = arith.addi %add3A_1255, %masked_cumsum3A_1244 : vector<16xi32>
        %sub3A_1257 = arith.constant 1 : i32
        %sub3A_1258 = vector.broadcast %sub3A_1257 : i32 to vector<16xi32>
        %sub3A_1259 = arith.subi %add3A_1256, %sub3A_1258 : vector<16xi32>
        %lt3A_1260 = arith.constant 128 : i32
        %lt3A_1261 = vector.broadcast %lt3A_1260 : i32 to vector<16xi32>
        %lt3A_1262 = arith.cmpi slt, %sub3A_1249, %lt3A_1261 : vector<16xi32>
        %and3A_1263 = arith.andi %le3A_1226, %lt3A_1262 : vector<16xi1>
        tpu.vector_store_idx %arg15[%sub3A_1249], %add3A_1223 masked %and3A_1263 : memref<144xi32, #tpu.memory_space<vmem>>[vector<16xi32>], vector<16xi32>, vector<16xi1>
        %lt3A_1264 = arith.constant 32 : i32
        %lt3A_1265 = vector.broadcast %lt3A_1264 : i32 to vector<16xi32>
        %lt3A_1266 = arith.cmpi slt, %sub3A_1254, %lt3A_1265 : vector<16xi32>
        %and3A_1267 = arith.andi %le3A_1229, %lt3A_1266 : vector<16xi1>
        tpu.vector_store_idx %arg14[%sub3A_1254], %add3A_1223 masked %and3A_1267 : memref<48xi32, #tpu.memory_space<vmem>>[vector<16xi32>], vector<16xi32>, vector<16xi1>
        %lt3A_1268 = arith.constant 16 : i32
        %lt3A_1269 = vector.broadcast %lt3A_1268 : i32 to vector<16xi32>
        %lt3A_1270 = arith.cmpi slt, %sub3A_1259, %lt3A_1269 : vector<16xi32>
        %and3A_1271 = arith.andi %le3A_1232, %lt3A_1270 : vector<16xi1>
        tpu.vector_store_idx %arg13[%sub3A_1259], %add3A_1223 masked %and3A_1271 : memref<32xi32, #tpu.memory_space<vmem>>[vector<16xi32>], vector<16xi32>, vector<16xi1>
        %slice3A_1272 = vector.extract_strided_slice %masked_cumsum3A_1244 {offsets = [15], sizes = [1], strides = [1]} : vector<16xi32> to vector<1xi32>
        %squeeze3A_1273 = vector.extract %slice3A_1272[0] : i32 from vector<1xi32>
        %add3A_1274 = arith.addi %add3A_1206, %squeeze3A_1273 : i32
        %slice3A_1275 = vector.extract_strided_slice %masked_cumsum3A_1240 {offsets = [15], sizes = [1], strides = [1]} : vector<16xi32> to vector<1xi32>
        %squeeze3A_1276 = vector.extract %slice3A_1275[0] : i32 from vector<1xi32>
        %add3A_1277 = arith.addi %add3A_1209, %squeeze3A_1276 : i32
        %slice3A_1278 = vector.extract_strided_slice %masked_cumsum3A_1236 {offsets = [15], sizes = [1], strides = [1]} : vector<16xi32> to vector<1xi32>
        %squeeze3A_1279 = vector.extract %slice3A_1278[0] : i32 from vector<1xi32>
        %add3A_1280 = arith.addi %add3A_1212, %squeeze3A_1279 : i32
        scf.yield %add3A_1274, %add3A_1277, %add3A_1280 : i32, i32, i32
      }
      %scan3A_262 = arith.constant 256 : i32
      %eq3A = arith.constant 0 : i32
      %eq3A_263 = arith.cmpi eq, %rem3A_228, %eq3A : i32
      %ge3A = arith.constant 8 : i32
      %ge3A_264 = arith.cmpi sge, %scan3A_223, %ge3A : i32
      %and3A_265 = arith.andi %eq3A_263, %ge3A_264 : i1
      %convert_element_type3A_266 = arith.extui %and3A_265 : i1 to i32
      %cond3A_267 = arith.constant 0 : i32
      %cond3A_268 = arith.cmpi ne, %convert_element_type3A_266, %cond3A_267 : i32
      scf.if %cond3A_268 {
        %sub3A_1145 = arith.constant 8 : i32
        %sub3A_1146 = arith.subi %sub3A_229, %sub3A_1145 : i32
        %mul3A_1147 = arith.constant 16 : i32
        %mul3A_1148 = arith.muli %sub3A_1146, %mul3A_1147 : i32
        %add3A_1149 = arith.constant 0 : i32
        %add3A_1150 = arith.addi %add3A_1149, %mul3A_1148 : i32
        %dma_wait3A_1151 = arith.constant 0 : i32
        %dma_wait3A_1152 = tpu.memref_slice %arg16[%dma_wait3A_1151] : memref<768xf32, #tpu.memory_space<vmem>> -> memref<128xf32, #tpu.memory_space<vmem>>
        %dma_wait3A_1153 = tpu.memref_slice %arg6[%add3A_1150] : memref<196608xf32, #tpu.memory_space<hbm>> -> memref<128xf32, #tpu.memory_space<hbm>>
        %dma_wait3A_1154 = tpu.memref_slice %arg6[%add3A_1150] : memref<196608xf32, #tpu.memory_space<hbm>> -> memref<128xf32, #tpu.memory_space<hbm>>
        %dma_wait3A_1155 = arith.constant 0 : i32
        %dma_wait3A_1156 = tpu.memref_slice %arg16[%dma_wait3A_1155] : memref<768xf32, #tpu.memory_space<vmem>> -> memref<128xf32, #tpu.memory_space<vmem>>
        tpu.wait_dma2 semaphore(%arg20 : memref<!tpu.dma_semaphore, #tpu.memory_space<semaphore_mem>>) src(%dma_wait3A_1156 : memref<128xf32, #tpu.memory_space<vmem>>) dst(%dma_wait3A_1154 : memref<128xf32, #tpu.memory_space<hbm>>)
        %sub3A_1157 = arith.constant 8 : i32
        %sub3A_1158 = arith.subi %sub3A_229, %sub3A_1157 : i32
        %mul3A_1159 = arith.constant 16 : i32
        %mul3A_1160 = arith.muli %sub3A_1158, %mul3A_1159 : i32
        %add3A_1161 = arith.constant 32768 : i32
        %add3A_1162 = arith.addi %add3A_1161, %mul3A_1160 : i32
        %dma_wait3A_1163 = arith.constant 128 : i32
        %dma_wait3A_1164 = tpu.memref_slice %arg16[%dma_wait3A_1163] : memref<768xf32, #tpu.memory_space<vmem>> -> memref<128xf32, #tpu.memory_space<vmem>>
        %dma_wait3A_1165 = tpu.memref_slice %arg6[%add3A_1162] : memref<196608xf32, #tpu.memory_space<hbm>> -> memref<128xf32, #tpu.memory_space<hbm>>
        %dma_wait3A_1166 = tpu.memref_slice %arg6[%add3A_1162] : memref<196608xf32, #tpu.memory_space<hbm>> -> memref<128xf32, #tpu.memory_space<hbm>>
        %dma_wait3A_1167 = arith.constant 128 : i32
        %dma_wait3A_1168 = tpu.memref_slice %arg16[%dma_wait3A_1167] : memref<768xf32, #tpu.memory_space<vmem>> -> memref<128xf32, #tpu.memory_space<vmem>>
        tpu.wait_dma2 semaphore(%arg20 : memref<!tpu.dma_semaphore, #tpu.memory_space<semaphore_mem>>) src(%dma_wait3A_1168 : memref<128xf32, #tpu.memory_space<vmem>>) dst(%dma_wait3A_1166 : memref<128xf32, #tpu.memory_space<hbm>>)
        %sub3A_1169 = arith.constant 8 : i32
        %sub3A_1170 = arith.subi %sub3A_229, %sub3A_1169 : i32
        %mul3A_1171 = arith.constant 16 : i32
        %mul3A_1172 = arith.muli %sub3A_1170, %mul3A_1171 : i32
        %add3A_1173 = arith.constant 65536 : i32
        %add3A_1174 = arith.addi %add3A_1173, %mul3A_1172 : i32
        %dma_wait3A_1175 = arith.constant 256 : i32
        %dma_wait3A_1176 = tpu.memref_slice %arg16[%dma_wait3A_1175] : memref<768xf32, #tpu.memory_space<vmem>> -> memref<128xf32, #tpu.memory_space<vmem>>
        %dma_wait3A_1177 = tpu.memref_slice %arg6[%add3A_1174] : memref<196608xf32, #tpu.memory_space<hbm>> -> memref<128xf32, #tpu.memory_space<hbm>>
        %dma_wait3A_1178 = tpu.memref_slice %arg6[%add3A_1174] : memref<196608xf32, #tpu.memory_space<hbm>> -> memref<128xf32, #tpu.memory_space<hbm>>
        %dma_wait3A_1179 = arith.constant 256 : i32
        %dma_wait3A_1180 = tpu.memref_slice %arg16[%dma_wait3A_1179] : memref<768xf32, #tpu.memory_space<vmem>> -> memref<128xf32, #tpu.memory_space<vmem>>
        tpu.wait_dma2 semaphore(%arg20 : memref<!tpu.dma_semaphore, #tpu.memory_space<semaphore_mem>>) src(%dma_wait3A_1180 : memref<128xf32, #tpu.memory_space<vmem>>) dst(%dma_wait3A_1178 : memref<128xf32, #tpu.memory_space<hbm>>)
        %sub3A_1181 = arith.constant 8 : i32
        %sub3A_1182 = arith.subi %sub3A_229, %sub3A_1181 : i32
        %mul3A_1183 = arith.constant 16 : i32
        %mul3A_1184 = arith.muli %sub3A_1182, %mul3A_1183 : i32
        %add3A_1185 = arith.constant 98304 : i32
        %add3A_1186 = arith.addi %add3A_1185, %mul3A_1184 : i32
        %dma_wait3A_1187 = arith.constant 384 : i32
        %dma_wait3A_1188 = tpu.memref_slice %arg16[%dma_wait3A_1187] : memref<768xf32, #tpu.memory_space<vmem>> -> memref<128xf32, #tpu.memory_space<vmem>>
        %dma_wait3A_1189 = tpu.memref_slice %arg6[%add3A_1186] : memref<196608xf32, #tpu.memory_space<hbm>> -> memref<128xf32, #tpu.memory_space<hbm>>
        %dma_wait3A_1190 = tpu.memref_slice %arg6[%add3A_1186] : memref<196608xf32, #tpu.memory_space<hbm>> -> memref<128xf32, #tpu.memory_space<hbm>>
        %dma_wait3A_1191 = arith.constant 384 : i32
        %dma_wait3A_1192 = tpu.memref_slice %arg16[%dma_wait3A_1191] : memref<768xf32, #tpu.memory_space<vmem>> -> memref<128xf32, #tpu.memory_space<vmem>>
        tpu.wait_dma2 semaphore(%arg20 : memref<!tpu.dma_semaphore, #tpu.memory_space<semaphore_mem>>) src(%dma_wait3A_1192 : memref<128xf32, #tpu.memory_space<vmem>>) dst(%dma_wait3A_1190 : memref<128xf32, #tpu.memory_space<hbm>>)
        %sub3A_1193 = arith.constant 8 : i32
        %sub3A_1194 = arith.subi %sub3A_229, %sub3A_1193 : i32
        %mul3A_1195 = arith.constant 16 : i32
        %mul3A_1196 = arith.muli %sub3A_1194, %mul3A_1195 : i32
        %add3A_1197 = arith.constant 131072 : i32
        %add3A_1198 = arith.addi %add3A_1197, %mul3A_1196 : i32
        %dma_wait3A_1199 = arith.constant 512 : i32
        %dma_wait3A_1200 = tpu.memref_slice %arg16[%dma_wait3A_1199] : memref<768xf32, #tpu.memory_space<vmem>> -> memref<128xf32, #tpu.memory_space<vmem>>
        %dma_wait3A_1201 = tpu.memref_slice %arg6[%add3A_1198] : memref<196608xf32, #tpu.memory_space<hbm>> -> memref<128xf32, #tpu.memory_space<hbm>>
        %dma_wait3A_1202 = tpu.memref_slice %arg6[%add3A_1198] : memref<196608xf32, #tpu.memory_space<hbm>> -> memref<128xf32, #tpu.memory_space<hbm>>
        %dma_wait3A_1203 = arith.constant 512 : i32
        %dma_wait3A_1204 = tpu.memref_slice %arg16[%dma_wait3A_1203] : memref<768xf32, #tpu.memory_space<vmem>> -> memref<128xf32, #tpu.memory_space<vmem>>
        tpu.wait_dma2 semaphore(%arg20 : memref<!tpu.dma_semaphore, #tpu.memory_space<semaphore_mem>>) src(%dma_wait3A_1204 : memref<128xf32, #tpu.memory_space<vmem>>) dst(%dma_wait3A_1202 : memref<128xf32, #tpu.memory_space<hbm>>)
        %sub3A_1205 = arith.constant 8 : i32
        %sub3A_1206 = arith.subi %sub3A_229, %sub3A_1205 : i32
        %mul3A_1207 = arith.constant 16 : i32
        %mul3A_1208 = arith.muli %sub3A_1206, %mul3A_1207 : i32
        %add3A_1209 = arith.constant 163840 : i32
        %add3A_1210 = arith.addi %add3A_1209, %mul3A_1208 : i32
        %dma_wait3A_1211 = arith.constant 640 : i32
        %dma_wait3A_1212 = tpu.memref_slice %arg16[%dma_wait3A_1211] : memref<768xf32, #tpu.memory_space<vmem>> -> memref<128xf32, #tpu.memory_space<vmem>>
        %dma_wait3A_1213 = tpu.memref_slice %arg6[%add3A_1210] : memref<196608xf32, #tpu.memory_space<hbm>> -> memref<128xf32, #tpu.memory_space<hbm>>
        %dma_wait3A_1214 = tpu.memref_slice %arg6[%add3A_1210] : memref<196608xf32, #tpu.memory_space<hbm>> -> memref<128xf32, #tpu.memory_space<hbm>>
        %dma_wait3A_1215 = arith.constant 640 : i32
        %dma_wait3A_1216 = tpu.memref_slice %arg16[%dma_wait3A_1215] : memref<768xf32, #tpu.memory_space<vmem>> -> memref<128xf32, #tpu.memory_space<vmem>>
        tpu.wait_dma2 semaphore(%arg20 : memref<!tpu.dma_semaphore, #tpu.memory_space<semaphore_mem>>) src(%dma_wait3A_1216 : memref<128xf32, #tpu.memory_space<vmem>>) dst(%dma_wait3A_1214 : memref<128xf32, #tpu.memory_space<hbm>>)
        %sub3A_1217 = arith.constant 8 : i32
        %sub3A_1218 = arith.subi %sub3A_229, %sub3A_1217 : i32
        %mul3A_1219 = arith.constant 32 : i32
        %mul3A_1220 = arith.muli %sub3A_1218, %mul3A_1219 : i32
        %add3A_1221 = arith.constant 0 : i32
        %add3A_1222 = arith.addi %add3A_1221, %mul3A_1220 : i32
        %dma_wait3A_1223 = arith.constant 0 : i32
        %dma_wait3A_1224 = tpu.memref_slice %arg17[%dma_wait3A_1223] : memref<1536xf32, #tpu.memory_space<vmem>> -> memref<256xf32, #tpu.memory_space<vmem>>
        %dma_wait3A_1225 = tpu.memref_slice %arg7[%add3A_1222] : memref<393216xf32, #tpu.memory_space<hbm>> -> memref<256xf32, #tpu.memory_space<hbm>>
        %dma_wait3A_1226 = tpu.memref_slice %arg7[%add3A_1222] : memref<393216xf32, #tpu.memory_space<hbm>> -> memref<256xf32, #tpu.memory_space<hbm>>
        %dma_wait3A_1227 = arith.constant 0 : i32
        %dma_wait3A_1228 = tpu.memref_slice %arg17[%dma_wait3A_1227] : memref<1536xf32, #tpu.memory_space<vmem>> -> memref<256xf32, #tpu.memory_space<vmem>>
        tpu.wait_dma2 semaphore(%arg20 : memref<!tpu.dma_semaphore, #tpu.memory_space<semaphore_mem>>) src(%dma_wait3A_1228 : memref<256xf32, #tpu.memory_space<vmem>>) dst(%dma_wait3A_1226 : memref<256xf32, #tpu.memory_space<hbm>>)
        %sub3A_1229 = arith.constant 8 : i32
        %sub3A_1230 = arith.subi %sub3A_229, %sub3A_1229 : i32
        %mul3A_1231 = arith.constant 32 : i32
        %mul3A_1232 = arith.muli %sub3A_1230, %mul3A_1231 : i32
        %add3A_1233 = arith.constant 65536 : i32
        %add3A_1234 = arith.addi %add3A_1233, %mul3A_1232 : i32
        %dma_wait3A_1235 = arith.constant 256 : i32
        %dma_wait3A_1236 = tpu.memref_slice %arg17[%dma_wait3A_1235] : memref<1536xf32, #tpu.memory_space<vmem>> -> memref<256xf32, #tpu.memory_space<vmem>>
        %dma_wait3A_1237 = tpu.memref_slice %arg7[%add3A_1234] : memref<393216xf32, #tpu.memory_space<hbm>> -> memref<256xf32, #tpu.memory_space<hbm>>
        %dma_wait3A_1238 = tpu.memref_slice %arg7[%add3A_1234] : memref<393216xf32, #tpu.memory_space<hbm>> -> memref<256xf32, #tpu.memory_space<hbm>>
        %dma_wait3A_1239 = arith.constant 256 : i32
        %dma_wait3A_1240 = tpu.memref_slice %arg17[%dma_wait3A_1239] : memref<1536xf32, #tpu.memory_space<vmem>> -> memref<256xf32, #tpu.memory_space<vmem>>
        tpu.wait_dma2 semaphore(%arg20 : memref<!tpu.dma_semaphore, #tpu.memory_space<semaphore_mem>>) src(%dma_wait3A_1240 : memref<256xf32, #tpu.memory_space<vmem>>) dst(%dma_wait3A_1238 : memref<256xf32, #tpu.memory_space<hbm>>)
        %sub3A_1241 = arith.constant 8 : i32
        %sub3A_1242 = arith.subi %sub3A_229, %sub3A_1241 : i32
        %mul3A_1243 = arith.constant 32 : i32
        %mul3A_1244 = arith.muli %sub3A_1242, %mul3A_1243 : i32
        %add3A_1245 = arith.constant 131072 : i32
        %add3A_1246 = arith.addi %add3A_1245, %mul3A_1244 : i32
        %dma_wait3A_1247 = arith.constant 512 : i32
        %dma_wait3A_1248 = tpu.memref_slice %arg17[%dma_wait3A_1247] : memref<1536xf32, #tpu.memory_space<vmem>> -> memref<256xf32, #tpu.memory_space<vmem>>
        %dma_wait3A_1249 = tpu.memref_slice %arg7[%add3A_1246] : memref<393216xf32, #tpu.memory_space<hbm>> -> memref<256xf32, #tpu.memory_space<hbm>>
        %dma_wait3A_1250 = tpu.memref_slice %arg7[%add3A_1246] : memref<393216xf32, #tpu.memory_space<hbm>> -> memref<256xf32, #tpu.memory_space<hbm>>
        %dma_wait3A_1251 = arith.constant 512 : i32
        %dma_wait3A_1252 = tpu.memref_slice %arg17[%dma_wait3A_1251] : memref<1536xf32, #tpu.memory_space<vmem>> -> memref<256xf32, #tpu.memory_space<vmem>>
        tpu.wait_dma2 semaphore(%arg20 : memref<!tpu.dma_semaphore, #tpu.memory_space<semaphore_mem>>) src(%dma_wait3A_1252 : memref<256xf32, #tpu.memory_space<vmem>>) dst(%dma_wait3A_1250 : memref<256xf32, #tpu.memory_space<hbm>>)
        %sub3A_1253 = arith.constant 8 : i32
        %sub3A_1254 = arith.subi %sub3A_229, %sub3A_1253 : i32
        %mul3A_1255 = arith.constant 32 : i32
        %mul3A_1256 = arith.muli %sub3A_1254, %mul3A_1255 : i32
        %add3A_1257 = arith.constant 196608 : i32
        %add3A_1258 = arith.addi %add3A_1257, %mul3A_1256 : i32
        %dma_wait3A_1259 = arith.constant 768 : i32
        %dma_wait3A_1260 = tpu.memref_slice %arg17[%dma_wait3A_1259] : memref<1536xf32, #tpu.memory_space<vmem>> -> memref<256xf32, #tpu.memory_space<vmem>>
        %dma_wait3A_1261 = tpu.memref_slice %arg7[%add3A_1258] : memref<393216xf32, #tpu.memory_space<hbm>> -> memref<256xf32, #tpu.memory_space<hbm>>
        %dma_wait3A_1262 = tpu.memref_slice %arg7[%add3A_1258] : memref<393216xf32, #tpu.memory_space<hbm>> -> memref<256xf32, #tpu.memory_space<hbm>>
        %dma_wait3A_1263 = arith.constant 768 : i32
        %dma_wait3A_1264 = tpu.memref_slice %arg17[%dma_wait3A_1263] : memref<1536xf32, #tpu.memory_space<vmem>> -> memref<256xf32, #tpu.memory_space<vmem>>
        tpu.wait_dma2 semaphore(%arg20 : memref<!tpu.dma_semaphore, #tpu.memory_space<semaphore_mem>>) src(%dma_wait3A_1264 : memref<256xf32, #tpu.memory_space<vmem>>) dst(%dma_wait3A_1262 : memref<256xf32, #tpu.memory_space<hbm>>)
        %sub3A_1265 = arith.constant 8 : i32
        %sub3A_1266 = arith.subi %sub3A_229, %sub3A_1265 : i32
        %mul3A_1267 = arith.constant 32 : i32
        %mul3A_1268 = arith.muli %sub3A_1266, %mul3A_1267 : i32
        %add3A_1269 = arith.constant 262144 : i32
        %add3A_1270 = arith.addi %add3A_1269, %mul3A_1268 : i32
        %dma_wait3A_1271 = arith.constant 1024 : i32
        %dma_wait3A_1272 = tpu.memref_slice %arg17[%dma_wait3A_1271] : memref<1536xf32, #tpu.memory_space<vmem>> -> memref<256xf32, #tpu.memory_space<vmem>>
        %dma_wait3A_1273 = tpu.memref_slice %arg7[%add3A_1270] : memref<393216xf32, #tpu.memory_space<hbm>> -> memref<256xf32, #tpu.memory_space<hbm>>
        %dma_wait3A_1274 = tpu.memref_slice %arg7[%add3A_1270] : memref<393216xf32, #tpu.memory_space<hbm>> -> memref<256xf32, #tpu.memory_space<hbm>>
        %dma_wait3A_1275 = arith.constant 1024 : i32
        %dma_wait3A_1276 = tpu.memref_slice %arg17[%dma_wait3A_1275] : memref<1536xf32, #tpu.memory_space<vmem>> -> memref<256xf32, #tpu.memory_space<vmem>>
        tpu.wait_dma2 semaphore(%arg20 : memref<!tpu.dma_semaphore, #tpu.memory_space<semaphore_mem>>) src(%dma_wait3A_1276 : memref<256xf32, #tpu.memory_space<vmem>>) dst(%dma_wait3A_1274 : memref<256xf32, #tpu.memory_space<hbm>>)
        %sub3A_1277 = arith.constant 8 : i32
        %sub3A_1278 = arith.subi %sub3A_229, %sub3A_1277 : i32
        %mul3A_1279 = arith.constant 32 : i32
        %mul3A_1280 = arith.muli %sub3A_1278, %mul3A_1279 : i32
        %add3A_1281 = arith.constant 327680 : i32
        %add3A_1282 = arith.addi %add3A_1281, %mul3A_1280 : i32
        %dma_wait3A_1283 = arith.constant 1280 : i32
        %dma_wait3A_1284 = tpu.memref_slice %arg17[%dma_wait3A_1283] : memref<1536xf32, #tpu.memory_space<vmem>> -> memref<256xf32, #tpu.memory_space<vmem>>
        %dma_wait3A_1285 = tpu.memref_slice %arg7[%add3A_1282] : memref<393216xf32, #tpu.memory_space<hbm>> -> memref<256xf32, #tpu.memory_space<hbm>>
        %dma_wait3A_1286 = tpu.memref_slice %arg7[%add3A_1282] : memref<393216xf32, #tpu.memory_space<hbm>> -> memref<256xf32, #tpu.memory_space<hbm>>
        %dma_wait3A_1287 = arith.constant 1280 : i32
        %dma_wait3A_1288 = tpu.memref_slice %arg17[%dma_wait3A_1287] : memref<1536xf32, #tpu.memory_space<vmem>> -> memref<256xf32, #tpu.memory_space<vmem>>
        tpu.wait_dma2 semaphore(%arg20 : memref<!tpu.dma_semaphore, #tpu.memory_space<semaphore_mem>>) src(%dma_wait3A_1288 : memref<256xf32, #tpu.memory_space<vmem>>) dst(%dma_wait3A_1286 : memref<256xf32, #tpu.memory_space<hbm>>)
        %sub3A_1289 = arith.constant 8 : i32
        %sub3A_1290 = arith.subi %sub3A_229, %sub3A_1289 : i32
        %mul3A_1291 = arith.constant 128 : i32
        %mul3A_1292 = arith.muli %sub3A_1290, %mul3A_1291 : i32
        %add3A_1293 = arith.constant 0 : i32
        %add3A_1294 = arith.addi %add3A_1293, %mul3A_1292 : i32
        %dma_wait3A_1295 = arith.constant 0 : i32
        %dma_wait3A_1296 = tpu.memref_slice %arg18[%dma_wait3A_1295] : memref<6144xf32, #tpu.memory_space<vmem>> -> memref<1024xf32, #tpu.memory_space<vmem>>
        %dma_wait3A_1297 = tpu.memref_slice %arg8[%add3A_1294] : memref<1572864xf32, #tpu.memory_space<hbm>> -> memref<1024xf32, #tpu.memory_space<hbm>>
        %dma_wait3A_1298 = tpu.memref_slice %arg8[%add3A_1294] : memref<1572864xf32, #tpu.memory_space<hbm>> -> memref<1024xf32, #tpu.memory_space<hbm>>
        %dma_wait3A_1299 = arith.constant 0 : i32
        %dma_wait3A_1300 = tpu.memref_slice %arg18[%dma_wait3A_1299] : memref<6144xf32, #tpu.memory_space<vmem>> -> memref<1024xf32, #tpu.memory_space<vmem>>
        tpu.wait_dma2 semaphore(%arg20 : memref<!tpu.dma_semaphore, #tpu.memory_space<semaphore_mem>>) src(%dma_wait3A_1300 : memref<1024xf32, #tpu.memory_space<vmem>>) dst(%dma_wait3A_1298 : memref<1024xf32, #tpu.memory_space<hbm>>)
        %sub3A_1301 = arith.constant 8 : i32
        %sub3A_1302 = arith.subi %sub3A_229, %sub3A_1301 : i32
        %mul3A_1303 = arith.constant 128 : i32
        %mul3A_1304 = arith.muli %sub3A_1302, %mul3A_1303 : i32
        %add3A_1305 = arith.constant 262144 : i32
        %add3A_1306 = arith.addi %add3A_1305, %mul3A_1304 : i32
        %dma_wait3A_1307 = arith.constant 1024 : i32
        %dma_wait3A_1308 = tpu.memref_slice %arg18[%dma_wait3A_1307] : memref<6144xf32, #tpu.memory_space<vmem>> -> memref<1024xf32, #tpu.memory_space<vmem>>
        %dma_wait3A_1309 = tpu.memref_slice %arg8[%add3A_1306] : memref<1572864xf32, #tpu.memory_space<hbm>> -> memref<1024xf32, #tpu.memory_space<hbm>>
        %dma_wait3A_1310 = tpu.memref_slice %arg8[%add3A_1306] : memref<1572864xf32, #tpu.memory_space<hbm>> -> memref<1024xf32, #tpu.memory_space<hbm>>
        %dma_wait3A_1311 = arith.constant 1024 : i32
        %dma_wait3A_1312 = tpu.memref_slice %arg18[%dma_wait3A_1311] : memref<6144xf32, #tpu.memory_space<vmem>> -> memref<1024xf32, #tpu.memory_space<vmem>>
        tpu.wait_dma2 semaphore(%arg20 : memref<!tpu.dma_semaphore, #tpu.memory_space<semaphore_mem>>) src(%dma_wait3A_1312 : memref<1024xf32, #tpu.memory_space<vmem>>) dst(%dma_wait3A_1310 : memref<1024xf32, #tpu.memory_space<hbm>>)
        %sub3A_1313 = arith.constant 8 : i32
        %sub3A_1314 = arith.subi %sub3A_229, %sub3A_1313 : i32
        %mul3A_1315 = arith.constant 128 : i32
        %mul3A_1316 = arith.muli %sub3A_1314, %mul3A_1315 : i32
        %add3A_1317 = arith.constant 524288 : i32
        %add3A_1318 = arith.addi %add3A_1317, %mul3A_1316 : i32
        %dma_wait3A_1319 = arith.constant 2048 : i32
        %dma_wait3A_1320 = tpu.memref_slice %arg18[%dma_wait3A_1319] : memref<6144xf32, #tpu.memory_space<vmem>> -> memref<1024xf32, #tpu.memory_space<vmem>>
        %dma_wait3A_1321 = tpu.memref_slice %arg8[%add3A_1318] : memref<1572864xf32, #tpu.memory_space<hbm>> -> memref<1024xf32, #tpu.memory_space<hbm>>
        %dma_wait3A_1322 = tpu.memref_slice %arg8[%add3A_1318] : memref<1572864xf32, #tpu.memory_space<hbm>> -> memref<1024xf32, #tpu.memory_space<hbm>>
        %dma_wait3A_1323 = arith.constant 2048 : i32
        %dma_wait3A_1324 = tpu.memref_slice %arg18[%dma_wait3A_1323] : memref<6144xf32, #tpu.memory_space<vmem>> -> memref<1024xf32, #tpu.memory_space<vmem>>
        tpu.wait_dma2 semaphore(%arg20 : memref<!tpu.dma_semaphore, #tpu.memory_space<semaphore_mem>>) src(%dma_wait3A_1324 : memref<1024xf32, #tpu.memory_space<vmem>>) dst(%dma_wait3A_1322 : memref<1024xf32, #tpu.memory_space<hbm>>)
        %sub3A_1325 = arith.constant 8 : i32
        %sub3A_1326 = arith.subi %sub3A_229, %sub3A_1325 : i32
        %mul3A_1327 = arith.constant 128 : i32
        %mul3A_1328 = arith.muli %sub3A_1326, %mul3A_1327 : i32
        %add3A_1329 = arith.constant 786432 : i32
        %add3A_1330 = arith.addi %add3A_1329, %mul3A_1328 : i32
        %dma_wait3A_1331 = arith.constant 3072 : i32
        %dma_wait3A_1332 = tpu.memref_slice %arg18[%dma_wait3A_1331] : memref<6144xf32, #tpu.memory_space<vmem>> -> memref<1024xf32, #tpu.memory_space<vmem>>
        %dma_wait3A_1333 = tpu.memref_slice %arg8[%add3A_1330] : memref<1572864xf32, #tpu.memory_space<hbm>> -> memref<1024xf32, #tpu.memory_space<hbm>>
        %dma_wait3A_1334 = tpu.memref_slice %arg8[%add3A_1330] : memref<1572864xf32, #tpu.memory_space<hbm>> -> memref<1024xf32, #tpu.memory_space<hbm>>
        %dma_wait3A_1335 = arith.constant 3072 : i32
        %dma_wait3A_1336 = tpu.memref_slice %arg18[%dma_wait3A_1335] : memref<6144xf32, #tpu.memory_space<vmem>> -> memref<1024xf32, #tpu.memory_space<vmem>>
        tpu.wait_dma2 semaphore(%arg20 : memref<!tpu.dma_semaphore, #tpu.memory_space<semaphore_mem>>) src(%dma_wait3A_1336 : memref<1024xf32, #tpu.memory_space<vmem>>) dst(%dma_wait3A_1334 : memref<1024xf32, #tpu.memory_space<hbm>>)
        %sub3A_1337 = arith.constant 8 : i32
        %sub3A_1338 = arith.subi %sub3A_229, %sub3A_1337 : i32
        %mul3A_1339 = arith.constant 128 : i32
        %mul3A_1340 = arith.muli %sub3A_1338, %mul3A_1339 : i32
        %add3A_1341 = arith.constant 1048576 : i32
        %add3A_1342 = arith.addi %add3A_1341, %mul3A_1340 : i32
        %dma_wait3A_1343 = arith.constant 4096 : i32
        %dma_wait3A_1344 = tpu.memref_slice %arg18[%dma_wait3A_1343] : memref<6144xf32, #tpu.memory_space<vmem>> -> memref<1024xf32, #tpu.memory_space<vmem>>
        %dma_wait3A_1345 = tpu.memref_slice %arg8[%add3A_1342] : memref<1572864xf32, #tpu.memory_space<hbm>> -> memref<1024xf32, #tpu.memory_space<hbm>>
        %dma_wait3A_1346 = tpu.memref_slice %arg8[%add3A_1342] : memref<1572864xf32, #tpu.memory_space<hbm>> -> memref<1024xf32, #tpu.memory_space<hbm>>
        %dma_wait3A_1347 = arith.constant 4096 : i32
        %dma_wait3A_1348 = tpu.memref_slice %arg18[%dma_wait3A_1347] : memref<6144xf32, #tpu.memory_space<vmem>> -> memref<1024xf32, #tpu.memory_space<vmem>>
        tpu.wait_dma2 semaphore(%arg20 : memref<!tpu.dma_semaphore, #tpu.memory_space<semaphore_mem>>) src(%dma_wait3A_1348 : memref<1024xf32, #tpu.memory_space<vmem>>) dst(%dma_wait3A_1346 : memref<1024xf32, #tpu.memory_space<hbm>>)
        %sub3A_1349 = arith.constant 8 : i32
        %sub3A_1350 = arith.subi %sub3A_229, %sub3A_1349 : i32
        %mul3A_1351 = arith.constant 128 : i32
        %mul3A_1352 = arith.muli %sub3A_1350, %mul3A_1351 : i32
        %add3A_1353 = arith.constant 1310720 : i32
        %add3A_1354 = arith.addi %add3A_1353, %mul3A_1352 : i32
        %dma_wait3A_1355 = arith.constant 5120 : i32
        %dma_wait3A_1356 = tpu.memref_slice %arg18[%dma_wait3A_1355] : memref<6144xf32, #tpu.memory_space<vmem>> -> memref<1024xf32, #tpu.memory_space<vmem>>
        %dma_wait3A_1357 = tpu.memref_slice %arg8[%add3A_1354] : memref<1572864xf32, #tpu.memory_space<hbm>> -> memref<1024xf32, #tpu.memory_space<hbm>>
        %dma_wait3A_1358 = tpu.memref_slice %arg8[%add3A_1354] : memref<1572864xf32, #tpu.memory_space<hbm>> -> memref<1024xf32, #tpu.memory_space<hbm>>
        %dma_wait3A_1359 = arith.constant 5120 : i32
        %dma_wait3A_1360 = tpu.memref_slice %arg18[%dma_wait3A_1359] : memref<6144xf32, #tpu.memory_space<vmem>> -> memref<1024xf32, #tpu.memory_space<vmem>>
        tpu.wait_dma2 semaphore(%arg20 : memref<!tpu.dma_semaphore, #tpu.memory_space<semaphore_mem>>) src(%dma_wait3A_1360 : memref<1024xf32, #tpu.memory_space<vmem>>) dst(%dma_wait3A_1358 : memref<1024xf32, #tpu.memory_space<hbm>>)
      } else {
      }
      %get3A = arith.index_cast %scan3A_223 : i32 to index
      %get3A_269 = tpu.vector_load %arg11[%get3A] {strides = array<i32>} : memref<80xi32, #tpu.memory_space<vmem>>, vector<16xi32>,
      %slice3A = vector.extract_strided_slice %get3A_269 {offsets = [0], sizes = [1], strides = [1]} : vector<16xi32> to vector<1xi32>
      %squeeze3A = vector.extract %slice3A[0] : i32 from vector<1xi32>
      %add3A_270 = vector.broadcast %squeeze3A : i32 to vector<16xi32>
      %add3A_271 = arith.addi %broadcast_in_dim3A_23, %add3A_270 : vector<16xi32>
      %mul3A_272 = arith.constant 8 : i32
      %mul3A_273 = arith.muli %add3A_224, %mul3A_272 : i32
      %dma_wait3A_274 = arith.constant 0 : i32
      %dma_wait3A_275 = tpu.memref_slice %arg12[%dma_wait3A_274] : memref<16xf32, #tpu.memory_space<vmem>> -> memref<8xf32, #tpu.memory_space<vmem>>
      %dma_wait3A_276 = tpu.memref_slice %arg5[%mul3A_273] : memref<16384xf32, #tpu.memory_space<hbm>> -> memref<8xf32, #tpu.memory_space<hbm>>
      %dma_wait3A_277 = arith.constant 0 : i32
      %dma_wait3A_278 = tpu.memref_slice %arg12[%dma_wait3A_277] : memref<16xf32, #tpu.memory_space<vmem>> -> memref<8xf32, #tpu.memory_space<vmem>>
      %dma_wait3A_279 = tpu.memref_slice %arg5[%mul3A_273] : memref<16384xf32, #tpu.memory_space<hbm>> -> memref<8xf32, #tpu.memory_space<hbm>>
      tpu.wait_dma2 semaphore(%arg21 : memref<!tpu.dma_semaphore, #tpu.memory_space<semaphore_mem>>) src(%dma_wait3A_279 : memref<8xf32, #tpu.memory_space<hbm>>) dst(%dma_wait3A_278 : memref<8xf32, #tpu.memory_space<vmem>>)
      %get3A_280 = arith.constant 0 : index
      %get3A_281 = tpu.vector_load %arg12[%get3A_280] {strides = array<i32>} : memref<16xf32, #tpu.memory_space<vmem>>, vector<16xf32>,
      %slice3A_282 = vector.extract_strided_slice %get3A_281 {offsets = [0], sizes = [1], strides = [1]} : vector<16xf32> to vector<1xf32>
      %squeeze3A_283 = vector.extract %slice3A_282[0] : f32 from vector<1xf32>
      %slice3A_284 = vector.extract_strided_slice %get3A_281 {offsets = [1], sizes = [1], strides = [1]} : vector<16xf32> to vector<1xf32>
      %squeeze3A_285 = vector.extract %slice3A_284[0] : f32 from vector<1xf32>
      %slice3A_286 = vector.extract_strided_slice %get3A_281 {offsets = [2], sizes = [1], strides = [1]} : vector<16xf32> to vector<1xf32>
      %squeeze3A_287 = vector.extract %slice3A_286[0] : f32 from vector<1xf32>
      %mul3A_288 = arith.constant 16 : i32
      %mul3A_289 = arith.muli %rem3A_228, %mul3A_288 : i32
      %add3A_290 = arith.constant 0 : i32
      %add3A_291 = vector.broadcast %add3A_290 : i32 to vector<16xi32>
      %add3A_292 = arith.addi %iota3A, %add3A_291 : vector<16xi32>
      %get3A_293 = arith.constant 0 : index
      %get3A_294 = tpu.vector_load %arg13[%get3A_293] {strides = array<i32>} : memref<32xi32, #tpu.memory_space<vmem>>, vector<16xi32>,
      %lt3A_295 = vector.broadcast %scan3A_261#0 : i32 to vector<16xi32>
      %lt3A_296 = arith.cmpi slt, %add3A_292, %lt3A_295 : vector<16xi32>
      %select_n3A_297 = arith.select %lt3A_296, %get3A_294, %add3A_271 : vector<16xi1>, vector<16xi32>
      %mul3A_298 = arith.constant 6 : i32
      %mul3A_299 = vector.broadcast %mul3A_298 : i32 to vector<16xi32>
      %mul3A_300 = arith.muli %select_n3A_297, %mul3A_299 : vector<16xi32>
      %add3A_301 = arith.constant 0 : i32
      %add3A_302 = vector.broadcast %add3A_301 : i32 to vector<16xi32>
      %add3A_303 = arith.addi %mul3A_300, %add3A_302 : vector<16xi32>
      %gather3A = tpu.vector_load_idx %arg9[%add3A_303] : memref<24576xf32, #tpu.memory_space<vmem>>[vector<16xi32>], vector<16xf32>,
      %sub3A_304 = vector.broadcast %squeeze3A_283 : f32 to vector<16xf32>
      %sub3A_305 = arith.subf %gather3A, %sub3A_304 : vector<16xf32>
      %add3A_306 = arith.constant 0 : i32
      %add3A_307 = arith.addi %mul3A_289, %add3A_306 : i32
      %add3A_308 = arith.constant 0 : i32
      %add3A_309 = arith.addi %add3A_307, %add3A_308 : i32
      %add3A_310 = vector.broadcast %add3A_309 : i32 to vector<16xi32>
      %add3A_311 = arith.addi %iota3A, %add3A_310 : vector<16xi32>
      tpu.vector_store_idx %arg16[%add3A_311], %sub3A_305 : memref<768xf32, #tpu.memory_space<vmem>>[vector<16xi32>], vector<16xf32>,
      %add3A_312 = arith.constant 1 : i32
      %add3A_313 = vector.broadcast %add3A_312 : i32 to vector<16xi32>
      %add3A_314 = arith.addi %mul3A_300, %add3A_313 : vector<16xi32>
      %gather3A_315 = tpu.vector_load_idx %arg9[%add3A_314] : memref<24576xf32, #tpu.memory_space<vmem>>[vector<16xi32>], vector<16xf32>,
      %sub3A_316 = vector.broadcast %squeeze3A_285 : f32 to vector<16xf32>
      %sub3A_317 = arith.subf %gather3A_315, %sub3A_316 : vector<16xf32>
      %add3A_318 = arith.constant 128 : i32
      %add3A_319 = arith.addi %mul3A_289, %add3A_318 : i32
      %add3A_320 = arith.constant 0 : i32
      %add3A_321 = arith.addi %add3A_319, %add3A_320 : i32
      %add3A_322 = vector.broadcast %add3A_321 : i32 to vector<16xi32>
      %add3A_323 = arith.addi %iota3A, %add3A_322 : vector<16xi32>
      tpu.vector_store_idx %arg16[%add3A_323], %sub3A_317 : memref<768xf32, #tpu.memory_space<vmem>>[vector<16xi32>], vector<16xf32>,
      %add3A_324 = arith.constant 2 : i32
      %add3A_325 = vector.broadcast %add3A_324 : i32 to vector<16xi32>
      %add3A_326 = arith.addi %mul3A_300, %add3A_325 : vector<16xi32>
      %gather3A_327 = tpu.vector_load_idx %arg9[%add3A_326] : memref<24576xf32, #tpu.memory_space<vmem>>[vector<16xi32>], vector<16xf32>,
      %sub3A_328 = vector.broadcast %squeeze3A_287 : f32 to vector<16xf32>
      %sub3A_329 = arith.subf %gather3A_327, %sub3A_328 : vector<16xf32>
      %add3A_330 = arith.constant 256 : i32
      %add3A_331 = arith.addi %mul3A_289, %add3A_330 : i32
      %add3A_332 = arith.constant 0 : i32
      %add3A_333 = arith.addi %add3A_331, %add3A_332 : i32
      %add3A_334 = vector.broadcast %add3A_333 : i32 to vector<16xi32>
      %add3A_335 = arith.addi %iota3A, %add3A_334 : vector<16xi32>
      tpu.vector_store_idx %arg16[%add3A_335], %sub3A_329 : memref<768xf32, #tpu.memory_space<vmem>>[vector<16xi32>], vector<16xf32>,
      %add3A_336 = arith.constant 3 : i32
      %add3A_337 = vector.broadcast %add3A_336 : i32 to vector<16xi32>
      %add3A_338 = arith.addi %mul3A_300, %add3A_337 : vector<16xi32>
      %gather3A_339 = tpu.vector_load_idx %arg9[%add3A_338] : memref<24576xf32, #tpu.memory_space<vmem>>[vector<16xi32>], vector<16xf32>,
      %add3A_340 = arith.constant 384 : i32
      %add3A_341 = arith.addi %mul3A_289, %add3A_340 : i32
      %add3A_342 = arith.constant 0 : i32
      %add3A_343 = arith.addi %add3A_341, %add3A_342 : i32
      %add3A_344 = vector.broadcast %add3A_343 : i32 to vector<16xi32>
      %add3A_345 = arith.addi %iota3A, %add3A_344 : vector<16xi32>
      tpu.vector_store_idx %arg16[%add3A_345], %gather3A_339 : memref<768xf32, #tpu.memory_space<vmem>>[vector<16xi32>], vector<16xf32>,
      %add3A_346 = arith.constant 4 : i32
      %add3A_347 = vector.broadcast %add3A_346 : i32 to vector<16xi32>
      %add3A_348 = arith.addi %mul3A_300, %add3A_347 : vector<16xi32>
      %gather3A_349 = tpu.vector_load_idx %arg9[%add3A_348] : memref<24576xf32, #tpu.memory_space<vmem>>[vector<16xi32>], vector<16xf32>,
      %add3A_350 = arith.constant 512 : i32
      %add3A_351 = arith.addi %mul3A_289, %add3A_350 : i32
      %add3A_352 = arith.constant 0 : i32
      %add3A_353 = arith.addi %add3A_351, %add3A_352 : i32
      %add3A_354 = vector.broadcast %add3A_353 : i32 to vector<16xi32>
      %add3A_355 = arith.addi %iota3A, %add3A_354 : vector<16xi32>
      tpu.vector_store_idx %arg16[%add3A_355], %gather3A_349 : memref<768xf32, #tpu.memory_space<vmem>>[vector<16xi32>], vector<16xf32>,
      %add3A_356 = arith.constant 5 : i32
      %add3A_357 = vector.broadcast %add3A_356 : i32 to vector<16xi32>
      %add3A_358 = arith.addi %mul3A_300, %add3A_357 : vector<16xi32>
      %gather3A_359 = tpu.vector_load_idx %arg9[%add3A_358] : memref<24576xf32, #tpu.memory_space<vmem>>[vector<16xi32>], vector<16xf32>,
      %add3A_360 = arith.constant 640 : i32
      %add3A_361 = arith.addi %mul3A_289, %add3A_360 : i32
      %add3A_362 = arith.constant 0 : i32
      %add3A_363 = arith.addi %add3A_361, %add3A_362 : i32
      %add3A_364 = vector.broadcast %add3A_363 : i32 to vector<16xi32>
      %add3A_365 = arith.addi %iota3A, %add3A_364 : vector<16xi32>
      tpu.vector_store_idx %arg16[%add3A_365], %gather3A_359 : memref<768xf32, #tpu.memory_space<vmem>>[vector<16xi32>], vector<16xf32>,
      %mul3A_366 = arith.constant 32 : i32
      %mul3A_367 = arith.muli %rem3A_228, %mul3A_366 : i32
      %add3A_368 = arith.constant 0 : i32
      %add3A_369 = vector.broadcast %add3A_368 : i32 to vector<16xi32>
      %add3A_370 = arith.addi %iota3A, %add3A_369 : vector<16xi32>
      %get3A_371 = arith.constant 0 : index
      %get3A_372 = tpu.vector_load %arg14[%get3A_371] {strides = array<i32>} : memref<48xi32, #tpu.memory_space<vmem>>, vector<16xi32>,
      %lt3A_373 = vector.broadcast %scan3A_261#1 : i32 to vector<16xi32>
      %lt3A_374 = arith.cmpi slt, %add3A_370, %lt3A_373 : vector<16xi32>
      %select_n3A_375 = arith.select %lt3A_374, %get3A_372, %add3A_271 : vector<16xi1>, vector<16xi32>
      %mul3A_376 = arith.constant 6 : i32
      %mul3A_377 = vector.broadcast %mul3A_376 : i32 to vector<16xi32>
      %mul3A_378 = arith.muli %select_n3A_375, %mul3A_377 : vector<16xi32>
      %add3A_379 = arith.constant 0 : i32
      %add3A_380 = vector.broadcast %add3A_379 : i32 to vector<16xi32>
      %add3A_381 = arith.addi %mul3A_378, %add3A_380 : vector<16xi32>
      %gather3A_382 = tpu.vector_load_idx %arg9[%add3A_381] : memref<24576xf32, #tpu.memory_space<vmem>>[vector<16xi32>], vector<16xf32>,
      %sub3A_383 = vector.broadcast %squeeze3A_283 : f32 to vector<16xf32>
      %sub3A_384 = arith.subf %gather3A_382, %sub3A_383 : vector<16xf32>
      %add3A_385 = arith.constant 0 : i32
      %add3A_386 = arith.addi %mul3A_367, %add3A_385 : i32
      %add3A_387 = arith.constant 0 : i32
      %add3A_388 = arith.addi %add3A_386, %add3A_387 : i32
      %add3A_389 = vector.broadcast %add3A_388 : i32 to vector<16xi32>
      %add3A_390 = arith.addi %iota3A, %add3A_389 : vector<16xi32>
      tpu.vector_store_idx %arg17[%add3A_390], %sub3A_384 : memref<1536xf32, #tpu.memory_space<vmem>>[vector<16xi32>], vector<16xf32>,
      %add3A_391 = arith.constant 1 : i32
      %add3A_392 = vector.broadcast %add3A_391 : i32 to vector<16xi32>
      %add3A_393 = arith.addi %mul3A_378, %add3A_392 : vector<16xi32>
      %gather3A_394 = tpu.vector_load_idx %arg9[%add3A_393] : memref<24576xf32, #tpu.memory_space<vmem>>[vector<16xi32>], vector<16xf32>,
      %sub3A_395 = vector.broadcast %squeeze3A_285 : f32 to vector<16xf32>
      %sub3A_396 = arith.subf %gather3A_394, %sub3A_395 : vector<16xf32>
      %add3A_397 = arith.constant 256 : i32
      %add3A_398 = arith.addi %mul3A_367, %add3A_397 : i32
      %add3A_399 = arith.constant 0 : i32
      %add3A_400 = arith.addi %add3A_398, %add3A_399 : i32
      %add3A_401 = vector.broadcast %add3A_400 : i32 to vector<16xi32>
      %add3A_402 = arith.addi %iota3A, %add3A_401 : vector<16xi32>
      tpu.vector_store_idx %arg17[%add3A_402], %sub3A_396 : memref<1536xf32, #tpu.memory_space<vmem>>[vector<16xi32>], vector<16xf32>,
      %add3A_403 = arith.constant 2 : i32
      %add3A_404 = vector.broadcast %add3A_403 : i32 to vector<16xi32>
      %add3A_405 = arith.addi %mul3A_378, %add3A_404 : vector<16xi32>
      %gather3A_406 = tpu.vector_load_idx %arg9[%add3A_405] : memref<24576xf32, #tpu.memory_space<vmem>>[vector<16xi32>], vector<16xf32>,
      %sub3A_407 = vector.broadcast %squeeze3A_287 : f32 to vector<16xf32>
      %sub3A_408 = arith.subf %gather3A_406, %sub3A_407 : vector<16xf32>
      %add3A_409 = arith.constant 512 : i32
      %add3A_410 = arith.addi %mul3A_367, %add3A_409 : i32
      %add3A_411 = arith.constant 0 : i32
      %add3A_412 = arith.addi %add3A_410, %add3A_411 : i32
      %add3A_413 = vector.broadcast %add3A_412 : i32 to vector<16xi32>
      %add3A_414 = arith.addi %iota3A, %add3A_413 : vector<16xi32>
      tpu.vector_store_idx %arg17[%add3A_414], %sub3A_408 : memref<1536xf32, #tpu.memory_space<vmem>>[vector<16xi32>], vector<16xf32>,
      %add3A_415 = arith.constant 3 : i32
      %add3A_416 = vector.broadcast %add3A_415 : i32 to vector<16xi32>
      %add3A_417 = arith.addi %mul3A_378, %add3A_416 : vector<16xi32>
      %gather3A_418 = tpu.vector_load_idx %arg9[%add3A_417] : memref<24576xf32, #tpu.memory_space<vmem>>[vector<16xi32>], vector<16xf32>,
      %add3A_419 = arith.constant 768 : i32
      %add3A_420 = arith.addi %mul3A_367, %add3A_419 : i32
      %add3A_421 = arith.constant 0 : i32
      %add3A_422 = arith.addi %add3A_420, %add3A_421 : i32
      %add3A_423 = vector.broadcast %add3A_422 : i32 to vector<16xi32>
      %add3A_424 = arith.addi %iota3A, %add3A_423 : vector<16xi32>
      tpu.vector_store_idx %arg17[%add3A_424], %gather3A_418 : memref<1536xf32, #tpu.memory_space<vmem>>[vector<16xi32>], vector<16xf32>,
      %add3A_425 = arith.constant 4 : i32
      %add3A_426 = vector.broadcast %add3A_425 : i32 to vector<16xi32>
      %add3A_427 = arith.addi %mul3A_378, %add3A_426 : vector<16xi32>
      %gather3A_428 = tpu.vector_load_idx %arg9[%add3A_427] : memref<24576xf32, #tpu.memory_space<vmem>>[vector<16xi32>], vector<16xf32>,
      %add3A_429 = arith.constant 1024 : i32
      %add3A_430 = arith.addi %mul3A_367, %add3A_429 : i32
      %add3A_431 = arith.constant 0 : i32
      %add3A_432 = arith.addi %add3A_430, %add3A_431 : i32
      %add3A_433 = vector.broadcast %add3A_432 : i32 to vector<16xi32>
      %add3A_434 = arith.addi %iota3A, %add3A_433 : vector<16xi32>
      tpu.vector_store_idx %arg17[%add3A_434], %gather3A_428 : memref<1536xf32, #tpu.memory_space<vmem>>[vector<16xi32>], vector<16xf32>,
      %add3A_435 = arith.constant 5 : i32
      %add3A_436 = vector.broadcast %add3A_435 : i32 to vector<16xi32>
      %add3A_437 = arith.addi %mul3A_378, %add3A_436 : vector<16xi32>
      %gather3A_438 = tpu.vector_load_idx %arg9[%add3A_437] : memref<24576xf32, #tpu.memory_space<vmem>>[vector<16xi32>], vector<16xf32>,
      %add3A_439 = arith.constant 1280 : i32
      %add3A_440 = arith.addi %mul3A_367, %add3A_439 : i32
      %add3A_441 = arith.constant 0 : i32
      %add3A_442 = arith.addi %add3A_440, %add3A_441 : i32
      %add3A_443 = vector.broadcast %add3A_442 : i32 to vector<16xi32>
      %add3A_444 = arith.addi %iota3A, %add3A_443 : vector<16xi32>
      tpu.vector_store_idx %arg17[%add3A_444], %gather3A_438 : memref<1536xf32, #tpu.memory_space<vmem>>[vector<16xi32>], vector<16xf32>,
      %add3A_445 = arith.constant 16 : i32
      %add3A_446 = vector.broadcast %add3A_445 : i32 to vector<16xi32>
      %add3A_447 = arith.addi %iota3A, %add3A_446 : vector<16xi32>
      %get3A_448 = arith.constant 16 : index
      %get3A_449 = tpu.vector_load %arg14[%get3A_448] {strides = array<i32>} : memref<48xi32, #tpu.memory_space<vmem>>, vector<16xi32>,
      %lt3A_450 = vector.broadcast %scan3A_261#1 : i32 to vector<16xi32>
      %lt3A_451 = arith.cmpi slt, %add3A_447, %lt3A_450 : vector<16xi32>
      %select_n3A_452 = arith.select %lt3A_451, %get3A_449, %add3A_271 : vector<16xi1>, vector<16xi32>
      %mul3A_453 = arith.constant 6 : i32
      %mul3A_454 = vector.broadcast %mul3A_453 : i32 to vector<16xi32>
      %mul3A_455 = arith.muli %select_n3A_452, %mul3A_454 : vector<16xi32>
      %add3A_456 = arith.constant 0 : i32
      %add3A_457 = vector.broadcast %add3A_456 : i32 to vector<16xi32>
      %add3A_458 = arith.addi %mul3A_455, %add3A_457 : vector<16xi32>
      %gather3A_459 = tpu.vector_load_idx %arg9[%add3A_458] : memref<24576xf32, #tpu.memory_space<vmem>>[vector<16xi32>], vector<16xf32>,
      %sub3A_460 = vector.broadcast %squeeze3A_283 : f32 to vector<16xf32>
      %sub3A_461 = arith.subf %gather3A_459, %sub3A_460 : vector<16xf32>
      %add3A_462 = arith.constant 0 : i32
      %add3A_463 = arith.addi %mul3A_367, %add3A_462 : i32
      %add3A_464 = arith.constant 16 : i32
      %add3A_465 = arith.addi %add3A_463, %add3A_464 : i32
      %add3A_466 = vector.broadcast %add3A_465 : i32 to vector<16xi32>
      %add3A_467 = arith.addi %iota3A, %add3A_466 : vector<16xi32>
      tpu.vector_store_idx %arg17[%add3A_467], %sub3A_461 : memref<1536xf32, #tpu.memory_space<vmem>>[vector<16xi32>], vector<16xf32>,
      %add3A_468 = arith.constant 1 : i32
      %add3A_469 = vector.broadcast %add3A_468 : i32 to vector<16xi32>
      %add3A_470 = arith.addi %mul3A_455, %add3A_469 : vector<16xi32>
      %gather3A_471 = tpu.vector_load_idx %arg9[%add3A_470] : memref<24576xf32, #tpu.memory_space<vmem>>[vector<16xi32>], vector<16xf32>,
      %sub3A_472 = vector.broadcast %squeeze3A_285 : f32 to vector<16xf32>
      %sub3A_473 = arith.subf %gather3A_471, %sub3A_472 : vector<16xf32>
      %add3A_474 = arith.constant 256 : i32
      %add3A_475 = arith.addi %mul3A_367, %add3A_474 : i32
      %add3A_476 = arith.constant 16 : i32
      %add3A_477 = arith.addi %add3A_475, %add3A_476 : i32
      %add3A_478 = vector.broadcast %add3A_477 : i32 to vector<16xi32>
      %add3A_479 = arith.addi %iota3A, %add3A_478 : vector<16xi32>
      tpu.vector_store_idx %arg17[%add3A_479], %sub3A_473 : memref<1536xf32, #tpu.memory_space<vmem>>[vector<16xi32>], vector<16xf32>,
      %add3A_480 = arith.constant 2 : i32
      %add3A_481 = vector.broadcast %add3A_480 : i32 to vector<16xi32>
      %add3A_482 = arith.addi %mul3A_455, %add3A_481 : vector<16xi32>
      %gather3A_483 = tpu.vector_load_idx %arg9[%add3A_482] : memref<24576xf32, #tpu.memory_space<vmem>>[vector<16xi32>], vector<16xf32>,
      %sub3A_484 = vector.broadcast %squeeze3A_287 : f32 to vector<16xf32>
      %sub3A_485 = arith.subf %gather3A_483, %sub3A_484 : vector<16xf32>
      %add3A_486 = arith.constant 512 : i32
      %add3A_487 = arith.addi %mul3A_367, %add3A_486 : i32
      %add3A_488 = arith.constant 16 : i32
      %add3A_489 = arith.addi %add3A_487, %add3A_488 : i32
      %add3A_490 = vector.broadcast %add3A_489 : i32 to vector<16xi32>
      %add3A_491 = arith.addi %iota3A, %add3A_490 : vector<16xi32>
      tpu.vector_store_idx %arg17[%add3A_491], %sub3A_485 : memref<1536xf32, #tpu.memory_space<vmem>>[vector<16xi32>], vector<16xf32>,
      %add3A_492 = arith.constant 3 : i32
      %add3A_493 = vector.broadcast %add3A_492 : i32 to vector<16xi32>
      %add3A_494 = arith.addi %mul3A_455, %add3A_493 : vector<16xi32>
      %gather3A_495 = tpu.vector_load_idx %arg9[%add3A_494] : memref<24576xf32, #tpu.memory_space<vmem>>[vector<16xi32>], vector<16xf32>,
      %add3A_496 = arith.constant 768 : i32
      %add3A_497 = arith.addi %mul3A_367, %add3A_496 : i32
      %add3A_498 = arith.constant 16 : i32
      %add3A_499 = arith.addi %add3A_497, %add3A_498 : i32
      %add3A_500 = vector.broadcast %add3A_499 : i32 to vector<16xi32>
      %add3A_501 = arith.addi %iota3A, %add3A_500 : vector<16xi32>
      tpu.vector_store_idx %arg17[%add3A_501], %gather3A_495 : memref<1536xf32, #tpu.memory_space<vmem>>[vector<16xi32>], vector<16xf32>,
      %add3A_502 = arith.constant 4 : i32
      %add3A_503 = vector.broadcast %add3A_502 : i32 to vector<16xi32>
      %add3A_504 = arith.addi %mul3A_455, %add3A_503 : vector<16xi32>
      %gather3A_505 = tpu.vector_load_idx %arg9[%add3A_504] : memref<24576xf32, #tpu.memory_space<vmem>>[vector<16xi32>], vector<16xf32>,
      %add3A_506 = arith.constant 1024 : i32
      %add3A_507 = arith.addi %mul3A_367, %add3A_506 : i32
      %add3A_508 = arith.constant 16 : i32
      %add3A_509 = arith.addi %add3A_507, %add3A_508 : i32
      %add3A_510 = vector.broadcast %add3A_509 : i32 to vector<16xi32>
      %add3A_511 = arith.addi %iota3A, %add3A_510 : vector<16xi32>
      tpu.vector_store_idx %arg17[%add3A_511], %gather3A_505 : memref<1536xf32, #tpu.memory_space<vmem>>[vector<16xi32>], vector<16xf32>,
      %add3A_512 = arith.constant 5 : i32
      %add3A_513 = vector.broadcast %add3A_512 : i32 to vector<16xi32>
      %add3A_514 = arith.addi %mul3A_455, %add3A_513 : vector<16xi32>
      %gather3A_515 = tpu.vector_load_idx %arg9[%add3A_514] : memref<24576xf32, #tpu.memory_space<vmem>>[vector<16xi32>], vector<16xf32>,
      %add3A_516 = arith.constant 1280 : i32
      %add3A_517 = arith.addi %mul3A_367, %add3A_516 : i32
      %add3A_518 = arith.constant 16 : i32
      %add3A_519 = arith.addi %add3A_517, %add3A_518 : i32
      %add3A_520 = vector.broadcast %add3A_519 : i32 to vector<16xi32>
      %add3A_521 = arith.addi %iota3A, %add3A_520 : vector<16xi32>
      tpu.vector_store_idx %arg17[%add3A_521], %gather3A_515 : memref<1536xf32, #tpu.memory_space<vmem>>[vector<16xi32>], vector<16xf32>,
      %mul3A_522 = arith.constant 128 : i32
      %mul3A_523 = arith.muli %rem3A_228, %mul3A_522 : i32
      %add3A_524 = arith.constant 0 : i32
      %add3A_525 = vector.broadcast %add3A_524 : i32 to vector<16xi32>
      %add3A_526 = arith.addi %iota3A, %add3A_525 : vector<16xi32>
      %get3A_527 = arith.constant 0 : index
      %get3A_528 = tpu.vector_load %arg15[%get3A_527] {strides = array<i32>} : memref<144xi32, #tpu.memory_space<vmem>>, vector<16xi32>,
      %lt3A_529 = vector.broadcast %scan3A_261#2 : i32 to vector<16xi32>
      %lt3A_530 = arith.cmpi slt, %add3A_526, %lt3A_529 : vector<16xi32>
      %select_n3A_531 = arith.select %lt3A_530, %get3A_528, %add3A_271 : vector<16xi1>, vector<16xi32>
      %mul3A_532 = arith.constant 6 : i32
      %mul3A_533 = vector.broadcast %mul3A_532 : i32 to vector<16xi32>
      %mul3A_534 = arith.muli %select_n3A_531, %mul3A_533 : vector<16xi32>
      %add3A_535 = arith.constant 0 : i32
      %add3A_536 = vector.broadcast %add3A_535 : i32 to vector<16xi32>
      %add3A_537 = arith.addi %mul3A_534, %add3A_536 : vector<16xi32>
      %gather3A_538 = tpu.vector_load_idx %arg9[%add3A_537] : memref<24576xf32, #tpu.memory_space<vmem>>[vector<16xi32>], vector<16xf32>,
      %sub3A_539 = vector.broadcast %squeeze3A_283 : f32 to vector<16xf32>
      %sub3A_540 = arith.subf %gather3A_538, %sub3A_539 : vector<16xf32>
      %add3A_541 = arith.constant 0 : i32
      %add3A_542 = arith.addi %mul3A_523, %add3A_541 : i32
      %add3A_543 = arith.constant 0 : i32
      %add3A_544 = arith.addi %add3A_542, %add3A_543 : i32
      %add3A_545 = vector.broadcast %add3A_544 : i32 to vector<16xi32>
      %add3A_546 = arith.addi %iota3A, %add3A_545 : vector<16xi32>
      tpu.vector_store_idx %arg18[%add3A_546], %sub3A_540 : memref<6144xf32, #tpu.memory_space<vmem>>[vector<16xi32>], vector<16xf32>,
      %add3A_547 = arith.constant 1 : i32
      %add3A_548 = vector.broadcast %add3A_547 : i32 to vector<16xi32>
      %add3A_549 = arith.addi %mul3A_534, %add3A_548 : vector<16xi32>
      %gather3A_550 = tpu.vector_load_idx %arg9[%add3A_549] : memref<24576xf32, #tpu.memory_space<vmem>>[vector<16xi32>], vector<16xf32>,
      %sub3A_551 = vector.broadcast %squeeze3A_285 : f32 to vector<16xf32>
      %sub3A_552 = arith.subf %gather3A_550, %sub3A_551 : vector<16xf32>
      %add3A_553 = arith.constant 1024 : i32
      %add3A_554 = arith.addi %mul3A_523, %add3A_553 : i32
      %add3A_555 = arith.constant 0 : i32
      %add3A_556 = arith.addi %add3A_554, %add3A_555 : i32
      %add3A_557 = vector.broadcast %add3A_556 : i32 to vector<16xi32>
      %add3A_558 = arith.addi %iota3A, %add3A_557 : vector<16xi32>
      tpu.vector_store_idx %arg18[%add3A_558], %sub3A_552 : memref<6144xf32, #tpu.memory_space<vmem>>[vector<16xi32>], vector<16xf32>,
      %add3A_559 = arith.constant 2 : i32
      %add3A_560 = vector.broadcast %add3A_559 : i32 to vector<16xi32>
      %add3A_561 = arith.addi %mul3A_534, %add3A_560 : vector<16xi32>
      %gather3A_562 = tpu.vector_load_idx %arg9[%add3A_561] : memref<24576xf32, #tpu.memory_space<vmem>>[vector<16xi32>], vector<16xf32>,
      %sub3A_563 = vector.broadcast %squeeze3A_287 : f32 to vector<16xf32>
      %sub3A_564 = arith.subf %gather3A_562, %sub3A_563 : vector<16xf32>
      %add3A_565 = arith.constant 2048 : i32
      %add3A_566 = arith.addi %mul3A_523, %add3A_565 : i32
      %add3A_567 = arith.constant 0 : i32
      %add3A_568 = arith.addi %add3A_566, %add3A_567 : i32
      %add3A_569 = vector.broadcast %add3A_568 : i32 to vector<16xi32>
      %add3A_570 = arith.addi %iota3A, %add3A_569 : vector<16xi32>
      tpu.vector_store_idx %arg18[%add3A_570], %sub3A_564 : memref<6144xf32, #tpu.memory_space<vmem>>[vector<16xi32>], vector<16xf32>,
      %add3A_571 = arith.constant 3 : i32
      %add3A_572 = vector.broadcast %add3A_571 : i32 to vector<16xi32>
      %add3A_573 = arith.addi %mul3A_534, %add3A_572 : vector<16xi32>
      %gather3A_574 = tpu.vector_load_idx %arg9[%add3A_573] : memref<24576xf32, #tpu.memory_space<vmem>>[vector<16xi32>], vector<16xf32>,
      %add3A_575 = arith.constant 3072 : i32
      %add3A_576 = arith.addi %mul3A_523, %add3A_575 : i32
      %add3A_577 = arith.constant 0 : i32
      %add3A_578 = arith.addi %add3A_576, %add3A_577 : i32
      %add3A_579 = vector.broadcast %add3A_578 : i32 to vector<16xi32>
      %add3A_580 = arith.addi %iota3A, %add3A_579 : vector<16xi32>
      tpu.vector_store_idx %arg18[%add3A_580], %gather3A_574 : memref<6144xf32, #tpu.memory_space<vmem>>[vector<16xi32>], vector<16xf32>,
      %add3A_581 = arith.constant 4 : i32
      %add3A_582 = vector.broadcast %add3A_581 : i32 to vector<16xi32>
      %add3A_583 = arith.addi %mul3A_534, %add3A_582 : vector<16xi32>
      %gather3A_584 = tpu.vector_load_idx %arg9[%add3A_583] : memref<24576xf32, #tpu.memory_space<vmem>>[vector<16xi32>], vector<16xf32>,
      %add3A_585 = arith.constant 4096 : i32
      %add3A_586 = arith.addi %mul3A_523, %add3A_585 : i32
      %add3A_587 = arith.constant 0 : i32
      %add3A_588 = arith.addi %add3A_586, %add3A_587 : i32
      %add3A_589 = vector.broadcast %add3A_588 : i32 to vector<16xi32>
      %add3A_590 = arith.addi %iota3A, %add3A_589 : vector<16xi32>
      tpu.vector_store_idx %arg18[%add3A_590], %gather3A_584 : memref<6144xf32, #tpu.memory_space<vmem>>[vector<16xi32>], vector<16xf32>,
      %add3A_591 = arith.constant 5 : i32
      %add3A_592 = vector.broadcast %add3A_591 : i32 to vector<16xi32>
      %add3A_593 = arith.addi %mul3A_534, %add3A_592 : vector<16xi32>
      %gather3A_594 = tpu.vector_load_idx %arg9[%add3A_593] : memref<24576xf32, #tpu.memory_space<vmem>>[vector<16xi32>], vector<16xf32>,
      %add3A_595 = arith.constant 5120 : i32
      %add3A_596 = arith.addi %mul3A_523, %add3A_595 : i32
      %add3A_597 = arith.constant 0 : i32
      %add3A_598 = arith.addi %add3A_596, %add3A_597 : i32
      %add3A_599 = vector.broadcast %add3A_598 : i32 to vector<16xi32>
      %add3A_600 = arith.addi %iota3A, %add3A_599 : vector<16xi32>
      tpu.vector_store_idx %arg18[%add3A_600], %gather3A_594 : memref<6144xf32, #tpu.memory_space<vmem>>[vector<16xi32>], vector<16xf32>,
      %add3A_601 = arith.constant 16 : i32
      %add3A_602 = vector.broadcast %add3A_601 : i32 to vector<16xi32>
      %add3A_603 = arith.addi %iota3A, %add3A_602 : vector<16xi32>
      %get3A_604 = arith.constant 16 : index
      %get3A_605 = tpu.vector_load %arg15[%get3A_604] {strides = array<i32>} : memref<144xi32, #tpu.memory_space<vmem>>, vector<16xi32>,
      %lt3A_606 = vector.broadcast %scan3A_261#2 : i32 to vector<16xi32>
      %lt3A_607 = arith.cmpi slt, %add3A_603, %lt3A_606 : vector<16xi32>
      %select_n3A_608 = arith.select %lt3A_607, %get3A_605, %add3A_271 : vector<16xi1>, vector<16xi32>
      %mul3A_609 = arith.constant 6 : i32
      %mul3A_610 = vector.broadcast %mul3A_609 : i32 to vector<16xi32>
      %mul3A_611 = arith.muli %select_n3A_608, %mul3A_610 : vector<16xi32>
      %add3A_612 = arith.constant 0 : i32
      %add3A_613 = vector.broadcast %add3A_612 : i32 to vector<16xi32>
      %add3A_614 = arith.addi %mul3A_611, %add3A_613 : vector<16xi32>
      %gather3A_615 = tpu.vector_load_idx %arg9[%add3A_614] : memref<24576xf32, #tpu.memory_space<vmem>>[vector<16xi32>], vector<16xf32>,
      %sub3A_616 = vector.broadcast %squeeze3A_283 : f32 to vector<16xf32>
      %sub3A_617 = arith.subf %gather3A_615, %sub3A_616 : vector<16xf32>
      %add3A_618 = arith.constant 0 : i32
      %add3A_619 = arith.addi %mul3A_523, %add3A_618 : i32
      %add3A_620 = arith.constant 16 : i32
      %add3A_621 = arith.addi %add3A_619, %add3A_620 : i32
      %add3A_622 = vector.broadcast %add3A_621 : i32 to vector<16xi32>
      %add3A_623 = arith.addi %iota3A, %add3A_622 : vector<16xi32>
      tpu.vector_store_idx %arg18[%add3A_623], %sub3A_617 : memref<6144xf32, #tpu.memory_space<vmem>>[vector<16xi32>], vector<16xf32>,
      %add3A_624 = arith.constant 1 : i32
      %add3A_625 = vector.broadcast %add3A_624 : i32 to vector<16xi32>
      %add3A_626 = arith.addi %mul3A_611, %add3A_625 : vector<16xi32>
      %gather3A_627 = tpu.vector_load_idx %arg9[%add3A_626] : memref<24576xf32, #tpu.memory_space<vmem>>[vector<16xi32>], vector<16xf32>,
      %sub3A_628 = vector.broadcast %squeeze3A_285 : f32 to vector<16xf32>
      %sub3A_629 = arith.subf %gather3A_627, %sub3A_628 : vector<16xf32>
      %add3A_630 = arith.constant 1024 : i32
      %add3A_631 = arith.addi %mul3A_523, %add3A_630 : i32
      %add3A_632 = arith.constant 16 : i32
      %add3A_633 = arith.addi %add3A_631, %add3A_632 : i32
      %add3A_634 = vector.broadcast %add3A_633 : i32 to vector<16xi32>
      %add3A_635 = arith.addi %iota3A, %add3A_634 : vector<16xi32>
      tpu.vector_store_idx %arg18[%add3A_635], %sub3A_629 : memref<6144xf32, #tpu.memory_space<vmem>>[vector<16xi32>], vector<16xf32>,
      %add3A_636 = arith.constant 2 : i32
      %add3A_637 = vector.broadcast %add3A_636 : i32 to vector<16xi32>
      %add3A_638 = arith.addi %mul3A_611, %add3A_637 : vector<16xi32>
      %gather3A_639 = tpu.vector_load_idx %arg9[%add3A_638] : memref<24576xf32, #tpu.memory_space<vmem>>[vector<16xi32>], vector<16xf32>,
      %sub3A_640 = vector.broadcast %squeeze3A_287 : f32 to vector<16xf32>
      %sub3A_641 = arith.subf %gather3A_639, %sub3A_640 : vector<16xf32>
      %add3A_642 = arith.constant 2048 : i32
      %add3A_643 = arith.addi %mul3A_523, %add3A_642 : i32
      %add3A_644 = arith.constant 16 : i32
      %add3A_645 = arith.addi %add3A_643, %add3A_644 : i32
      %add3A_646 = vector.broadcast %add3A_645 : i32 to vector<16xi32>
      %add3A_647 = arith.addi %iota3A, %add3A_646 : vector<16xi32>
      tpu.vector_store_idx %arg18[%add3A_647], %sub3A_641 : memref<6144xf32, #tpu.memory_space<vmem>>[vector<16xi32>], vector<16xf32>,
      %add3A_648 = arith.constant 3 : i32
      %add3A_649 = vector.broadcast %add3A_648 : i32 to vector<16xi32>
      %add3A_650 = arith.addi %mul3A_611, %add3A_649 : vector<16xi32>
      %gather3A_651 = tpu.vector_load_idx %arg9[%add3A_650] : memref<24576xf32, #tpu.memory_space<vmem>>[vector<16xi32>], vector<16xf32>,
      %add3A_652 = arith.constant 3072 : i32
      %add3A_653 = arith.addi %mul3A_523, %add3A_652 : i32
      %add3A_654 = arith.constant 16 : i32
      %add3A_655 = arith.addi %add3A_653, %add3A_654 : i32
      %add3A_656 = vector.broadcast %add3A_655 : i32 to vector<16xi32>
      %add3A_657 = arith.addi %iota3A, %add3A_656 : vector<16xi32>
      tpu.vector_store_idx %arg18[%add3A_657], %gather3A_651 : memref<6144xf32, #tpu.memory_space<vmem>>[vector<16xi32>], vector<16xf32>,
      %add3A_658 = arith.constant 4 : i32
      %add3A_659 = vector.broadcast %add3A_658 : i32 to vector<16xi32>
      %add3A_660 = arith.addi %mul3A_611, %add3A_659 : vector<16xi32>
      %gather3A_661 = tpu.vector_load_idx %arg9[%add3A_660] : memref<24576xf32, #tpu.memory_space<vmem>>[vector<16xi32>], vector<16xf32>,
      %add3A_662 = arith.constant 4096 : i32
      %add3A_663 = arith.addi %mul3A_523, %add3A_662 : i32
      %add3A_664 = arith.constant 16 : i32
      %add3A_665 = arith.addi %add3A_663, %add3A_664 : i32
      %add3A_666 = vector.broadcast %add3A_665 : i32 to vector<16xi32>
      %add3A_667 = arith.addi %iota3A, %add3A_666 : vector<16xi32>
      tpu.vector_store_idx %arg18[%add3A_667], %gather3A_661 : memref<6144xf32, #tpu.memory_space<vmem>>[vector<16xi32>], vector<16xf32>,
      %add3A_668 = arith.constant 5 : i32
      %add3A_669 = vector.broadcast %add3A_668 : i32 to vector<16xi32>
      %add3A_670 = arith.addi %mul3A_611, %add3A_669 : vector<16xi32>
      %gather3A_671 = tpu.vector_load_idx %arg9[%add3A_670] : memref<24576xf32, #tpu.memory_space<vmem>>[vector<16xi32>], vector<16xf32>,
      %add3A_672 = arith.constant 5120 : i32
      %add3A_673 = arith.addi %mul3A_523, %add3A_672 : i32
      %add3A_674 = arith.constant 16 : i32
      %add3A_675 = arith.addi %add3A_673, %add3A_674 : i32
      %add3A_676 = vector.broadcast %add3A_675 : i32 to vector<16xi32>
      %add3A_677 = arith.addi %iota3A, %add3A_676 : vector<16xi32>
      tpu.vector_store_idx %arg18[%add3A_677], %gather3A_671 : memref<6144xf32, #tpu.memory_space<vmem>>[vector<16xi32>], vector<16xf32>,
      %add3A_678 = arith.constant 32 : i32
      %add3A_679 = vector.broadcast %add3A_678 : i32 to vector<16xi32>
      %add3A_680 = arith.addi %iota3A, %add3A_679 : vector<16xi32>
      %get3A_681 = arith.constant 32 : index
      %get3A_682 = tpu.vector_load %arg15[%get3A_681] {strides = array<i32>} : memref<144xi32, #tpu.memory_space<vmem>>, vector<16xi32>,
      %lt3A_683 = vector.broadcast %scan3A_261#2 : i32 to vector<16xi32>
      %lt3A_684 = arith.cmpi slt, %add3A_680, %lt3A_683 : vector<16xi32>
      %select_n3A_685 = arith.select %lt3A_684, %get3A_682, %add3A_271 : vector<16xi1>, vector<16xi32>
      %mul3A_686 = arith.constant 6 : i32
      %mul3A_687 = vector.broadcast %mul3A_686 : i32 to vector<16xi32>
      %mul3A_688 = arith.muli %select_n3A_685, %mul3A_687 : vector<16xi32>
      %add3A_689 = arith.constant 0 : i32
      %add3A_690 = vector.broadcast %add3A_689 : i32 to vector<16xi32>
      %add3A_691 = arith.addi %mul3A_688, %add3A_690 : vector<16xi32>
      %gather3A_692 = tpu.vector_load_idx %arg9[%add3A_691] : memref<24576xf32, #tpu.memory_space<vmem>>[vector<16xi32>], vector<16xf32>,
      %sub3A_693 = vector.broadcast %squeeze3A_283 : f32 to vector<16xf32>
      %sub3A_694 = arith.subf %gather3A_692, %sub3A_693 : vector<16xf32>
      %add3A_695 = arith.constant 0 : i32
      %add3A_696 = arith.addi %mul3A_523, %add3A_695 : i32
      %add3A_697 = arith.constant 32 : i32
      %add3A_698 = arith.addi %add3A_696, %add3A_697 : i32
      %add3A_699 = vector.broadcast %add3A_698 : i32 to vector<16xi32>
      %add3A_700 = arith.addi %iota3A, %add3A_699 : vector<16xi32>
      tpu.vector_store_idx %arg18[%add3A_700], %sub3A_694 : memref<6144xf32, #tpu.memory_space<vmem>>[vector<16xi32>], vector<16xf32>,
      %add3A_701 = arith.constant 1 : i32
      %add3A_702 = vector.broadcast %add3A_701 : i32 to vector<16xi32>
      %add3A_703 = arith.addi %mul3A_688, %add3A_702 : vector<16xi32>
      %gather3A_704 = tpu.vector_load_idx %arg9[%add3A_703] : memref<24576xf32, #tpu.memory_space<vmem>>[vector<16xi32>], vector<16xf32>,
      %sub3A_705 = vector.broadcast %squeeze3A_285 : f32 to vector<16xf32>
      %sub3A_706 = arith.subf %gather3A_704, %sub3A_705 : vector<16xf32>
      %add3A_707 = arith.constant 1024 : i32
      %add3A_708 = arith.addi %mul3A_523, %add3A_707 : i32
      %add3A_709 = arith.constant 32 : i32
      %add3A_710 = arith.addi %add3A_708, %add3A_709 : i32
      %add3A_711 = vector.broadcast %add3A_710 : i32 to vector<16xi32>
      %add3A_712 = arith.addi %iota3A, %add3A_711 : vector<16xi32>
      tpu.vector_store_idx %arg18[%add3A_712], %sub3A_706 : memref<6144xf32, #tpu.memory_space<vmem>>[vector<16xi32>], vector<16xf32>,
      %add3A_713 = arith.constant 2 : i32
      %add3A_714 = vector.broadcast %add3A_713 : i32 to vector<16xi32>
      %add3A_715 = arith.addi %mul3A_688, %add3A_714 : vector<16xi32>
      %gather3A_716 = tpu.vector_load_idx %arg9[%add3A_715] : memref<24576xf32, #tpu.memory_space<vmem>>[vector<16xi32>], vector<16xf32>,
      %sub3A_717 = vector.broadcast %squeeze3A_287 : f32 to vector<16xf32>
      %sub3A_718 = arith.subf %gather3A_716, %sub3A_717 : vector<16xf32>
      %add3A_719 = arith.constant 2048 : i32
      %add3A_720 = arith.addi %mul3A_523, %add3A_719 : i32
      %add3A_721 = arith.constant 32 : i32
      %add3A_722 = arith.addi %add3A_720, %add3A_721 : i32
      %add3A_723 = vector.broadcast %add3A_722 : i32 to vector<16xi32>
      %add3A_724 = arith.addi %iota3A, %add3A_723 : vector<16xi32>
      tpu.vector_store_idx %arg18[%add3A_724], %sub3A_718 : memref<6144xf32, #tpu.memory_space<vmem>>[vector<16xi32>], vector<16xf32>,
      %add3A_725 = arith.constant 3 : i32
      %add3A_726 = vector.broadcast %add3A_725 : i32 to vector<16xi32>
      %add3A_727 = arith.addi %mul3A_688, %add3A_726 : vector<16xi32>
      %gather3A_728 = tpu.vector_load_idx %arg9[%add3A_727] : memref<24576xf32, #tpu.memory_space<vmem>>[vector<16xi32>], vector<16xf32>,
      %add3A_729 = arith.constant 3072 : i32
      %add3A_730 = arith.addi %mul3A_523, %add3A_729 : i32
      %add3A_731 = arith.constant 32 : i32
      %add3A_732 = arith.addi %add3A_730, %add3A_731 : i32
      %add3A_733 = vector.broadcast %add3A_732 : i32 to vector<16xi32>
      %add3A_734 = arith.addi %iota3A, %add3A_733 : vector<16xi32>
      tpu.vector_store_idx %arg18[%add3A_734], %gather3A_728 : memref<6144xf32, #tpu.memory_space<vmem>>[vector<16xi32>], vector<16xf32>,
      %add3A_735 = arith.constant 4 : i32
      %add3A_736 = vector.broadcast %add3A_735 : i32 to vector<16xi32>
      %add3A_737 = arith.addi %mul3A_688, %add3A_736 : vector<16xi32>
      %gather3A_738 = tpu.vector_load_idx %arg9[%add3A_737] : memref<24576xf32, #tpu.memory_space<vmem>>[vector<16xi32>], vector<16xf32>,
      %add3A_739 = arith.constant 4096 : i32
      %add3A_740 = arith.addi %mul3A_523, %add3A_739 : i32
      %add3A_741 = arith.constant 32 : i32
      %add3A_742 = arith.addi %add3A_740, %add3A_741 : i32
      %add3A_743 = vector.broadcast %add3A_742 : i32 to vector<16xi32>
      %add3A_744 = arith.addi %iota3A, %add3A_743 : vector<16xi32>
      tpu.vector_store_idx %arg18[%add3A_744], %gather3A_738 : memref<6144xf32, #tpu.memory_space<vmem>>[vector<16xi32>], vector<16xf32>,
      %add3A_745 = arith.constant 5 : i32
      %add3A_746 = vector.broadcast %add3A_745 : i32 to vector<16xi32>
      %add3A_747 = arith.addi %mul3A_688, %add3A_746 : vector<16xi32>
      %gather3A_748 = tpu.vector_load_idx %arg9[%add3A_747] : memref<24576xf32, #tpu.memory_space<vmem>>[vector<16xi32>], vector<16xf32>,
      %add3A_749 = arith.constant 5120 : i32
      %add3A_750 = arith.addi %mul3A_523, %add3A_749 : i32
      %add3A_751 = arith.constant 32 : i32
      %add3A_752 = arith.addi %add3A_750, %add3A_751 : i32
      %add3A_753 = vector.broadcast %add3A_752 : i32 to vector<16xi32>
      %add3A_754 = arith.addi %iota3A, %add3A_753 : vector<16xi32>
      tpu.vector_store_idx %arg18[%add3A_754], %gather3A_748 : memref<6144xf32, #tpu.memory_space<vmem>>[vector<16xi32>], vector<16xf32>,
      %add3A_755 = arith.constant 48 : i32
      %add3A_756 = vector.broadcast %add3A_755 : i32 to vector<16xi32>
      %add3A_757 = arith.addi %iota3A, %add3A_756 : vector<16xi32>
      %get3A_758 = arith.constant 48 : index
      %get3A_759 = tpu.vector_load %arg15[%get3A_758] {strides = array<i32>} : memref<144xi32, #tpu.memory_space<vmem>>, vector<16xi32>,
      %lt3A_760 = vector.broadcast %scan3A_261#2 : i32 to vector<16xi32>
      %lt3A_761 = arith.cmpi slt, %add3A_757, %lt3A_760 : vector<16xi32>
      %select_n3A_762 = arith.select %lt3A_761, %get3A_759, %add3A_271 : vector<16xi1>, vector<16xi32>
      %mul3A_763 = arith.constant 6 : i32
      %mul3A_764 = vector.broadcast %mul3A_763 : i32 to vector<16xi32>
      %mul3A_765 = arith.muli %select_n3A_762, %mul3A_764 : vector<16xi32>
      %add3A_766 = arith.constant 0 : i32
      %add3A_767 = vector.broadcast %add3A_766 : i32 to vector<16xi32>
      %add3A_768 = arith.addi %mul3A_765, %add3A_767 : vector<16xi32>
      %gather3A_769 = tpu.vector_load_idx %arg9[%add3A_768] : memref<24576xf32, #tpu.memory_space<vmem>>[vector<16xi32>], vector<16xf32>,
      %sub3A_770 = vector.broadcast %squeeze3A_283 : f32 to vector<16xf32>
      %sub3A_771 = arith.subf %gather3A_769, %sub3A_770 : vector<16xf32>
      %add3A_772 = arith.constant 0 : i32
      %add3A_773 = arith.addi %mul3A_523, %add3A_772 : i32
      %add3A_774 = arith.constant 48 : i32
      %add3A_775 = arith.addi %add3A_773, %add3A_774 : i32
      %add3A_776 = vector.broadcast %add3A_775 : i32 to vector<16xi32>
      %add3A_777 = arith.addi %iota3A, %add3A_776 : vector<16xi32>
      tpu.vector_store_idx %arg18[%add3A_777], %sub3A_771 : memref<6144xf32, #tpu.memory_space<vmem>>[vector<16xi32>], vector<16xf32>,
      %add3A_778 = arith.constant 1 : i32
      %add3A_779 = vector.broadcast %add3A_778 : i32 to vector<16xi32>
      %add3A_780 = arith.addi %mul3A_765, %add3A_779 : vector<16xi32>
      %gather3A_781 = tpu.vector_load_idx %arg9[%add3A_780] : memref<24576xf32, #tpu.memory_space<vmem>>[vector<16xi32>], vector<16xf32>,
      %sub3A_782 = vector.broadcast %squeeze3A_285 : f32 to vector<16xf32>
      %sub3A_783 = arith.subf %gather3A_781, %sub3A_782 : vector<16xf32>
      %add3A_784 = arith.constant 1024 : i32
      %add3A_785 = arith.addi %mul3A_523, %add3A_784 : i32
      %add3A_786 = arith.constant 48 : i32
      %add3A_787 = arith.addi %add3A_785, %add3A_786 : i32
      %add3A_788 = vector.broadcast %add3A_787 : i32 to vector<16xi32>
      %add3A_789 = arith.addi %iota3A, %add3A_788 : vector<16xi32>
      tpu.vector_store_idx %arg18[%add3A_789], %sub3A_783 : memref<6144xf32, #tpu.memory_space<vmem>>[vector<16xi32>], vector<16xf32>,
      %add3A_790 = arith.constant 2 : i32
      %add3A_791 = vector.broadcast %add3A_790 : i32 to vector<16xi32>
      %add3A_792 = arith.addi %mul3A_765, %add3A_791 : vector<16xi32>
      %gather3A_793 = tpu.vector_load_idx %arg9[%add3A_792] : memref<24576xf32, #tpu.memory_space<vmem>>[vector<16xi32>], vector<16xf32>,
      %sub3A_794 = vector.broadcast %squeeze3A_287 : f32 to vector<16xf32>
      %sub3A_795 = arith.subf %gather3A_793, %sub3A_794 : vector<16xf32>
      %add3A_796 = arith.constant 2048 : i32
      %add3A_797 = arith.addi %mul3A_523, %add3A_796 : i32
      %add3A_798 = arith.constant 48 : i32
      %add3A_799 = arith.addi %add3A_797, %add3A_798 : i32
      %add3A_800 = vector.broadcast %add3A_799 : i32 to vector<16xi32>
      %add3A_801 = arith.addi %iota3A, %add3A_800 : vector<16xi32>
      tpu.vector_store_idx %arg18[%add3A_801], %sub3A_795 : memref<6144xf32, #tpu.memory_space<vmem>>[vector<16xi32>], vector<16xf32>,
      %add3A_802 = arith.constant 3 : i32
      %add3A_803 = vector.broadcast %add3A_802 : i32 to vector<16xi32>
      %add3A_804 = arith.addi %mul3A_765, %add3A_803 : vector<16xi32>
      %gather3A_805 = tpu.vector_load_idx %arg9[%add3A_804] : memref<24576xf32, #tpu.memory_space<vmem>>[vector<16xi32>], vector<16xf32>,
      %add3A_806 = arith.constant 3072 : i32
      %add3A_807 = arith.addi %mul3A_523, %add3A_806 : i32
      %add3A_808 = arith.constant 48 : i32
      %add3A_809 = arith.addi %add3A_807, %add3A_808 : i32
      %add3A_810 = vector.broadcast %add3A_809 : i32 to vector<16xi32>
      %add3A_811 = arith.addi %iota3A, %add3A_810 : vector<16xi32>
      tpu.vector_store_idx %arg18[%add3A_811], %gather3A_805 : memref<6144xf32, #tpu.memory_space<vmem>>[vector<16xi32>], vector<16xf32>,
      %add3A_812 = arith.constant 4 : i32
      %add3A_813 = vector.broadcast %add3A_812 : i32 to vector<16xi32>
      %add3A_814 = arith.addi %mul3A_765, %add3A_813 : vector<16xi32>
      %gather3A_815 = tpu.vector_load_idx %arg9[%add3A_814] : memref<24576xf32, #tpu.memory_space<vmem>>[vector<16xi32>], vector<16xf32>,
      %add3A_816 = arith.constant 4096 : i32
      %add3A_817 = arith.addi %mul3A_523, %add3A_816 : i32
      %add3A_818 = arith.constant 48 : i32
      %add3A_819 = arith.addi %add3A_817, %add3A_818 : i32
      %add3A_820 = vector.broadcast %add3A_819 : i32 to vector<16xi32>
      %add3A_821 = arith.addi %iota3A, %add3A_820 : vector<16xi32>
      tpu.vector_store_idx %arg18[%add3A_821], %gather3A_815 : memref<6144xf32, #tpu.memory_space<vmem>>[vector<16xi32>], vector<16xf32>,
      %add3A_822 = arith.constant 5 : i32
      %add3A_823 = vector.broadcast %add3A_822 : i32 to vector<16xi32>
      %add3A_824 = arith.addi %mul3A_765, %add3A_823 : vector<16xi32>
      %gather3A_825 = tpu.vector_load_idx %arg9[%add3A_824] : memref<24576xf32, #tpu.memory_space<vmem>>[vector<16xi32>], vector<16xf32>,
      %add3A_826 = arith.constant 5120 : i32
      %add3A_827 = arith.addi %mul3A_523, %add3A_826 : i32
      %add3A_828 = arith.constant 48 : i32
      %add3A_829 = arith.addi %add3A_827, %add3A_828 : i32
      %add3A_830 = vector.broadcast %add3A_829 : i32 to vector<16xi32>
      %add3A_831 = arith.addi %iota3A, %add3A_830 : vector<16xi32>
      tpu.vector_store_idx %arg18[%add3A_831], %gather3A_825 : memref<6144xf32, #tpu.memory_space<vmem>>[vector<16xi32>], vector<16xf32>,
      %add3A_832 = arith.constant 64 : i32
      %add3A_833 = vector.broadcast %add3A_832 : i32 to vector<16xi32>
      %add3A_834 = arith.addi %iota3A, %add3A_833 : vector<16xi32>
      %get3A_835 = arith.constant 64 : index
      %get3A_836 = tpu.vector_load %arg15[%get3A_835] {strides = array<i32>} : memref<144xi32, #tpu.memory_space<vmem>>, vector<16xi32>,
      %lt3A_837 = vector.broadcast %scan3A_261#2 : i32 to vector<16xi32>
      %lt3A_838 = arith.cmpi slt, %add3A_834, %lt3A_837 : vector<16xi32>
      %select_n3A_839 = arith.select %lt3A_838, %get3A_836, %add3A_271 : vector<16xi1>, vector<16xi32>
      %mul3A_840 = arith.constant 6 : i32
      %mul3A_841 = vector.broadcast %mul3A_840 : i32 to vector<16xi32>
      %mul3A_842 = arith.muli %select_n3A_839, %mul3A_841 : vector<16xi32>
      %add3A_843 = arith.constant 0 : i32
      %add3A_844 = vector.broadcast %add3A_843 : i32 to vector<16xi32>
      %add3A_845 = arith.addi %mul3A_842, %add3A_844 : vector<16xi32>
      %gather3A_846 = tpu.vector_load_idx %arg9[%add3A_845] : memref<24576xf32, #tpu.memory_space<vmem>>[vector<16xi32>], vector<16xf32>,
      %sub3A_847 = vector.broadcast %squeeze3A_283 : f32 to vector<16xf32>
      %sub3A_848 = arith.subf %gather3A_846, %sub3A_847 : vector<16xf32>
      %add3A_849 = arith.constant 0 : i32
      %add3A_850 = arith.addi %mul3A_523, %add3A_849 : i32
      %add3A_851 = arith.constant 64 : i32
      %add3A_852 = arith.addi %add3A_850, %add3A_851 : i32
      %add3A_853 = vector.broadcast %add3A_852 : i32 to vector<16xi32>
      %add3A_854 = arith.addi %iota3A, %add3A_853 : vector<16xi32>
      tpu.vector_store_idx %arg18[%add3A_854], %sub3A_848 : memref<6144xf32, #tpu.memory_space<vmem>>[vector<16xi32>], vector<16xf32>,
      %add3A_855 = arith.constant 1 : i32
      %add3A_856 = vector.broadcast %add3A_855 : i32 to vector<16xi32>
      %add3A_857 = arith.addi %mul3A_842, %add3A_856 : vector<16xi32>
      %gather3A_858 = tpu.vector_load_idx %arg9[%add3A_857] : memref<24576xf32, #tpu.memory_space<vmem>>[vector<16xi32>], vector<16xf32>,
      %sub3A_859 = vector.broadcast %squeeze3A_285 : f32 to vector<16xf32>
      %sub3A_860 = arith.subf %gather3A_858, %sub3A_859 : vector<16xf32>
      %add3A_861 = arith.constant 1024 : i32
      %add3A_862 = arith.addi %mul3A_523, %add3A_861 : i32
      %add3A_863 = arith.constant 64 : i32
      %add3A_864 = arith.addi %add3A_862, %add3A_863 : i32
      %add3A_865 = vector.broadcast %add3A_864 : i32 to vector<16xi32>
      %add3A_866 = arith.addi %iota3A, %add3A_865 : vector<16xi32>
      tpu.vector_store_idx %arg18[%add3A_866], %sub3A_860 : memref<6144xf32, #tpu.memory_space<vmem>>[vector<16xi32>], vector<16xf32>,
      %add3A_867 = arith.constant 2 : i32
      %add3A_868 = vector.broadcast %add3A_867 : i32 to vector<16xi32>
      %add3A_869 = arith.addi %mul3A_842, %add3A_868 : vector<16xi32>
      %gather3A_870 = tpu.vector_load_idx %arg9[%add3A_869] : memref<24576xf32, #tpu.memory_space<vmem>>[vector<16xi32>], vector<16xf32>,
      %sub3A_871 = vector.broadcast %squeeze3A_287 : f32 to vector<16xf32>
      %sub3A_872 = arith.subf %gather3A_870, %sub3A_871 : vector<16xf32>
      %add3A_873 = arith.constant 2048 : i32
      %add3A_874 = arith.addi %mul3A_523, %add3A_873 : i32
      %add3A_875 = arith.constant 64 : i32
      %add3A_876 = arith.addi %add3A_874, %add3A_875 : i32
      %add3A_877 = vector.broadcast %add3A_876 : i32 to vector<16xi32>
      %add3A_878 = arith.addi %iota3A, %add3A_877 : vector<16xi32>
      tpu.vector_store_idx %arg18[%add3A_878], %sub3A_872 : memref<6144xf32, #tpu.memory_space<vmem>>[vector<16xi32>], vector<16xf32>,
      %add3A_879 = arith.constant 3 : i32
      %add3A_880 = vector.broadcast %add3A_879 : i32 to vector<16xi32>
      %add3A_881 = arith.addi %mul3A_842, %add3A_880 : vector<16xi32>
      %gather3A_882 = tpu.vector_load_idx %arg9[%add3A_881] : memref<24576xf32, #tpu.memory_space<vmem>>[vector<16xi32>], vector<16xf32>,
      %add3A_883 = arith.constant 3072 : i32
      %add3A_884 = arith.addi %mul3A_523, %add3A_883 : i32
      %add3A_885 = arith.constant 64 : i32
      %add3A_886 = arith.addi %add3A_884, %add3A_885 : i32
      %add3A_887 = vector.broadcast %add3A_886 : i32 to vector<16xi32>
      %add3A_888 = arith.addi %iota3A, %add3A_887 : vector<16xi32>
      tpu.vector_store_idx %arg18[%add3A_888], %gather3A_882 : memref<6144xf32, #tpu.memory_space<vmem>>[vector<16xi32>], vector<16xf32>,
      %add3A_889 = arith.constant 4 : i32
      %add3A_890 = vector.broadcast %add3A_889 : i32 to vector<16xi32>
      %add3A_891 = arith.addi %mul3A_842, %add3A_890 : vector<16xi32>
      %gather3A_892 = tpu.vector_load_idx %arg9[%add3A_891] : memref<24576xf32, #tpu.memory_space<vmem>>[vector<16xi32>], vector<16xf32>,
      %add3A_893 = arith.constant 4096 : i32
      %add3A_894 = arith.addi %mul3A_523, %add3A_893 : i32
      %add3A_895 = arith.constant 64 : i32
      %add3A_896 = arith.addi %add3A_894, %add3A_895 : i32
      %add3A_897 = vector.broadcast %add3A_896 : i32 to vector<16xi32>
      %add3A_898 = arith.addi %iota3A, %add3A_897 : vector<16xi32>
      tpu.vector_store_idx %arg18[%add3A_898], %gather3A_892 : memref<6144xf32, #tpu.memory_space<vmem>>[vector<16xi32>], vector<16xf32>,
      %add3A_899 = arith.constant 5 : i32
      %add3A_900 = vector.broadcast %add3A_899 : i32 to vector<16xi32>
      %add3A_901 = arith.addi %mul3A_842, %add3A_900 : vector<16xi32>
      %gather3A_902 = tpu.vector_load_idx %arg9[%add3A_901] : memref<24576xf32, #tpu.memory_space<vmem>>[vector<16xi32>], vector<16xf32>,
      %add3A_903 = arith.constant 5120 : i32
      %add3A_904 = arith.addi %mul3A_523, %add3A_903 : i32
      %add3A_905 = arith.constant 64 : i32
      %add3A_906 = arith.addi %add3A_904, %add3A_905 : i32
      %add3A_907 = vector.broadcast %add3A_906 : i32 to vector<16xi32>
      %add3A_908 = arith.addi %iota3A, %add3A_907 : vector<16xi32>
      tpu.vector_store_idx %arg18[%add3A_908], %gather3A_902 : memref<6144xf32, #tpu.memory_space<vmem>>[vector<16xi32>], vector<16xf32>,
      %add3A_909 = arith.constant 80 : i32
      %add3A_910 = vector.broadcast %add3A_909 : i32 to vector<16xi32>
      %add3A_911 = arith.addi %iota3A, %add3A_910 : vector<16xi32>
      %get3A_912 = arith.constant 80 : index
      %get3A_913 = tpu.vector_load %arg15[%get3A_912] {strides = array<i32>} : memref<144xi32, #tpu.memory_space<vmem>>, vector<16xi32>,
      %lt3A_914 = vector.broadcast %scan3A_261#2 : i32 to vector<16xi32>
      %lt3A_915 = arith.cmpi slt, %add3A_911, %lt3A_914 : vector<16xi32>
      %select_n3A_916 = arith.select %lt3A_915, %get3A_913, %add3A_271 : vector<16xi1>, vector<16xi32>
      %mul3A_917 = arith.constant 6 : i32
      %mul3A_918 = vector.broadcast %mul3A_917 : i32 to vector<16xi32>
      %mul3A_919 = arith.muli %select_n3A_916, %mul3A_918 : vector<16xi32>
      %add3A_920 = arith.constant 0 : i32
      %add3A_921 = vector.broadcast %add3A_920 : i32 to vector<16xi32>
      %add3A_922 = arith.addi %mul3A_919, %add3A_921 : vector<16xi32>
      %gather3A_923 = tpu.vector_load_idx %arg9[%add3A_922] : memref<24576xf32, #tpu.memory_space<vmem>>[vector<16xi32>], vector<16xf32>,
      %sub3A_924 = vector.broadcast %squeeze3A_283 : f32 to vector<16xf32>
      %sub3A_925 = arith.subf %gather3A_923, %sub3A_924 : vector<16xf32>
      %add3A_926 = arith.constant 0 : i32
      %add3A_927 = arith.addi %mul3A_523, %add3A_926 : i32
      %add3A_928 = arith.constant 80 : i32
      %add3A_929 = arith.addi %add3A_927, %add3A_928 : i32
      %add3A_930 = vector.broadcast %add3A_929 : i32 to vector<16xi32>
      %add3A_931 = arith.addi %iota3A, %add3A_930 : vector<16xi32>
      tpu.vector_store_idx %arg18[%add3A_931], %sub3A_925 : memref<6144xf32, #tpu.memory_space<vmem>>[vector<16xi32>], vector<16xf32>,
      %add3A_932 = arith.constant 1 : i32
      %add3A_933 = vector.broadcast %add3A_932 : i32 to vector<16xi32>
      %add3A_934 = arith.addi %mul3A_919, %add3A_933 : vector<16xi32>
      %gather3A_935 = tpu.vector_load_idx %arg9[%add3A_934] : memref<24576xf32, #tpu.memory_space<vmem>>[vector<16xi32>], vector<16xf32>,
      %sub3A_936 = vector.broadcast %squeeze3A_285 : f32 to vector<16xf32>
      %sub3A_937 = arith.subf %gather3A_935, %sub3A_936 : vector<16xf32>
      %add3A_938 = arith.constant 1024 : i32
      %add3A_939 = arith.addi %mul3A_523, %add3A_938 : i32
      %add3A_940 = arith.constant 80 : i32
      %add3A_941 = arith.addi %add3A_939, %add3A_940 : i32
      %add3A_942 = vector.broadcast %add3A_941 : i32 to vector<16xi32>
      %add3A_943 = arith.addi %iota3A, %add3A_942 : vector<16xi32>
      tpu.vector_store_idx %arg18[%add3A_943], %sub3A_937 : memref<6144xf32, #tpu.memory_space<vmem>>[vector<16xi32>], vector<16xf32>,
      %add3A_944 = arith.constant 2 : i32
      %add3A_945 = vector.broadcast %add3A_944 : i32 to vector<16xi32>
      %add3A_946 = arith.addi %mul3A_919, %add3A_945 : vector<16xi32>
      %gather3A_947 = tpu.vector_load_idx %arg9[%add3A_946] : memref<24576xf32, #tpu.memory_space<vmem>>[vector<16xi32>], vector<16xf32>,
      %sub3A_948 = vector.broadcast %squeeze3A_287 : f32 to vector<16xf32>
      %sub3A_949 = arith.subf %gather3A_947, %sub3A_948 : vector<16xf32>
      %add3A_950 = arith.constant 2048 : i32
      %add3A_951 = arith.addi %mul3A_523, %add3A_950 : i32
      %add3A_952 = arith.constant 80 : i32
      %add3A_953 = arith.addi %add3A_951, %add3A_952 : i32
      %add3A_954 = vector.broadcast %add3A_953 : i32 to vector<16xi32>
      %add3A_955 = arith.addi %iota3A, %add3A_954 : vector<16xi32>
      tpu.vector_store_idx %arg18[%add3A_955], %sub3A_949 : memref<6144xf32, #tpu.memory_space<vmem>>[vector<16xi32>], vector<16xf32>,
      %add3A_956 = arith.constant 3 : i32
      %add3A_957 = vector.broadcast %add3A_956 : i32 to vector<16xi32>
      %add3A_958 = arith.addi %mul3A_919, %add3A_957 : vector<16xi32>
      %gather3A_959 = tpu.vector_load_idx %arg9[%add3A_958] : memref<24576xf32, #tpu.memory_space<vmem>>[vector<16xi32>], vector<16xf32>,
      %add3A_960 = arith.constant 3072 : i32
      %add3A_961 = arith.addi %mul3A_523, %add3A_960 : i32
      %add3A_962 = arith.constant 80 : i32
      %add3A_963 = arith.addi %add3A_961, %add3A_962 : i32
      %add3A_964 = vector.broadcast %add3A_963 : i32 to vector<16xi32>
      %add3A_965 = arith.addi %iota3A, %add3A_964 : vector<16xi32>
      tpu.vector_store_idx %arg18[%add3A_965], %gather3A_959 : memref<6144xf32, #tpu.memory_space<vmem>>[vector<16xi32>], vector<16xf32>,
      %add3A_966 = arith.constant 4 : i32
      %add3A_967 = vector.broadcast %add3A_966 : i32 to vector<16xi32>
      %add3A_968 = arith.addi %mul3A_919, %add3A_967 : vector<16xi32>
      %gather3A_969 = tpu.vector_load_idx %arg9[%add3A_968] : memref<24576xf32, #tpu.memory_space<vmem>>[vector<16xi32>], vector<16xf32>,
      %add3A_970 = arith.constant 4096 : i32
      %add3A_971 = arith.addi %mul3A_523, %add3A_970 : i32
      %add3A_972 = arith.constant 80 : i32
      %add3A_973 = arith.addi %add3A_971, %add3A_972 : i32
      %add3A_974 = vector.broadcast %add3A_973 : i32 to vector<16xi32>
      %add3A_975 = arith.addi %iota3A, %add3A_974 : vector<16xi32>
      tpu.vector_store_idx %arg18[%add3A_975], %gather3A_969 : memref<6144xf32, #tpu.memory_space<vmem>>[vector<16xi32>], vector<16xf32>,
      %add3A_976 = arith.constant 5 : i32
      %add3A_977 = vector.broadcast %add3A_976 : i32 to vector<16xi32>
      %add3A_978 = arith.addi %mul3A_919, %add3A_977 : vector<16xi32>
      %gather3A_979 = tpu.vector_load_idx %arg9[%add3A_978] : memref<24576xf32, #tpu.memory_space<vmem>>[vector<16xi32>], vector<16xf32>,
      %add3A_980 = arith.constant 5120 : i32
      %add3A_981 = arith.addi %mul3A_523, %add3A_980 : i32
      %add3A_982 = arith.constant 80 : i32
      %add3A_983 = arith.addi %add3A_981, %add3A_982 : i32
      %add3A_984 = vector.broadcast %add3A_983 : i32 to vector<16xi32>
      %add3A_985 = arith.addi %iota3A, %add3A_984 : vector<16xi32>
      tpu.vector_store_idx %arg18[%add3A_985], %gather3A_979 : memref<6144xf32, #tpu.memory_space<vmem>>[vector<16xi32>], vector<16xf32>,
      %add3A_986 = arith.constant 96 : i32
      %add3A_987 = vector.broadcast %add3A_986 : i32 to vector<16xi32>
      %add3A_988 = arith.addi %iota3A, %add3A_987 : vector<16xi32>
      %get3A_989 = arith.constant 96 : index
      %get3A_990 = tpu.vector_load %arg15[%get3A_989] {strides = array<i32>} : memref<144xi32, #tpu.memory_space<vmem>>, vector<16xi32>,
      %lt3A_991 = vector.broadcast %scan3A_261#2 : i32 to vector<16xi32>
      %lt3A_992 = arith.cmpi slt, %add3A_988, %lt3A_991 : vector<16xi32>
      %select_n3A_993 = arith.select %lt3A_992, %get3A_990, %add3A_271 : vector<16xi1>, vector<16xi32>
      %mul3A_994 = arith.constant 6 : i32
      %mul3A_995 = vector.broadcast %mul3A_994 : i32 to vector<16xi32>
      %mul3A_996 = arith.muli %select_n3A_993, %mul3A_995 : vector<16xi32>
      %add3A_997 = arith.constant 0 : i32
      %add3A_998 = vector.broadcast %add3A_997 : i32 to vector<16xi32>
      %add3A_999 = arith.addi %mul3A_996, %add3A_998 : vector<16xi32>
      %gather3A_1000 = tpu.vector_load_idx %arg9[%add3A_999] : memref<24576xf32, #tpu.memory_space<vmem>>[vector<16xi32>], vector<16xf32>,
      %sub3A_1001 = vector.broadcast %squeeze3A_283 : f32 to vector<16xf32>
      %sub3A_1002 = arith.subf %gather3A_1000, %sub3A_1001 : vector<16xf32>
      %add3A_1003 = arith.constant 0 : i32
      %add3A_1004 = arith.addi %mul3A_523, %add3A_1003 : i32
      %add3A_1005 = arith.constant 96 : i32
      %add3A_1006 = arith.addi %add3A_1004, %add3A_1005 : i32
      %add3A_1007 = vector.broadcast %add3A_1006 : i32 to vector<16xi32>
      %add3A_1008 = arith.addi %iota3A, %add3A_1007 : vector<16xi32>
      tpu.vector_store_idx %arg18[%add3A_1008], %sub3A_1002 : memref<6144xf32, #tpu.memory_space<vmem>>[vector<16xi32>], vector<16xf32>,
      %add3A_1009 = arith.constant 1 : i32
      %add3A_1010 = vector.broadcast %add3A_1009 : i32 to vector<16xi32>
      %add3A_1011 = arith.addi %mul3A_996, %add3A_1010 : vector<16xi32>
      %gather3A_1012 = tpu.vector_load_idx %arg9[%add3A_1011] : memref<24576xf32, #tpu.memory_space<vmem>>[vector<16xi32>], vector<16xf32>,
      %sub3A_1013 = vector.broadcast %squeeze3A_285 : f32 to vector<16xf32>
      %sub3A_1014 = arith.subf %gather3A_1012, %sub3A_1013 : vector<16xf32>
      %add3A_1015 = arith.constant 1024 : i32
      %add3A_1016 = arith.addi %mul3A_523, %add3A_1015 : i32
      %add3A_1017 = arith.constant 96 : i32
      %add3A_1018 = arith.addi %add3A_1016, %add3A_1017 : i32
      %add3A_1019 = vector.broadcast %add3A_1018 : i32 to vector<16xi32>
      %add3A_1020 = arith.addi %iota3A, %add3A_1019 : vector<16xi32>
      tpu.vector_store_idx %arg18[%add3A_1020], %sub3A_1014 : memref<6144xf32, #tpu.memory_space<vmem>>[vector<16xi32>], vector<16xf32>,
      %add3A_1021 = arith.constant 2 : i32
      %add3A_1022 = vector.broadcast %add3A_1021 : i32 to vector<16xi32>
      %add3A_1023 = arith.addi %mul3A_996, %add3A_1022 : vector<16xi32>
      %gather3A_1024 = tpu.vector_load_idx %arg9[%add3A_1023] : memref<24576xf32, #tpu.memory_space<vmem>>[vector<16xi32>], vector<16xf32>,
      %sub3A_1025 = vector.broadcast %squeeze3A_287 : f32 to vector<16xf32>
      %sub3A_1026 = arith.subf %gather3A_1024, %sub3A_1025 : vector<16xf32>
      %add3A_1027 = arith.constant 2048 : i32
      %add3A_1028 = arith.addi %mul3A_523, %add3A_1027 : i32
      %add3A_1029 = arith.constant 96 : i32
      %add3A_1030 = arith.addi %add3A_1028, %add3A_1029 : i32
      %add3A_1031 = vector.broadcast %add3A_1030 : i32 to vector<16xi32>
      %add3A_1032 = arith.addi %iota3A, %add3A_1031 : vector<16xi32>
      tpu.vector_store_idx %arg18[%add3A_1032], %sub3A_1026 : memref<6144xf32, #tpu.memory_space<vmem>>[vector<16xi32>], vector<16xf32>,
      %add3A_1033 = arith.constant 3 : i32
      %add3A_1034 = vector.broadcast %add3A_1033 : i32 to vector<16xi32>
      %add3A_1035 = arith.addi %mul3A_996, %add3A_1034 : vector<16xi32>
      %gather3A_1036 = tpu.vector_load_idx %arg9[%add3A_1035] : memref<24576xf32, #tpu.memory_space<vmem>>[vector<16xi32>], vector<16xf32>,
      %add3A_1037 = arith.constant 3072 : i32
      %add3A_1038 = arith.addi %mul3A_523, %add3A_1037 : i32
      %add3A_1039 = arith.constant 96 : i32
      %add3A_1040 = arith.addi %add3A_1038, %add3A_1039 : i32
      %add3A_1041 = vector.broadcast %add3A_1040 : i32 to vector<16xi32>
      %add3A_1042 = arith.addi %iota3A, %add3A_1041 : vector<16xi32>
      tpu.vector_store_idx %arg18[%add3A_1042], %gather3A_1036 : memref<6144xf32, #tpu.memory_space<vmem>>[vector<16xi32>], vector<16xf32>,
      %add3A_1043 = arith.constant 4 : i32
      %add3A_1044 = vector.broadcast %add3A_1043 : i32 to vector<16xi32>
      %add3A_1045 = arith.addi %mul3A_996, %add3A_1044 : vector<16xi32>
      %gather3A_1046 = tpu.vector_load_idx %arg9[%add3A_1045] : memref<24576xf32, #tpu.memory_space<vmem>>[vector<16xi32>], vector<16xf32>,
      %add3A_1047 = arith.constant 4096 : i32
      %add3A_1048 = arith.addi %mul3A_523, %add3A_1047 : i32
      %add3A_1049 = arith.constant 96 : i32
      %add3A_1050 = arith.addi %add3A_1048, %add3A_1049 : i32
      %add3A_1051 = vector.broadcast %add3A_1050 : i32 to vector<16xi32>
      %add3A_1052 = arith.addi %iota3A, %add3A_1051 : vector<16xi32>
      tpu.vector_store_idx %arg18[%add3A_1052], %gather3A_1046 : memref<6144xf32, #tpu.memory_space<vmem>>[vector<16xi32>], vector<16xf32>,
      %add3A_1053 = arith.constant 5 : i32
      %add3A_1054 = vector.broadcast %add3A_1053 : i32 to vector<16xi32>
      %add3A_1055 = arith.addi %mul3A_996, %add3A_1054 : vector<16xi32>
      %gather3A_1056 = tpu.vector_load_idx %arg9[%add3A_1055] : memref<24576xf32, #tpu.memory_space<vmem>>[vector<16xi32>], vector<16xf32>,
      %add3A_1057 = arith.constant 5120 : i32
      %add3A_1058 = arith.addi %mul3A_523, %add3A_1057 : i32
      %add3A_1059 = arith.constant 96 : i32
      %add3A_1060 = arith.addi %add3A_1058, %add3A_1059 : i32
      %add3A_1061 = vector.broadcast %add3A_1060 : i32 to vector<16xi32>
      %add3A_1062 = arith.addi %iota3A, %add3A_1061 : vector<16xi32>
      tpu.vector_store_idx %arg18[%add3A_1062], %gather3A_1056 : memref<6144xf32, #tpu.memory_space<vmem>>[vector<16xi32>], vector<16xf32>,
      %add3A_1063 = arith.constant 112 : i32
      %add3A_1064 = vector.broadcast %add3A_1063 : i32 to vector<16xi32>
      %add3A_1065 = arith.addi %iota3A, %add3A_1064 : vector<16xi32>
      %get3A_1066 = arith.constant 112 : index
      %get3A_1067 = tpu.vector_load %arg15[%get3A_1066] {strides = array<i32>} : memref<144xi32, #tpu.memory_space<vmem>>, vector<16xi32>,
      %lt3A_1068 = vector.broadcast %scan3A_261#2 : i32 to vector<16xi32>
      %lt3A_1069 = arith.cmpi slt, %add3A_1065, %lt3A_1068 : vector<16xi32>
      %select_n3A_1070 = arith.select %lt3A_1069, %get3A_1067, %add3A_271 : vector<16xi1>, vector<16xi32>
      %mul3A_1071 = arith.constant 6 : i32
      %mul3A_1072 = vector.broadcast %mul3A_1071 : i32 to vector<16xi32>
      %mul3A_1073 = arith.muli %select_n3A_1070, %mul3A_1072 : vector<16xi32>
      %add3A_1074 = arith.constant 0 : i32
      %add3A_1075 = vector.broadcast %add3A_1074 : i32 to vector<16xi32>
      %add3A_1076 = arith.addi %mul3A_1073, %add3A_1075 : vector<16xi32>
      %gather3A_1077 = tpu.vector_load_idx %arg9[%add3A_1076] : memref<24576xf32, #tpu.memory_space<vmem>>[vector<16xi32>], vector<16xf32>,
      %sub3A_1078 = vector.broadcast %squeeze3A_283 : f32 to vector<16xf32>
      %sub3A_1079 = arith.subf %gather3A_1077, %sub3A_1078 : vector<16xf32>
      %add3A_1080 = arith.constant 0 : i32
      %add3A_1081 = arith.addi %mul3A_523, %add3A_1080 : i32
      %add3A_1082 = arith.constant 112 : i32
      %add3A_1083 = arith.addi %add3A_1081, %add3A_1082 : i32
      %add3A_1084 = vector.broadcast %add3A_1083 : i32 to vector<16xi32>
      %add3A_1085 = arith.addi %iota3A, %add3A_1084 : vector<16xi32>
      tpu.vector_store_idx %arg18[%add3A_1085], %sub3A_1079 : memref<6144xf32, #tpu.memory_space<vmem>>[vector<16xi32>], vector<16xf32>,
      %add3A_1086 = arith.constant 1 : i32
      %add3A_1087 = vector.broadcast %add3A_1086 : i32 to vector<16xi32>
      %add3A_1088 = arith.addi %mul3A_1073, %add3A_1087 : vector<16xi32>
      %gather3A_1089 = tpu.vector_load_idx %arg9[%add3A_1088] : memref<24576xf32, #tpu.memory_space<vmem>>[vector<16xi32>], vector<16xf32>,
      %sub3A_1090 = vector.broadcast %squeeze3A_285 : f32 to vector<16xf32>
      %sub3A_1091 = arith.subf %gather3A_1089, %sub3A_1090 : vector<16xf32>
      %add3A_1092 = arith.constant 1024 : i32
      %add3A_1093 = arith.addi %mul3A_523, %add3A_1092 : i32
      %add3A_1094 = arith.constant 112 : i32
      %add3A_1095 = arith.addi %add3A_1093, %add3A_1094 : i32
      %add3A_1096 = vector.broadcast %add3A_1095 : i32 to vector<16xi32>
      %add3A_1097 = arith.addi %iota3A, %add3A_1096 : vector<16xi32>
      tpu.vector_store_idx %arg18[%add3A_1097], %sub3A_1091 : memref<6144xf32, #tpu.memory_space<vmem>>[vector<16xi32>], vector<16xf32>,
      %add3A_1098 = arith.constant 2 : i32
      %add3A_1099 = vector.broadcast %add3A_1098 : i32 to vector<16xi32>
      %add3A_1100 = arith.addi %mul3A_1073, %add3A_1099 : vector<16xi32>
      %gather3A_1101 = tpu.vector_load_idx %arg9[%add3A_1100] : memref<24576xf32, #tpu.memory_space<vmem>>[vector<16xi32>], vector<16xf32>,
      %sub3A_1102 = vector.broadcast %squeeze3A_287 : f32 to vector<16xf32>
      %sub3A_1103 = arith.subf %gather3A_1101, %sub3A_1102 : vector<16xf32>
      %add3A_1104 = arith.constant 2048 : i32
      %add3A_1105 = arith.addi %mul3A_523, %add3A_1104 : i32
      %add3A_1106 = arith.constant 112 : i32
      %add3A_1107 = arith.addi %add3A_1105, %add3A_1106 : i32
      %add3A_1108 = vector.broadcast %add3A_1107 : i32 to vector<16xi32>
      %add3A_1109 = arith.addi %iota3A, %add3A_1108 : vector<16xi32>
      tpu.vector_store_idx %arg18[%add3A_1109], %sub3A_1103 : memref<6144xf32, #tpu.memory_space<vmem>>[vector<16xi32>], vector<16xf32>,
      %add3A_1110 = arith.constant 3 : i32
      %add3A_1111 = vector.broadcast %add3A_1110 : i32 to vector<16xi32>
      %add3A_1112 = arith.addi %mul3A_1073, %add3A_1111 : vector<16xi32>
      %gather3A_1113 = tpu.vector_load_idx %arg9[%add3A_1112] : memref<24576xf32, #tpu.memory_space<vmem>>[vector<16xi32>], vector<16xf32>,
      %add3A_1114 = arith.constant 3072 : i32
      %add3A_1115 = arith.addi %mul3A_523, %add3A_1114 : i32
      %add3A_1116 = arith.constant 112 : i32
      %add3A_1117 = arith.addi %add3A_1115, %add3A_1116 : i32
      %add3A_1118 = vector.broadcast %add3A_1117 : i32 to vector<16xi32>
      %add3A_1119 = arith.addi %iota3A, %add3A_1118 : vector<16xi32>
      tpu.vector_store_idx %arg18[%add3A_1119], %gather3A_1113 : memref<6144xf32, #tpu.memory_space<vmem>>[vector<16xi32>], vector<16xf32>,
      %add3A_1120 = arith.constant 4 : i32
      %add3A_1121 = vector.broadcast %add3A_1120 : i32 to vector<16xi32>
      %add3A_1122 = arith.addi %mul3A_1073, %add3A_1121 : vector<16xi32>
      %gather3A_1123 = tpu.vector_load_idx %arg9[%add3A_1122] : memref<24576xf32, #tpu.memory_space<vmem>>[vector<16xi32>], vector<16xf32>,
      %add3A_1124 = arith.constant 4096 : i32
      %add3A_1125 = arith.addi %mul3A_523, %add3A_1124 : i32
      %add3A_1126 = arith.constant 112 : i32
      %add3A_1127 = arith.addi %add3A_1125, %add3A_1126 : i32
      %add3A_1128 = vector.broadcast %add3A_1127 : i32 to vector<16xi32>
      %add3A_1129 = arith.addi %iota3A, %add3A_1128 : vector<16xi32>
      tpu.vector_store_idx %arg18[%add3A_1129], %gather3A_1123 : memref<6144xf32, #tpu.memory_space<vmem>>[vector<16xi32>], vector<16xf32>,
      %add3A_1130 = arith.constant 5 : i32
      %add3A_1131 = vector.broadcast %add3A_1130 : i32 to vector<16xi32>
      %add3A_1132 = arith.addi %mul3A_1073, %add3A_1131 : vector<16xi32>
      %gather3A_1133 = tpu.vector_load_idx %arg9[%add3A_1132] : memref<24576xf32, #tpu.memory_space<vmem>>[vector<16xi32>], vector<16xf32>,
      %add3A_1134 = arith.constant 5120 : i32
      %add3A_1135 = arith.addi %mul3A_523, %add3A_1134 : i32
      %add3A_1136 = arith.constant 112 : i32
      %add3A_1137 = arith.addi %add3A_1135, %add3A_1136 : i32
      %add3A_1138 = vector.broadcast %add3A_1137 : i32 to vector<16xi32>
      %add3A_1139 = arith.addi %iota3A, %add3A_1138 : vector<16xi32>
      tpu.vector_store_idx %arg18[%add3A_1139], %gather3A_1133 : memref<6144xf32, #tpu.memory_space<vmem>>[vector<16xi32>], vector<16xf32>,
      %eq3A_1140 = arith.constant 7 : i32
      %eq3A_1141 = arith.cmpi eq, %rem3A_228, %eq3A_1140 : i32
      %convert_element_type3A_1142 = arith.extui %eq3A_1141 : i1 to i32
      %cond3A_1143 = arith.constant 0 : i32
      %cond3A_1144 = arith.cmpi ne, %convert_element_type3A_1142, %cond3A_1143 : i32
      scf.if %cond3A_1144 {
        %mul3A_1145 = arith.constant 16 : i32
        %mul3A_1146 = arith.muli %sub3A_229, %mul3A_1145 : i32
        %add3A_1147 = arith.constant 0 : i32
        %add3A_1148 = arith.addi %add3A_1147, %mul3A_1146 : i32
        %dma_start3A_1149 = arith.constant 0 : i32
        %dma_start3A_1150 = tpu.memref_slice %arg16[%dma_start3A_1149] : memref<768xf32, #tpu.memory_space<vmem>> -> memref<128xf32, #tpu.memory_space<vmem>>
        %dma_start3A_1151 = tpu.memref_slice %arg6[%add3A_1148] : memref<196608xf32, #tpu.memory_space<hbm>> -> memref<128xf32, #tpu.memory_space<hbm>>
        %dma_start3A_1152 = tpu.memref_slice %arg6[%add3A_1148] : memref<196608xf32, #tpu.memory_space<hbm>> -> memref<128xf32, #tpu.memory_space<hbm>>
        %dma_start3A_1153 = arith.constant 0 : i32
        %dma_start3A_1154 = tpu.memref_slice %arg16[%dma_start3A_1153] : memref<768xf32, #tpu.memory_space<vmem>> -> memref<128xf32, #tpu.memory_space<vmem>>
        tpu.enqueue_dma source(%dma_start3A_1154 : memref<128xf32, #tpu.memory_space<vmem>>) target(%dma_start3A_1152 : memref<128xf32, #tpu.memory_space<hbm>>) target_semaphore(%arg20 : memref<!tpu.dma_semaphore, #tpu.memory_space<semaphore_mem>>)
        %mul3A_1155 = arith.constant 16 : i32
        %mul3A_1156 = arith.muli %sub3A_229, %mul3A_1155 : i32
        %add3A_1157 = arith.constant 32768 : i32
        %add3A_1158 = arith.addi %add3A_1157, %mul3A_1156 : i32
        %dma_start3A_1159 = arith.constant 128 : i32
        %dma_start3A_1160 = tpu.memref_slice %arg16[%dma_start3A_1159] : memref<768xf32, #tpu.memory_space<vmem>> -> memref<128xf32, #tpu.memory_space<vmem>>
        %dma_start3A_1161 = tpu.memref_slice %arg6[%add3A_1158] : memref<196608xf32, #tpu.memory_space<hbm>> -> memref<128xf32, #tpu.memory_space<hbm>>
        %dma_start3A_1162 = tpu.memref_slice %arg6[%add3A_1158] : memref<196608xf32, #tpu.memory_space<hbm>> -> memref<128xf32, #tpu.memory_space<hbm>>
        %dma_start3A_1163 = arith.constant 128 : i32
        %dma_start3A_1164 = tpu.memref_slice %arg16[%dma_start3A_1163] : memref<768xf32, #tpu.memory_space<vmem>> -> memref<128xf32, #tpu.memory_space<vmem>>
        tpu.enqueue_dma source(%dma_start3A_1164 : memref<128xf32, #tpu.memory_space<vmem>>) target(%dma_start3A_1162 : memref<128xf32, #tpu.memory_space<hbm>>) target_semaphore(%arg20 : memref<!tpu.dma_semaphore, #tpu.memory_space<semaphore_mem>>)
        %mul3A_1165 = arith.constant 16 : i32
        %mul3A_1166 = arith.muli %sub3A_229, %mul3A_1165 : i32
        %add3A_1167 = arith.constant 65536 : i32
        %add3A_1168 = arith.addi %add3A_1167, %mul3A_1166 : i32
        %dma_start3A_1169 = arith.constant 256 : i32
        %dma_start3A_1170 = tpu.memref_slice %arg16[%dma_start3A_1169] : memref<768xf32, #tpu.memory_space<vmem>> -> memref<128xf32, #tpu.memory_space<vmem>>
        %dma_start3A_1171 = tpu.memref_slice %arg6[%add3A_1168] : memref<196608xf32, #tpu.memory_space<hbm>> -> memref<128xf32, #tpu.memory_space<hbm>>
        %dma_start3A_1172 = tpu.memref_slice %arg6[%add3A_1168] : memref<196608xf32, #tpu.memory_space<hbm>> -> memref<128xf32, #tpu.memory_space<hbm>>
        %dma_start3A_1173 = arith.constant 256 : i32
        %dma_start3A_1174 = tpu.memref_slice %arg16[%dma_start3A_1173] : memref<768xf32, #tpu.memory_space<vmem>> -> memref<128xf32, #tpu.memory_space<vmem>>
        tpu.enqueue_dma source(%dma_start3A_1174 : memref<128xf32, #tpu.memory_space<vmem>>) target(%dma_start3A_1172 : memref<128xf32, #tpu.memory_space<hbm>>) target_semaphore(%arg20 : memref<!tpu.dma_semaphore, #tpu.memory_space<semaphore_mem>>)
        %mul3A_1175 = arith.constant 16 : i32
        %mul3A_1176 = arith.muli %sub3A_229, %mul3A_1175 : i32
        %add3A_1177 = arith.constant 98304 : i32
        %add3A_1178 = arith.addi %add3A_1177, %mul3A_1176 : i32
        %dma_start3A_1179 = arith.constant 384 : i32
        %dma_start3A_1180 = tpu.memref_slice %arg16[%dma_start3A_1179] : memref<768xf32, #tpu.memory_space<vmem>> -> memref<128xf32, #tpu.memory_space<vmem>>
        %dma_start3A_1181 = tpu.memref_slice %arg6[%add3A_1178] : memref<196608xf32, #tpu.memory_space<hbm>> -> memref<128xf32, #tpu.memory_space<hbm>>
        %dma_start3A_1182 = tpu.memref_slice %arg6[%add3A_1178] : memref<196608xf32, #tpu.memory_space<hbm>> -> memref<128xf32, #tpu.memory_space<hbm>>
        %dma_start3A_1183 = arith.constant 384 : i32
        %dma_start3A_1184 = tpu.memref_slice %arg16[%dma_start3A_1183] : memref<768xf32, #tpu.memory_space<vmem>> -> memref<128xf32, #tpu.memory_space<vmem>>
        tpu.enqueue_dma source(%dma_start3A_1184 : memref<128xf32, #tpu.memory_space<vmem>>) target(%dma_start3A_1182 : memref<128xf32, #tpu.memory_space<hbm>>) target_semaphore(%arg20 : memref<!tpu.dma_semaphore, #tpu.memory_space<semaphore_mem>>)
        %mul3A_1185 = arith.constant 16 : i32
        %mul3A_1186 = arith.muli %sub3A_229, %mul3A_1185 : i32
        %add3A_1187 = arith.constant 131072 : i32
        %add3A_1188 = arith.addi %add3A_1187, %mul3A_1186 : i32
        %dma_start3A_1189 = arith.constant 512 : i32
        %dma_start3A_1190 = tpu.memref_slice %arg16[%dma_start3A_1189] : memref<768xf32, #tpu.memory_space<vmem>> -> memref<128xf32, #tpu.memory_space<vmem>>
        %dma_start3A_1191 = tpu.memref_slice %arg6[%add3A_1188] : memref<196608xf32, #tpu.memory_space<hbm>> -> memref<128xf32, #tpu.memory_space<hbm>>
        %dma_start3A_1192 = tpu.memref_slice %arg6[%add3A_1188] : memref<196608xf32, #tpu.memory_space<hbm>> -> memref<128xf32, #tpu.memory_space<hbm>>
        %dma_start3A_1193 = arith.constant 512 : i32
        %dma_start3A_1194 = tpu.memref_slice %arg16[%dma_start3A_1193] : memref<768xf32, #tpu.memory_space<vmem>> -> memref<128xf32, #tpu.memory_space<vmem>>
        tpu.enqueue_dma source(%dma_start3A_1194 : memref<128xf32, #tpu.memory_space<vmem>>) target(%dma_start3A_1192 : memref<128xf32, #tpu.memory_space<hbm>>) target_semaphore(%arg20 : memref<!tpu.dma_semaphore, #tpu.memory_space<semaphore_mem>>)
        %mul3A_1195 = arith.constant 16 : i32
        %mul3A_1196 = arith.muli %sub3A_229, %mul3A_1195 : i32
        %add3A_1197 = arith.constant 163840 : i32
        %add3A_1198 = arith.addi %add3A_1197, %mul3A_1196 : i32
        %dma_start3A_1199 = arith.constant 640 : i32
        %dma_start3A_1200 = tpu.memref_slice %arg16[%dma_start3A_1199] : memref<768xf32, #tpu.memory_space<vmem>> -> memref<128xf32, #tpu.memory_space<vmem>>
        %dma_start3A_1201 = tpu.memref_slice %arg6[%add3A_1198] : memref<196608xf32, #tpu.memory_space<hbm>> -> memref<128xf32, #tpu.memory_space<hbm>>
        %dma_start3A_1202 = tpu.memref_slice %arg6[%add3A_1198] : memref<196608xf32, #tpu.memory_space<hbm>> -> memref<128xf32, #tpu.memory_space<hbm>>
        %dma_start3A_1203 = arith.constant 640 : i32
        %dma_start3A_1204 = tpu.memref_slice %arg16[%dma_start3A_1203] : memref<768xf32, #tpu.memory_space<vmem>> -> memref<128xf32, #tpu.memory_space<vmem>>
        tpu.enqueue_dma source(%dma_start3A_1204 : memref<128xf32, #tpu.memory_space<vmem>>) target(%dma_start3A_1202 : memref<128xf32, #tpu.memory_space<hbm>>) target_semaphore(%arg20 : memref<!tpu.dma_semaphore, #tpu.memory_space<semaphore_mem>>)
        %mul3A_1205 = arith.constant 32 : i32
        %mul3A_1206 = arith.muli %sub3A_229, %mul3A_1205 : i32
        %add3A_1207 = arith.constant 0 : i32
        %add3A_1208 = arith.addi %add3A_1207, %mul3A_1206 : i32
        %dma_start3A_1209 = arith.constant 0 : i32
        %dma_start3A_1210 = tpu.memref_slice %arg17[%dma_start3A_1209] : memref<1536xf32, #tpu.memory_space<vmem>> -> memref<256xf32, #tpu.memory_space<vmem>>
        %dma_start3A_1211 = tpu.memref_slice %arg7[%add3A_1208] : memref<393216xf32, #tpu.memory_space<hbm>> -> memref<256xf32, #tpu.memory_space<hbm>>
        %dma_start3A_1212 = tpu.memref_slice %arg7[%add3A_1208] : memref<393216xf32, #tpu.memory_space<hbm>> -> memref<256xf32, #tpu.memory_space<hbm>>
        %dma_start3A_1213 = arith.constant 0 : i32
        %dma_start3A_1214 = tpu.memref_slice %arg17[%dma_start3A_1213] : memref<1536xf32, #tpu.memory_space<vmem>> -> memref<256xf32, #tpu.memory_space<vmem>>
        tpu.enqueue_dma source(%dma_start3A_1214 : memref<256xf32, #tpu.memory_space<vmem>>) target(%dma_start3A_1212 : memref<256xf32, #tpu.memory_space<hbm>>) target_semaphore(%arg20 : memref<!tpu.dma_semaphore, #tpu.memory_space<semaphore_mem>>)
        %mul3A_1215 = arith.constant 32 : i32
        %mul3A_1216 = arith.muli %sub3A_229, %mul3A_1215 : i32
        %add3A_1217 = arith.constant 65536 : i32
        %add3A_1218 = arith.addi %add3A_1217, %mul3A_1216 : i32
        %dma_start3A_1219 = arith.constant 256 : i32
        %dma_start3A_1220 = tpu.memref_slice %arg17[%dma_start3A_1219] : memref<1536xf32, #tpu.memory_space<vmem>> -> memref<256xf32, #tpu.memory_space<vmem>>
        %dma_start3A_1221 = tpu.memref_slice %arg7[%add3A_1218] : memref<393216xf32, #tpu.memory_space<hbm>> -> memref<256xf32, #tpu.memory_space<hbm>>
        %dma_start3A_1222 = tpu.memref_slice %arg7[%add3A_1218] : memref<393216xf32, #tpu.memory_space<hbm>> -> memref<256xf32, #tpu.memory_space<hbm>>
        %dma_start3A_1223 = arith.constant 256 : i32
        %dma_start3A_1224 = tpu.memref_slice %arg17[%dma_start3A_1223] : memref<1536xf32, #tpu.memory_space<vmem>> -> memref<256xf32, #tpu.memory_space<vmem>>
        tpu.enqueue_dma source(%dma_start3A_1224 : memref<256xf32, #tpu.memory_space<vmem>>) target(%dma_start3A_1222 : memref<256xf32, #tpu.memory_space<hbm>>) target_semaphore(%arg20 : memref<!tpu.dma_semaphore, #tpu.memory_space<semaphore_mem>>)
        %mul3A_1225 = arith.constant 32 : i32
        %mul3A_1226 = arith.muli %sub3A_229, %mul3A_1225 : i32
        %add3A_1227 = arith.constant 131072 : i32
        %add3A_1228 = arith.addi %add3A_1227, %mul3A_1226 : i32
        %dma_start3A_1229 = arith.constant 512 : i32
        %dma_start3A_1230 = tpu.memref_slice %arg17[%dma_start3A_1229] : memref<1536xf32, #tpu.memory_space<vmem>> -> memref<256xf32, #tpu.memory_space<vmem>>
        %dma_start3A_1231 = tpu.memref_slice %arg7[%add3A_1228] : memref<393216xf32, #tpu.memory_space<hbm>> -> memref<256xf32, #tpu.memory_space<hbm>>
        %dma_start3A_1232 = tpu.memref_slice %arg7[%add3A_1228] : memref<393216xf32, #tpu.memory_space<hbm>> -> memref<256xf32, #tpu.memory_space<hbm>>
        %dma_start3A_1233 = arith.constant 512 : i32
        %dma_start3A_1234 = tpu.memref_slice %arg17[%dma_start3A_1233] : memref<1536xf32, #tpu.memory_space<vmem>> -> memref<256xf32, #tpu.memory_space<vmem>>
        tpu.enqueue_dma source(%dma_start3A_1234 : memref<256xf32, #tpu.memory_space<vmem>>) target(%dma_start3A_1232 : memref<256xf32, #tpu.memory_space<hbm>>) target_semaphore(%arg20 : memref<!tpu.dma_semaphore, #tpu.memory_space<semaphore_mem>>)
        %mul3A_1235 = arith.constant 32 : i32
        %mul3A_1236 = arith.muli %sub3A_229, %mul3A_1235 : i32
        %add3A_1237 = arith.constant 196608 : i32
        %add3A_1238 = arith.addi %add3A_1237, %mul3A_1236 : i32
        %dma_start3A_1239 = arith.constant 768 : i32
        %dma_start3A_1240 = tpu.memref_slice %arg17[%dma_start3A_1239] : memref<1536xf32, #tpu.memory_space<vmem>> -> memref<256xf32, #tpu.memory_space<vmem>>
        %dma_start3A_1241 = tpu.memref_slice %arg7[%add3A_1238] : memref<393216xf32, #tpu.memory_space<hbm>> -> memref<256xf32, #tpu.memory_space<hbm>>
        %dma_start3A_1242 = tpu.memref_slice %arg7[%add3A_1238] : memref<393216xf32, #tpu.memory_space<hbm>> -> memref<256xf32, #tpu.memory_space<hbm>>
        %dma_start3A_1243 = arith.constant 768 : i32
        %dma_start3A_1244 = tpu.memref_slice %arg17[%dma_start3A_1243] : memref<1536xf32, #tpu.memory_space<vmem>> -> memref<256xf32, #tpu.memory_space<vmem>>
        tpu.enqueue_dma source(%dma_start3A_1244 : memref<256xf32, #tpu.memory_space<vmem>>) target(%dma_start3A_1242 : memref<256xf32, #tpu.memory_space<hbm>>) target_semaphore(%arg20 : memref<!tpu.dma_semaphore, #tpu.memory_space<semaphore_mem>>)
        %mul3A_1245 = arith.constant 32 : i32
        %mul3A_1246 = arith.muli %sub3A_229, %mul3A_1245 : i32
        %add3A_1247 = arith.constant 262144 : i32
        %add3A_1248 = arith.addi %add3A_1247, %mul3A_1246 : i32
        %dma_start3A_1249 = arith.constant 1024 : i32
        %dma_start3A_1250 = tpu.memref_slice %arg17[%dma_start3A_1249] : memref<1536xf32, #tpu.memory_space<vmem>> -> memref<256xf32, #tpu.memory_space<vmem>>
        %dma_start3A_1251 = tpu.memref_slice %arg7[%add3A_1248] : memref<393216xf32, #tpu.memory_space<hbm>> -> memref<256xf32, #tpu.memory_space<hbm>>
        %dma_start3A_1252 = tpu.memref_slice %arg7[%add3A_1248] : memref<393216xf32, #tpu.memory_space<hbm>> -> memref<256xf32, #tpu.memory_space<hbm>>
        %dma_start3A_1253 = arith.constant 1024 : i32
        %dma_start3A_1254 = tpu.memref_slice %arg17[%dma_start3A_1253] : memref<1536xf32, #tpu.memory_space<vmem>> -> memref<256xf32, #tpu.memory_space<vmem>>
        tpu.enqueue_dma source(%dma_start3A_1254 : memref<256xf32, #tpu.memory_space<vmem>>) target(%dma_start3A_1252 : memref<256xf32, #tpu.memory_space<hbm>>) target_semaphore(%arg20 : memref<!tpu.dma_semaphore, #tpu.memory_space<semaphore_mem>>)
        %mul3A_1255 = arith.constant 32 : i32
        %mul3A_1256 = arith.muli %sub3A_229, %mul3A_1255 : i32
        %add3A_1257 = arith.constant 327680 : i32
        %add3A_1258 = arith.addi %add3A_1257, %mul3A_1256 : i32
        %dma_start3A_1259 = arith.constant 1280 : i32
        %dma_start3A_1260 = tpu.memref_slice %arg17[%dma_start3A_1259] : memref<1536xf32, #tpu.memory_space<vmem>> -> memref<256xf32, #tpu.memory_space<vmem>>
        %dma_start3A_1261 = tpu.memref_slice %arg7[%add3A_1258] : memref<393216xf32, #tpu.memory_space<hbm>> -> memref<256xf32, #tpu.memory_space<hbm>>
        %dma_start3A_1262 = tpu.memref_slice %arg7[%add3A_1258] : memref<393216xf32, #tpu.memory_space<hbm>> -> memref<256xf32, #tpu.memory_space<hbm>>
        %dma_start3A_1263 = arith.constant 1280 : i32
        %dma_start3A_1264 = tpu.memref_slice %arg17[%dma_start3A_1263] : memref<1536xf32, #tpu.memory_space<vmem>> -> memref<256xf32, #tpu.memory_space<vmem>>
        tpu.enqueue_dma source(%dma_start3A_1264 : memref<256xf32, #tpu.memory_space<vmem>>) target(%dma_start3A_1262 : memref<256xf32, #tpu.memory_space<hbm>>) target_semaphore(%arg20 : memref<!tpu.dma_semaphore, #tpu.memory_space<semaphore_mem>>)
        %mul3A_1265 = arith.constant 128 : i32
        %mul3A_1266 = arith.muli %sub3A_229, %mul3A_1265 : i32
        %add3A_1267 = arith.constant 0 : i32
        %add3A_1268 = arith.addi %add3A_1267, %mul3A_1266 : i32
        %dma_start3A_1269 = arith.constant 0 : i32
        %dma_start3A_1270 = tpu.memref_slice %arg18[%dma_start3A_1269] : memref<6144xf32, #tpu.memory_space<vmem>> -> memref<1024xf32, #tpu.memory_space<vmem>>
        %dma_start3A_1271 = tpu.memref_slice %arg8[%add3A_1268] : memref<1572864xf32, #tpu.memory_space<hbm>> -> memref<1024xf32, #tpu.memory_space<hbm>>
        %dma_start3A_1272 = tpu.memref_slice %arg8[%add3A_1268] : memref<1572864xf32, #tpu.memory_space<hbm>> -> memref<1024xf32, #tpu.memory_space<hbm>>
        %dma_start3A_1273 = arith.constant 0 : i32
        %dma_start3A_1274 = tpu.memref_slice %arg18[%dma_start3A_1273] : memref<6144xf32, #tpu.memory_space<vmem>> -> memref<1024xf32, #tpu.memory_space<vmem>>
        tpu.enqueue_dma source(%dma_start3A_1274 : memref<1024xf32, #tpu.memory_space<vmem>>) target(%dma_start3A_1272 : memref<1024xf32, #tpu.memory_space<hbm>>) target_semaphore(%arg20 : memref<!tpu.dma_semaphore, #tpu.memory_space<semaphore_mem>>)
        %mul3A_1275 = arith.constant 128 : i32
        %mul3A_1276 = arith.muli %sub3A_229, %mul3A_1275 : i32
        %add3A_1277 = arith.constant 262144 : i32
        %add3A_1278 = arith.addi %add3A_1277, %mul3A_1276 : i32
        %dma_start3A_1279 = arith.constant 1024 : i32
        %dma_start3A_1280 = tpu.memref_slice %arg18[%dma_start3A_1279] : memref<6144xf32, #tpu.memory_space<vmem>> -> memref<1024xf32, #tpu.memory_space<vmem>>
        %dma_start3A_1281 = tpu.memref_slice %arg8[%add3A_1278] : memref<1572864xf32, #tpu.memory_space<hbm>> -> memref<1024xf32, #tpu.memory_space<hbm>>
        %dma_start3A_1282 = tpu.memref_slice %arg8[%add3A_1278] : memref<1572864xf32, #tpu.memory_space<hbm>> -> memref<1024xf32, #tpu.memory_space<hbm>>
        %dma_start3A_1283 = arith.constant 1024 : i32
        %dma_start3A_1284 = tpu.memref_slice %arg18[%dma_start3A_1283] : memref<6144xf32, #tpu.memory_space<vmem>> -> memref<1024xf32, #tpu.memory_space<vmem>>
        tpu.enqueue_dma source(%dma_start3A_1284 : memref<1024xf32, #tpu.memory_space<vmem>>) target(%dma_start3A_1282 : memref<1024xf32, #tpu.memory_space<hbm>>) target_semaphore(%arg20 : memref<!tpu.dma_semaphore, #tpu.memory_space<semaphore_mem>>)
        %mul3A_1285 = arith.constant 128 : i32
        %mul3A_1286 = arith.muli %sub3A_229, %mul3A_1285 : i32
        %add3A_1287 = arith.constant 524288 : i32
        %add3A_1288 = arith.addi %add3A_1287, %mul3A_1286 : i32
        %dma_start3A_1289 = arith.constant 2048 : i32
        %dma_start3A_1290 = tpu.memref_slice %arg18[%dma_start3A_1289] : memref<6144xf32, #tpu.memory_space<vmem>> -> memref<1024xf32, #tpu.memory_space<vmem>>
        %dma_start3A_1291 = tpu.memref_slice %arg8[%add3A_1288] : memref<1572864xf32, #tpu.memory_space<hbm>> -> memref<1024xf32, #tpu.memory_space<hbm>>
        %dma_start3A_1292 = tpu.memref_slice %arg8[%add3A_1288] : memref<1572864xf32, #tpu.memory_space<hbm>> -> memref<1024xf32, #tpu.memory_space<hbm>>
        %dma_start3A_1293 = arith.constant 2048 : i32
        %dma_start3A_1294 = tpu.memref_slice %arg18[%dma_start3A_1293] : memref<6144xf32, #tpu.memory_space<vmem>> -> memref<1024xf32, #tpu.memory_space<vmem>>
        tpu.enqueue_dma source(%dma_start3A_1294 : memref<1024xf32, #tpu.memory_space<vmem>>) target(%dma_start3A_1292 : memref<1024xf32, #tpu.memory_space<hbm>>) target_semaphore(%arg20 : memref<!tpu.dma_semaphore, #tpu.memory_space<semaphore_mem>>)
        %mul3A_1295 = arith.constant 128 : i32
        %mul3A_1296 = arith.muli %sub3A_229, %mul3A_1295 : i32
        %add3A_1297 = arith.constant 786432 : i32
        %add3A_1298 = arith.addi %add3A_1297, %mul3A_1296 : i32
        %dma_start3A_1299 = arith.constant 3072 : i32
        %dma_start3A_1300 = tpu.memref_slice %arg18[%dma_start3A_1299] : memref<6144xf32, #tpu.memory_space<vmem>> -> memref<1024xf32, #tpu.memory_space<vmem>>
        %dma_start3A_1301 = tpu.memref_slice %arg8[%add3A_1298] : memref<1572864xf32, #tpu.memory_space<hbm>> -> memref<1024xf32, #tpu.memory_space<hbm>>
        %dma_start3A_1302 = tpu.memref_slice %arg8[%add3A_1298] : memref<1572864xf32, #tpu.memory_space<hbm>> -> memref<1024xf32, #tpu.memory_space<hbm>>
        %dma_start3A_1303 = arith.constant 3072 : i32
        %dma_start3A_1304 = tpu.memref_slice %arg18[%dma_start3A_1303] : memref<6144xf32, #tpu.memory_space<vmem>> -> memref<1024xf32, #tpu.memory_space<vmem>>
        tpu.enqueue_dma source(%dma_start3A_1304 : memref<1024xf32, #tpu.memory_space<vmem>>) target(%dma_start3A_1302 : memref<1024xf32, #tpu.memory_space<hbm>>) target_semaphore(%arg20 : memref<!tpu.dma_semaphore, #tpu.memory_space<semaphore_mem>>)
        %mul3A_1305 = arith.constant 128 : i32
        %mul3A_1306 = arith.muli %sub3A_229, %mul3A_1305 : i32
        %add3A_1307 = arith.constant 1048576 : i32
        %add3A_1308 = arith.addi %add3A_1307, %mul3A_1306 : i32
        %dma_start3A_1309 = arith.constant 4096 : i32
        %dma_start3A_1310 = tpu.memref_slice %arg18[%dma_start3A_1309] : memref<6144xf32, #tpu.memory_space<vmem>> -> memref<1024xf32, #tpu.memory_space<vmem>>
        %dma_start3A_1311 = tpu.memref_slice %arg8[%add3A_1308] : memref<1572864xf32, #tpu.memory_space<hbm>> -> memref<1024xf32, #tpu.memory_space<hbm>>
        %dma_start3A_1312 = tpu.memref_slice %arg8[%add3A_1308] : memref<1572864xf32, #tpu.memory_space<hbm>> -> memref<1024xf32, #tpu.memory_space<hbm>>
        %dma_start3A_1313 = arith.constant 4096 : i32
        %dma_start3A_1314 = tpu.memref_slice %arg18[%dma_start3A_1313] : memref<6144xf32, #tpu.memory_space<vmem>> -> memref<1024xf32, #tpu.memory_space<vmem>>
        tpu.enqueue_dma source(%dma_start3A_1314 : memref<1024xf32, #tpu.memory_space<vmem>>) target(%dma_start3A_1312 : memref<1024xf32, #tpu.memory_space<hbm>>) target_semaphore(%arg20 : memref<!tpu.dma_semaphore, #tpu.memory_space<semaphore_mem>>)
        %mul3A_1315 = arith.constant 128 : i32
        %mul3A_1316 = arith.muli %sub3A_229, %mul3A_1315 : i32
        %add3A_1317 = arith.constant 1310720 : i32
        %add3A_1318 = arith.addi %add3A_1317, %mul3A_1316 : i32
        %dma_start3A_1319 = arith.constant 5120 : i32
        %dma_start3A_1320 = tpu.memref_slice %arg18[%dma_start3A_1319] : memref<6144xf32, #tpu.memory_space<vmem>> -> memref<1024xf32, #tpu.memory_space<vmem>>
        %dma_start3A_1321 = tpu.memref_slice %arg8[%add3A_1318] : memref<1572864xf32, #tpu.memory_space<hbm>> -> memref<1024xf32, #tpu.memory_space<hbm>>
        %dma_start3A_1322 = tpu.memref_slice %arg8[%add3A_1318] : memref<1572864xf32, #tpu.memory_space<hbm>> -> memref<1024xf32, #tpu.memory_space<hbm>>
        %dma_start3A_1323 = arith.constant 5120 : i32
        %dma_start3A_1324 = tpu.memref_slice %arg18[%dma_start3A_1323] : memref<6144xf32, #tpu.memory_space<vmem>> -> memref<1024xf32, #tpu.memory_space<vmem>>
        tpu.enqueue_dma source(%dma_start3A_1324 : memref<1024xf32, #tpu.memory_space<vmem>>) target(%dma_start3A_1322 : memref<1024xf32, #tpu.memory_space<hbm>>) target_semaphore(%arg20 : memref<!tpu.dma_semaphore, #tpu.memory_space<semaphore_mem>>)
      } else {
      }
    }
    %scan3A_39 = arith.constant 64 : i32
    %add3A_40 = arith.constant 64 : i32
    %add3A_41 = arith.addi %mul3A_2, %add3A_40 : i32
    %sub3A_42 = arith.constant 8 : i32
    %sub3A_43 = arith.subi %add3A_41, %sub3A_42 : i32
    %mul3A_44 = arith.constant 16 : i32
    %mul3A_45 = arith.muli %sub3A_43, %mul3A_44 : i32
    %add3A_46 = arith.constant 0 : i32
    %add3A_47 = arith.addi %add3A_46, %mul3A_45 : i32
    %dma_wait3A = arith.constant 0 : i32
    %dma_wait3A_48 = tpu.memref_slice %arg16[%dma_wait3A] : memref<768xf32, #tpu.memory_space<vmem>> -> memref<128xf32, #tpu.memory_space<vmem>>
    %dma_wait3A_49 = tpu.memref_slice %arg6[%add3A_47] : memref<196608xf32, #tpu.memory_space<hbm>> -> memref<128xf32, #tpu.memory_space<hbm>>
    %dma_wait3A_50 = tpu.memref_slice %arg6[%add3A_47] : memref<196608xf32, #tpu.memory_space<hbm>> -> memref<128xf32, #tpu.memory_space<hbm>>
    %dma_wait3A_51 = arith.constant 0 : i32
    %dma_wait3A_52 = tpu.memref_slice %arg16[%dma_wait3A_51] : memref<768xf32, #tpu.memory_space<vmem>> -> memref<128xf32, #tpu.memory_space<vmem>>
    tpu.wait_dma2 semaphore(%arg20 : memref<!tpu.dma_semaphore, #tpu.memory_space<semaphore_mem>>) src(%dma_wait3A_52 : memref<128xf32, #tpu.memory_space<vmem>>) dst(%dma_wait3A_50 : memref<128xf32, #tpu.memory_space<hbm>>)
    %mul3A_53 = arith.constant 16 : i32
    %mul3A_54 = arith.muli %sub3A_43, %mul3A_53 : i32
    %add3A_55 = arith.constant 32768 : i32
    %add3A_56 = arith.addi %add3A_55, %mul3A_54 : i32
    %dma_wait3A_57 = arith.constant 128 : i32
    %dma_wait3A_58 = tpu.memref_slice %arg16[%dma_wait3A_57] : memref<768xf32, #tpu.memory_space<vmem>> -> memref<128xf32, #tpu.memory_space<vmem>>
    %dma_wait3A_59 = tpu.memref_slice %arg6[%add3A_56] : memref<196608xf32, #tpu.memory_space<hbm>> -> memref<128xf32, #tpu.memory_space<hbm>>
    %dma_wait3A_60 = tpu.memref_slice %arg6[%add3A_56] : memref<196608xf32, #tpu.memory_space<hbm>> -> memref<128xf32, #tpu.memory_space<hbm>>
    %dma_wait3A_61 = arith.constant 128 : i32
    %dma_wait3A_62 = tpu.memref_slice %arg16[%dma_wait3A_61] : memref<768xf32, #tpu.memory_space<vmem>> -> memref<128xf32, #tpu.memory_space<vmem>>
    tpu.wait_dma2 semaphore(%arg20 : memref<!tpu.dma_semaphore, #tpu.memory_space<semaphore_mem>>) src(%dma_wait3A_62 : memref<128xf32, #tpu.memory_space<vmem>>) dst(%dma_wait3A_60 : memref<128xf32, #tpu.memory_space<hbm>>)
    %mul3A_63 = arith.constant 16 : i32
    %mul3A_64 = arith.muli %sub3A_43, %mul3A_63 : i32
    %add3A_65 = arith.constant 65536 : i32
    %add3A_66 = arith.addi %add3A_65, %mul3A_64 : i32
    %dma_wait3A_67 = arith.constant 256 : i32
    %dma_wait3A_68 = tpu.memref_slice %arg16[%dma_wait3A_67] : memref<768xf32, #tpu.memory_space<vmem>> -> memref<128xf32, #tpu.memory_space<vmem>>
    %dma_wait3A_69 = tpu.memref_slice %arg6[%add3A_66] : memref<196608xf32, #tpu.memory_space<hbm>> -> memref<128xf32, #tpu.memory_space<hbm>>
    %dma_wait3A_70 = tpu.memref_slice %arg6[%add3A_66] : memref<196608xf32, #tpu.memory_space<hbm>> -> memref<128xf32, #tpu.memory_space<hbm>>
    %dma_wait3A_71 = arith.constant 256 : i32
    %dma_wait3A_72 = tpu.memref_slice %arg16[%dma_wait3A_71] : memref<768xf32, #tpu.memory_space<vmem>> -> memref<128xf32, #tpu.memory_space<vmem>>
    tpu.wait_dma2 semaphore(%arg20 : memref<!tpu.dma_semaphore, #tpu.memory_space<semaphore_mem>>) src(%dma_wait3A_72 : memref<128xf32, #tpu.memory_space<vmem>>) dst(%dma_wait3A_70 : memref<128xf32, #tpu.memory_space<hbm>>)
    %mul3A_73 = arith.constant 16 : i32
    %mul3A_74 = arith.muli %sub3A_43, %mul3A_73 : i32
    %add3A_75 = arith.constant 98304 : i32
    %add3A_76 = arith.addi %add3A_75, %mul3A_74 : i32
    %dma_wait3A_77 = arith.constant 384 : i32
    %dma_wait3A_78 = tpu.memref_slice %arg16[%dma_wait3A_77] : memref<768xf32, #tpu.memory_space<vmem>> -> memref<128xf32, #tpu.memory_space<vmem>>
    %dma_wait3A_79 = tpu.memref_slice %arg6[%add3A_76] : memref<196608xf32, #tpu.memory_space<hbm>> -> memref<128xf32, #tpu.memory_space<hbm>>
    %dma_wait3A_80 = tpu.memref_slice %arg6[%add3A_76] : memref<196608xf32, #tpu.memory_space<hbm>> -> memref<128xf32, #tpu.memory_space<hbm>>
    %dma_wait3A_81 = arith.constant 384 : i32
    %dma_wait3A_82 = tpu.memref_slice %arg16[%dma_wait3A_81] : memref<768xf32, #tpu.memory_space<vmem>> -> memref<128xf32, #tpu.memory_space<vmem>>
    tpu.wait_dma2 semaphore(%arg20 : memref<!tpu.dma_semaphore, #tpu.memory_space<semaphore_mem>>) src(%dma_wait3A_82 : memref<128xf32, #tpu.memory_space<vmem>>) dst(%dma_wait3A_80 : memref<128xf32, #tpu.memory_space<hbm>>)
    %mul3A_83 = arith.constant 16 : i32
    %mul3A_84 = arith.muli %sub3A_43, %mul3A_83 : i32
    %add3A_85 = arith.constant 131072 : i32
    %add3A_86 = arith.addi %add3A_85, %mul3A_84 : i32
    %dma_wait3A_87 = arith.constant 512 : i32
    %dma_wait3A_88 = tpu.memref_slice %arg16[%dma_wait3A_87] : memref<768xf32, #tpu.memory_space<vmem>> -> memref<128xf32, #tpu.memory_space<vmem>>
    %dma_wait3A_89 = tpu.memref_slice %arg6[%add3A_86] : memref<196608xf32, #tpu.memory_space<hbm>> -> memref<128xf32, #tpu.memory_space<hbm>>
    %dma_wait3A_90 = tpu.memref_slice %arg6[%add3A_86] : memref<196608xf32, #tpu.memory_space<hbm>> -> memref<128xf32, #tpu.memory_space<hbm>>
    %dma_wait3A_91 = arith.constant 512 : i32
    %dma_wait3A_92 = tpu.memref_slice %arg16[%dma_wait3A_91] : memref<768xf32, #tpu.memory_space<vmem>> -> memref<128xf32, #tpu.memory_space<vmem>>
    tpu.wait_dma2 semaphore(%arg20 : memref<!tpu.dma_semaphore, #tpu.memory_space<semaphore_mem>>) src(%dma_wait3A_92 : memref<128xf32, #tpu.memory_space<vmem>>) dst(%dma_wait3A_90 : memref<128xf32, #tpu.memory_space<hbm>>)
    %mul3A_93 = arith.constant 16 : i32
    %mul3A_94 = arith.muli %sub3A_43, %mul3A_93 : i32
    %add3A_95 = arith.constant 163840 : i32
    %add3A_96 = arith.addi %add3A_95, %mul3A_94 : i32
    %dma_wait3A_97 = arith.constant 640 : i32
    %dma_wait3A_98 = tpu.memref_slice %arg16[%dma_wait3A_97] : memref<768xf32, #tpu.memory_space<vmem>> -> memref<128xf32, #tpu.memory_space<vmem>>
    %dma_wait3A_99 = tpu.memref_slice %arg6[%add3A_96] : memref<196608xf32, #tpu.memory_space<hbm>> -> memref<128xf32, #tpu.memory_space<hbm>>
    %dma_wait3A_100 = tpu.memref_slice %arg6[%add3A_96] : memref<196608xf32, #tpu.memory_space<hbm>> -> memref<128xf32, #tpu.memory_space<hbm>>
    %dma_wait3A_101 = arith.constant 640 : i32
    %dma_wait3A_102 = tpu.memref_slice %arg16[%dma_wait3A_101] : memref<768xf32, #tpu.memory_space<vmem>> -> memref<128xf32, #tpu.memory_space<vmem>>
    tpu.wait_dma2 semaphore(%arg20 : memref<!tpu.dma_semaphore, #tpu.memory_space<semaphore_mem>>) src(%dma_wait3A_102 : memref<128xf32, #tpu.memory_space<vmem>>) dst(%dma_wait3A_100 : memref<128xf32, #tpu.memory_space<hbm>>)
    %mul3A_103 = arith.constant 32 : i32
    %mul3A_104 = arith.muli %sub3A_43, %mul3A_103 : i32
    %add3A_105 = arith.constant 0 : i32
    %add3A_106 = arith.addi %add3A_105, %mul3A_104 : i32
    %dma_wait3A_107 = arith.constant 0 : i32
    %dma_wait3A_108 = tpu.memref_slice %arg17[%dma_wait3A_107] : memref<1536xf32, #tpu.memory_space<vmem>> -> memref<256xf32, #tpu.memory_space<vmem>>
    %dma_wait3A_109 = tpu.memref_slice %arg7[%add3A_106] : memref<393216xf32, #tpu.memory_space<hbm>> -> memref<256xf32, #tpu.memory_space<hbm>>
    %dma_wait3A_110 = tpu.memref_slice %arg7[%add3A_106] : memref<393216xf32, #tpu.memory_space<hbm>> -> memref<256xf32, #tpu.memory_space<hbm>>
    %dma_wait3A_111 = arith.constant 0 : i32
    %dma_wait3A_112 = tpu.memref_slice %arg17[%dma_wait3A_111] : memref<1536xf32, #tpu.memory_space<vmem>> -> memref<256xf32, #tpu.memory_space<vmem>>
    tpu.wait_dma2 semaphore(%arg20 : memref<!tpu.dma_semaphore, #tpu.memory_space<semaphore_mem>>) src(%dma_wait3A_112 : memref<256xf32, #tpu.memory_space<vmem>>) dst(%dma_wait3A_110 : memref<256xf32, #tpu.memory_space<hbm>>)
    %mul3A_113 = arith.constant 32 : i32
    %mul3A_114 = arith.muli %sub3A_43, %mul3A_113 : i32
    %add3A_115 = arith.constant 65536 : i32
    %add3A_116 = arith.addi %add3A_115, %mul3A_114 : i32
    %dma_wait3A_117 = arith.constant 256 : i32
    %dma_wait3A_118 = tpu.memref_slice %arg17[%dma_wait3A_117] : memref<1536xf32, #tpu.memory_space<vmem>> -> memref<256xf32, #tpu.memory_space<vmem>>
    %dma_wait3A_119 = tpu.memref_slice %arg7[%add3A_116] : memref<393216xf32, #tpu.memory_space<hbm>> -> memref<256xf32, #tpu.memory_space<hbm>>
    %dma_wait3A_120 = tpu.memref_slice %arg7[%add3A_116] : memref<393216xf32, #tpu.memory_space<hbm>> -> memref<256xf32, #tpu.memory_space<hbm>>
    %dma_wait3A_121 = arith.constant 256 : i32
    %dma_wait3A_122 = tpu.memref_slice %arg17[%dma_wait3A_121] : memref<1536xf32, #tpu.memory_space<vmem>> -> memref<256xf32, #tpu.memory_space<vmem>>
    tpu.wait_dma2 semaphore(%arg20 : memref<!tpu.dma_semaphore, #tpu.memory_space<semaphore_mem>>) src(%dma_wait3A_122 : memref<256xf32, #tpu.memory_space<vmem>>) dst(%dma_wait3A_120 : memref<256xf32, #tpu.memory_space<hbm>>)
    %mul3A_123 = arith.constant 32 : i32
    %mul3A_124 = arith.muli %sub3A_43, %mul3A_123 : i32
    %add3A_125 = arith.constant 131072 : i32
    %add3A_126 = arith.addi %add3A_125, %mul3A_124 : i32
    %dma_wait3A_127 = arith.constant 512 : i32
    %dma_wait3A_128 = tpu.memref_slice %arg17[%dma_wait3A_127] : memref<1536xf32, #tpu.memory_space<vmem>> -> memref<256xf32, #tpu.memory_space<vmem>>
    %dma_wait3A_129 = tpu.memref_slice %arg7[%add3A_126] : memref<393216xf32, #tpu.memory_space<hbm>> -> memref<256xf32, #tpu.memory_space<hbm>>
    %dma_wait3A_130 = tpu.memref_slice %arg7[%add3A_126] : memref<393216xf32, #tpu.memory_space<hbm>> -> memref<256xf32, #tpu.memory_space<hbm>>
    %dma_wait3A_131 = arith.constant 512 : i32
    %dma_wait3A_132 = tpu.memref_slice %arg17[%dma_wait3A_131] : memref<1536xf32, #tpu.memory_space<vmem>> -> memref<256xf32, #tpu.memory_space<vmem>>
    tpu.wait_dma2 semaphore(%arg20 : memref<!tpu.dma_semaphore, #tpu.memory_space<semaphore_mem>>) src(%dma_wait3A_132 : memref<256xf32, #tpu.memory_space<vmem>>) dst(%dma_wait3A_130 : memref<256xf32, #tpu.memory_space<hbm>>)
    %mul3A_133 = arith.constant 32 : i32
    %mul3A_134 = arith.muli %sub3A_43, %mul3A_133 : i32
    %add3A_135 = arith.constant 196608 : i32
    %add3A_136 = arith.addi %add3A_135, %mul3A_134 : i32
    %dma_wait3A_137 = arith.constant 768 : i32
    %dma_wait3A_138 = tpu.memref_slice %arg17[%dma_wait3A_137] : memref<1536xf32, #tpu.memory_space<vmem>> -> memref<256xf32, #tpu.memory_space<vmem>>
    %dma_wait3A_139 = tpu.memref_slice %arg7[%add3A_136] : memref<393216xf32, #tpu.memory_space<hbm>> -> memref<256xf32, #tpu.memory_space<hbm>>
    %dma_wait3A_140 = tpu.memref_slice %arg7[%add3A_136] : memref<393216xf32, #tpu.memory_space<hbm>> -> memref<256xf32, #tpu.memory_space<hbm>>
    %dma_wait3A_141 = arith.constant 768 : i32
    %dma_wait3A_142 = tpu.memref_slice %arg17[%dma_wait3A_141] : memref<1536xf32, #tpu.memory_space<vmem>> -> memref<256xf32, #tpu.memory_space<vmem>>
    tpu.wait_dma2 semaphore(%arg20 : memref<!tpu.dma_semaphore, #tpu.memory_space<semaphore_mem>>) src(%dma_wait3A_142 : memref<256xf32, #tpu.memory_space<vmem>>) dst(%dma_wait3A_140 : memref<256xf32, #tpu.memory_space<hbm>>)
    %mul3A_143 = arith.constant 32 : i32
    %mul3A_144 = arith.muli %sub3A_43, %mul3A_143 : i32
    %add3A_145 = arith.constant 262144 : i32
    %add3A_146 = arith.addi %add3A_145, %mul3A_144 : i32
    %dma_wait3A_147 = arith.constant 1024 : i32
    %dma_wait3A_148 = tpu.memref_slice %arg17[%dma_wait3A_147] : memref<1536xf32, #tpu.memory_space<vmem>> -> memref<256xf32, #tpu.memory_space<vmem>>
    %dma_wait3A_149 = tpu.memref_slice %arg7[%add3A_146] : memref<393216xf32, #tpu.memory_space<hbm>> -> memref<256xf32, #tpu.memory_space<hbm>>
    %dma_wait3A_150 = tpu.memref_slice %arg7[%add3A_146] : memref<393216xf32, #tpu.memory_space<hbm>> -> memref<256xf32, #tpu.memory_space<hbm>>
    %dma_wait3A_151 = arith.constant 1024 : i32
    %dma_wait3A_152 = tpu.memref_slice %arg17[%dma_wait3A_151] : memref<1536xf32, #tpu.memory_space<vmem>> -> memref<256xf32, #tpu.memory_space<vmem>>
    tpu.wait_dma2 semaphore(%arg20 : memref<!tpu.dma_semaphore, #tpu.memory_space<semaphore_mem>>) src(%dma_wait3A_152 : memref<256xf32, #tpu.memory_space<vmem>>) dst(%dma_wait3A_150 : memref<256xf32, #tpu.memory_space<hbm>>)
    %mul3A_153 = arith.constant 32 : i32
    %mul3A_154 = arith.muli %sub3A_43, %mul3A_153 : i32
    %add3A_155 = arith.constant 327680 : i32
    %add3A_156 = arith.addi %add3A_155, %mul3A_154 : i32
    %dma_wait3A_157 = arith.constant 1280 : i32
    %dma_wait3A_158 = tpu.memref_slice %arg17[%dma_wait3A_157] : memref<1536xf32, #tpu.memory_space<vmem>> -> memref<256xf32, #tpu.memory_space<vmem>>
    %dma_wait3A_159 = tpu.memref_slice %arg7[%add3A_156] : memref<393216xf32, #tpu.memory_space<hbm>> -> memref<256xf32, #tpu.memory_space<hbm>>
    %dma_wait3A_160 = tpu.memref_slice %arg7[%add3A_156] : memref<393216xf32, #tpu.memory_space<hbm>> -> memref<256xf32, #tpu.memory_space<hbm>>
    %dma_wait3A_161 = arith.constant 1280 : i32
    %dma_wait3A_162 = tpu.memref_slice %arg17[%dma_wait3A_161] : memref<1536xf32, #tpu.memory_space<vmem>> -> memref<256xf32, #tpu.memory_space<vmem>>
    tpu.wait_dma2 semaphore(%arg20 : memref<!tpu.dma_semaphore, #tpu.memory_space<semaphore_mem>>) src(%dma_wait3A_162 : memref<256xf32, #tpu.memory_space<vmem>>) dst(%dma_wait3A_160 : memref<256xf32, #tpu.memory_space<hbm>>)
    %mul3A_163 = arith.constant 128 : i32
    %mul3A_164 = arith.muli %sub3A_43, %mul3A_163 : i32
    %add3A_165 = arith.constant 0 : i32
    %add3A_166 = arith.addi %add3A_165, %mul3A_164 : i32
    %dma_wait3A_167 = arith.constant 0 : i32
    %dma_wait3A_168 = tpu.memref_slice %arg18[%dma_wait3A_167] : memref<6144xf32, #tpu.memory_space<vmem>> -> memref<1024xf32, #tpu.memory_space<vmem>>
    %dma_wait3A_169 = tpu.memref_slice %arg8[%add3A_166] : memref<1572864xf32, #tpu.memory_space<hbm>> -> memref<1024xf32, #tpu.memory_space<hbm>>
    %dma_wait3A_170 = tpu.memref_slice %arg8[%add3A_166] : memref<1572864xf32, #tpu.memory_space<hbm>> -> memref<1024xf32, #tpu.memory_space<hbm>>
    %dma_wait3A_171 = arith.constant 0 : i32
    %dma_wait3A_172 = tpu.memref_slice %arg18[%dma_wait3A_171] : memref<6144xf32, #tpu.memory_space<vmem>> -> memref<1024xf32, #tpu.memory_space<vmem>>
    tpu.wait_dma2 semaphore(%arg20 : memref<!tpu.dma_semaphore, #tpu.memory_space<semaphore_mem>>) src(%dma_wait3A_172 : memref<1024xf32, #tpu.memory_space<vmem>>) dst(%dma_wait3A_170 : memref<1024xf32, #tpu.memory_space<hbm>>)
    %mul3A_173 = arith.constant 128 : i32
    %mul3A_174 = arith.muli %sub3A_43, %mul3A_173 : i32
    %add3A_175 = arith.constant 262144 : i32
    %add3A_176 = arith.addi %add3A_175, %mul3A_174 : i32
    %dma_wait3A_177 = arith.constant 1024 : i32
    %dma_wait3A_178 = tpu.memref_slice %arg18[%dma_wait3A_177] : memref<6144xf32, #tpu.memory_space<vmem>> -> memref<1024xf32, #tpu.memory_space<vmem>>
    %dma_wait3A_179 = tpu.memref_slice %arg8[%add3A_176] : memref<1572864xf32, #tpu.memory_space<hbm>> -> memref<1024xf32, #tpu.memory_space<hbm>>
    %dma_wait3A_180 = tpu.memref_slice %arg8[%add3A_176] : memref<1572864xf32, #tpu.memory_space<hbm>> -> memref<1024xf32, #tpu.memory_space<hbm>>
    %dma_wait3A_181 = arith.constant 1024 : i32
    %dma_wait3A_182 = tpu.memref_slice %arg18[%dma_wait3A_181] : memref<6144xf32, #tpu.memory_space<vmem>> -> memref<1024xf32, #tpu.memory_space<vmem>>
    tpu.wait_dma2 semaphore(%arg20 : memref<!tpu.dma_semaphore, #tpu.memory_space<semaphore_mem>>) src(%dma_wait3A_182 : memref<1024xf32, #tpu.memory_space<vmem>>) dst(%dma_wait3A_180 : memref<1024xf32, #tpu.memory_space<hbm>>)
    %mul3A_183 = arith.constant 128 : i32
    %mul3A_184 = arith.muli %sub3A_43, %mul3A_183 : i32
    %add3A_185 = arith.constant 524288 : i32
    %add3A_186 = arith.addi %add3A_185, %mul3A_184 : i32
    %dma_wait3A_187 = arith.constant 2048 : i32
    %dma_wait3A_188 = tpu.memref_slice %arg18[%dma_wait3A_187] : memref<6144xf32, #tpu.memory_space<vmem>> -> memref<1024xf32, #tpu.memory_space<vmem>>
    %dma_wait3A_189 = tpu.memref_slice %arg8[%add3A_186] : memref<1572864xf32, #tpu.memory_space<hbm>> -> memref<1024xf32, #tpu.memory_space<hbm>>
    %dma_wait3A_190 = tpu.memref_slice %arg8[%add3A_186] : memref<1572864xf32, #tpu.memory_space<hbm>> -> memref<1024xf32, #tpu.memory_space<hbm>>
    %dma_wait3A_191 = arith.constant 2048 : i32
    %dma_wait3A_192 = tpu.memref_slice %arg18[%dma_wait3A_191] : memref<6144xf32, #tpu.memory_space<vmem>> -> memref<1024xf32, #tpu.memory_space<vmem>>
    tpu.wait_dma2 semaphore(%arg20 : memref<!tpu.dma_semaphore, #tpu.memory_space<semaphore_mem>>) src(%dma_wait3A_192 : memref<1024xf32, #tpu.memory_space<vmem>>) dst(%dma_wait3A_190 : memref<1024xf32, #tpu.memory_space<hbm>>)
    %mul3A_193 = arith.constant 128 : i32
    %mul3A_194 = arith.muli %sub3A_43, %mul3A_193 : i32
    %add3A_195 = arith.constant 786432 : i32
    %add3A_196 = arith.addi %add3A_195, %mul3A_194 : i32
    %dma_wait3A_197 = arith.constant 3072 : i32
    %dma_wait3A_198 = tpu.memref_slice %arg18[%dma_wait3A_197] : memref<6144xf32, #tpu.memory_space<vmem>> -> memref<1024xf32, #tpu.memory_space<vmem>>
    %dma_wait3A_199 = tpu.memref_slice %arg8[%add3A_196] : memref<1572864xf32, #tpu.memory_space<hbm>> -> memref<1024xf32, #tpu.memory_space<hbm>>
    %dma_wait3A_200 = tpu.memref_slice %arg8[%add3A_196] : memref<1572864xf32, #tpu.memory_space<hbm>> -> memref<1024xf32, #tpu.memory_space<hbm>>
    %dma_wait3A_201 = arith.constant 3072 : i32
    %dma_wait3A_202 = tpu.memref_slice %arg18[%dma_wait3A_201] : memref<6144xf32, #tpu.memory_space<vmem>> -> memref<1024xf32, #tpu.memory_space<vmem>>
    tpu.wait_dma2 semaphore(%arg20 : memref<!tpu.dma_semaphore, #tpu.memory_space<semaphore_mem>>) src(%dma_wait3A_202 : memref<1024xf32, #tpu.memory_space<vmem>>) dst(%dma_wait3A_200 : memref<1024xf32, #tpu.memory_space<hbm>>)
    %mul3A_203 = arith.constant 128 : i32
    %mul3A_204 = arith.muli %sub3A_43, %mul3A_203 : i32
    %add3A_205 = arith.constant 1048576 : i32
    %add3A_206 = arith.addi %add3A_205, %mul3A_204 : i32
    %dma_wait3A_207 = arith.constant 4096 : i32
    %dma_wait3A_208 = tpu.memref_slice %arg18[%dma_wait3A_207] : memref<6144xf32, #tpu.memory_space<vmem>> -> memref<1024xf32, #tpu.memory_space<vmem>>
    %dma_wait3A_209 = tpu.memref_slice %arg8[%add3A_206] : memref<1572864xf32, #tpu.memory_space<hbm>> -> memref<1024xf32, #tpu.memory_space<hbm>>
    %dma_wait3A_210 = tpu.memref_slice %arg8[%add3A_206] : memref<1572864xf32, #tpu.memory_space<hbm>> -> memref<1024xf32, #tpu.memory_space<hbm>>
    %dma_wait3A_211 = arith.constant 4096 : i32
    %dma_wait3A_212 = tpu.memref_slice %arg18[%dma_wait3A_211] : memref<6144xf32, #tpu.memory_space<vmem>> -> memref<1024xf32, #tpu.memory_space<vmem>>
    tpu.wait_dma2 semaphore(%arg20 : memref<!tpu.dma_semaphore, #tpu.memory_space<semaphore_mem>>) src(%dma_wait3A_212 : memref<1024xf32, #tpu.memory_space<vmem>>) dst(%dma_wait3A_210 : memref<1024xf32, #tpu.memory_space<hbm>>)
    %mul3A_213 = arith.constant 128 : i32
    %mul3A_214 = arith.muli %sub3A_43, %mul3A_213 : i32
    %add3A_215 = arith.constant 1310720 : i32
    %add3A_216 = arith.addi %add3A_215, %mul3A_214 : i32
    %dma_wait3A_217 = arith.constant 5120 : i32
    %dma_wait3A_218 = tpu.memref_slice %arg18[%dma_wait3A_217] : memref<6144xf32, #tpu.memory_space<vmem>> -> memref<1024xf32, #tpu.memory_space<vmem>>
    %dma_wait3A_219 = tpu.memref_slice %arg8[%add3A_216] : memref<1572864xf32, #tpu.memory_space<hbm>> -> memref<1024xf32, #tpu.memory_space<hbm>>
    %dma_wait3A_220 = tpu.memref_slice %arg8[%add3A_216] : memref<1572864xf32, #tpu.memory_space<hbm>> -> memref<1024xf32, #tpu.memory_space<hbm>>
    %dma_wait3A_221 = arith.constant 5120 : i32
    %dma_wait3A_222 = tpu.memref_slice %arg18[%dma_wait3A_221] : memref<6144xf32, #tpu.memory_space<vmem>> -> memref<1024xf32, #tpu.memory_space<vmem>>
    tpu.wait_dma2 semaphore(%arg20 : memref<!tpu.dma_semaphore, #tpu.memory_space<semaphore_mem>>) src(%dma_wait3A_222 : memref<1024xf32, #tpu.memory_space<vmem>>) dst(%dma_wait3A_220 : memref<1024xf32, #tpu.memory_space<hbm>>)
    return
  }
}

module attributes {stable_mosaic.version = 14 : i64} {
  func.func @_fps_body(%arg0: memref<4x3x32x128xf32, #tpu.memory_space<vmem>>, %arg1: memref<4x512xi32, #tpu.memory_space<vmem>>, %arg2: memref<4x3x512xf32, #tpu.memory_space<vmem>>) attributes {dimension_semantics = [], scalar_prefetch = 0 : i64, scratch_operands = 0 : i64, tpu.core_type = #tpu.core_type<tc>} {
    %get3A = arith.constant 0 : index
    %get3A_0 = arith.constant 0 : index
    %get3A_1 = arith.constant 0 : index
    %get3A_2 = arith.constant 0 : index
    %get3A_3 = vector.load %arg0[%get3A, %get3A_0, %get3A_1, %get3A_2] : memref<4x3x32x128xf32, #tpu.memory_space<vmem>>, vector<4x3x32x128xf32>
    %slice3A = vector.extract_strided_slice %get3A_3 {offsets = [0, 0, 0, 0], sizes = [4, 1, 32, 128], strides = [1, 1, 1, 1]} : vector<4x3x32x128xf32> to vector<4x1x32x128xf32>
    %squeeze3A = vector.shape_cast %slice3A : vector<4x1x32x128xf32> to vector<4x32x128xf32>
    %slice3A_4 = vector.extract_strided_slice %get3A_3 {offsets = [0, 1, 0, 0], sizes = [4, 1, 32, 128], strides = [1, 1, 1, 1]} : vector<4x3x32x128xf32> to vector<4x1x32x128xf32>
    %squeeze3A_5 = vector.shape_cast %slice3A_4 : vector<4x1x32x128xf32> to vector<4x32x128xf32>
    %slice3A_6 = vector.extract_strided_slice %get3A_3 {offsets = [0, 2, 0, 0], sizes = [4, 1, 32, 128], strides = [1, 1, 1, 1]} : vector<4x3x32x128xf32> to vector<4x1x32x128xf32>
    %squeeze3A_7 = vector.shape_cast %slice3A_6 : vector<4x1x32x128xf32> to vector<4x32x128xf32>
    %iota3A = tpu.iota {dimensions = array<i32: 1>} : vector<4x32x128xi32>
    %mul3A = arith.constant 128 : i32
    %mul3A_8 = vector.broadcast %mul3A : i32 to vector<4x32x128xi32>
    %mul3A_9 = arith.muli %iota3A, %mul3A_8 : vector<4x32x128xi32>
    %iota3A_10 = tpu.iota {dimensions = array<i32: 2>} : vector<4x32x128xi32>
    %add3A = arith.addi %mul3A_9, %iota3A_10 : vector<4x32x128xi32>
    %iota3A_11 = tpu.iota {dimensions = array<i32: 2>} : vector<4x1x512xi32>
    %broadcast_in_dim3A = arith.constant 1.000000e+10 : f32
    %broadcast_in_dim3A_12 = vector.broadcast %broadcast_in_dim3A : f32 to vector<4x32x128xf32>
    %broadcast_in_dim3A_13 = arith.constant 0 : i32
    %broadcast_in_dim3A_14 = vector.broadcast %broadcast_in_dim3A_13 : i32 to vector<4x1x1xi32>
    %broadcast_in_dim3A_15 = arith.constant 0 : i32
    %broadcast_in_dim3A_16 = vector.broadcast %broadcast_in_dim3A_15 : i32 to vector<4x4x512xi32>
    %scan3A = arith.constant 0 : i32
    %scan3A_17 = arith.constant 512 : i32
    %scan3A_18 = arith.addi %scan3A, %scan3A_17 : i32
    %scan3A_19 = arith.constant 1 : i32
    %scan3A_20:3 = scf.for %scan3A_31 = %scan3A to %scan3A_18 step %scan3A_19 iter_args(%scan3A_32 = %broadcast_in_dim3A_12, %scan3A_33 = %broadcast_in_dim3A_14, %scan3A_34 = %broadcast_in_dim3A_16) -> (vector<4x32x128xf32>, vector<4x1x1xi32>, vector<4x4x512xi32>)  : i32 {
      %eq3A = vector.broadcast %scan3A_33 : vector<4x1x1xi32> to vector<4x32x128xi32>
      %eq3A_35 = arith.cmpi eq, %add3A, %eq3A : vector<4x32x128xi32>
      %broadcast_in_dim3A_36 = vector.shape_cast %eq3A_35 : vector<4x32x128xi1> to vector<4x1x32x128xi1>
      %jit3A = arith.constant 0.000000e+00 : f32
      %broadcast_in_dim3A_37 = vector.shape_cast %broadcast_in_dim3A_36 : vector<4x1x32x128xi1> to vector<4x1x32x128xi1>
      %broadcast_in_dim3A_38 = vector.broadcast %broadcast_in_dim3A_37 : vector<4x1x32x128xi1> to vector<4x3x32x128xi1>
      %broadcast_in_dim3A_39 = vector.broadcast %jit3A : f32 to vector<4x3x32x128xf32>
      %select_n3A = arith.select %broadcast_in_dim3A_38, %get3A_3, %broadcast_in_dim3A_39 : vector<4x3x32x128xi1>, vector<4x3x32x128xf32>
      %reduce_sum3A = arith.constant dense<0.000000e+00> : vector<4x3xf32>
      %reduce_sum3A_40 = vector.multi_reduction <add>, %select_n3A, %reduce_sum3A [2, 3] : vector<4x3x32x128xf32> to vector<4x3xf32>
      %broadcast_in_dim3A_41 = vector.shape_cast %reduce_sum3A_40 : vector<4x3xf32> to vector<4x3x1x1xf32>
      %slice3A_42 = vector.extract_strided_slice %broadcast_in_dim3A_41 {offsets = [0, 0, 0, 0], sizes = [4, 1, 1, 1], strides = [1, 1, 1, 1]} : vector<4x3x1x1xf32> to vector<4x1x1x1xf32>
      %squeeze3A_43 = vector.shape_cast %slice3A_42 : vector<4x1x1x1xf32> to vector<4x1x1xf32>
      %slice3A_44 = vector.extract_strided_slice %broadcast_in_dim3A_41 {offsets = [0, 1, 0, 0], sizes = [4, 1, 1, 1], strides = [1, 1, 1, 1]} : vector<4x3x1x1xf32> to vector<4x1x1x1xf32>
      %squeeze3A_45 = vector.shape_cast %slice3A_44 : vector<4x1x1x1xf32> to vector<4x1x1xf32>
      %slice3A_46 = vector.extract_strided_slice %broadcast_in_dim3A_41 {offsets = [0, 2, 0, 0], sizes = [4, 1, 1, 1], strides = [1, 1, 1, 1]} : vector<4x3x1x1xf32> to vector<4x1x1x1xf32>
      %squeeze3A_47 = vector.shape_cast %slice3A_46 : vector<4x1x1x1xf32> to vector<4x1x1xf32>
      %sub3A = vector.broadcast %squeeze3A_43 : vector<4x1x1xf32> to vector<4x32x128xf32>
      %sub3A_48 = arith.subf %squeeze3A, %sub3A : vector<4x32x128xf32>
      %sub3A_49 = vector.broadcast %squeeze3A_45 : vector<4x1x1xf32> to vector<4x32x128xf32>
      %sub3A_50 = arith.subf %squeeze3A_5, %sub3A_49 : vector<4x32x128xf32>
      %sub3A_51 = vector.broadcast %squeeze3A_47 : vector<4x1x1xf32> to vector<4x32x128xf32>
      %sub3A_52 = arith.subf %squeeze3A_7, %sub3A_51 : vector<4x32x128xf32>
      %mul3A_53 = arith.mulf %sub3A_48, %sub3A_48 : vector<4x32x128xf32>
      %mul3A_54 = arith.mulf %sub3A_50, %sub3A_50 : vector<4x32x128xf32>
      %add3A_55 = arith.addf %mul3A_53, %mul3A_54 : vector<4x32x128xf32>
      %mul3A_56 = arith.mulf %sub3A_52, %sub3A_52 : vector<4x32x128xf32>
      %add3A_57 = arith.addf %add3A_55, %mul3A_56 : vector<4x32x128xf32>
      %min3A = arith.minimumf %scan3A_32, %add3A_57 : vector<4x32x128xf32>
      %reduce_max3A = arith.constant dense<0xFF800000> : vector<4xf32>
      %reduce_max3A_58 = vector.multi_reduction <maximumf>, %min3A, %reduce_max3A [1, 2] : vector<4x32x128xf32> to vector<4xf32>
      %broadcast_in_dim3A_59 = vector.shape_cast %reduce_max3A_58 : vector<4xf32> to vector<4x1x1xf32>
      %eq3A_60 = vector.broadcast %broadcast_in_dim3A_59 : vector<4x1x1xf32> to vector<4x32x128xf32>
      %eq3A_61 = arith.cmpf oeq, %min3A, %eq3A_60 : vector<4x32x128xf32>
      %jit3A_62 = arith.constant 4096 : i32
      %broadcast_in_dim3A_63 = vector.broadcast %jit3A_62 : i32 to vector<4x32x128xi32>
      %select_n3A_64 = arith.select %eq3A_61, %add3A, %broadcast_in_dim3A_63 : vector<4x32x128xi1>, vector<4x32x128xi32>
      %reduce_min3A = arith.constant dense<2147483647> : vector<4xi32>
      %reduce_min3A_65 = vector.multi_reduction <minsi>, %select_n3A_64, %reduce_min3A [1, 2] : vector<4x32x128xi32> to vector<4xi32>
      %broadcast_in_dim3A_66 = vector.shape_cast %reduce_min3A_65 : vector<4xi32> to vector<4x1x1xi32>
      %bitcast_convert_type3A_67 = tpu.bitcast %squeeze3A_43 : vector<4x1x1xf32> -> vector<4x1x1xi32>
      %bitcast_convert_type3A_68 = tpu.bitcast %squeeze3A_45 : vector<4x1x1xf32> -> vector<4x1x1xi32>
      %bitcast_convert_type3A_69 = tpu.bitcast %squeeze3A_47 : vector<4x1x1xf32> -> vector<4x1x1xi32>
      %concatenate3A = tpu.concatenate %scan3A_33, %bitcast_convert_type3A_67, %bitcast_convert_type3A_68, %bitcast_convert_type3A_69 in 1 : vector<4x1x1xi32>, vector<4x1x1xi32>, vector<4x1x1xi32>, vector<4x1x1xi32> -> vector<4x4x1xi32>
      %eq3A_70 = vector.broadcast %scan3A_31 : i32 to vector<4x1x512xi32>
      %eq3A_71 = arith.cmpi eq, %iota3A_11, %eq3A_70 : vector<4x1x512xi32>
      %broadcast_in_dim3A_72 = vector.shape_cast %eq3A_71 : vector<4x1x512xi1> to vector<4x1x512xi1>
      %broadcast_in_dim3A_73 = vector.broadcast %broadcast_in_dim3A_72 : vector<4x1x512xi1> to vector<4x4x512xi1>
      %broadcast_in_dim3A_74 = vector.shape_cast %concatenate3A : vector<4x4x1xi32> to vector<4x4x1xi32>
      %broadcast_in_dim3A_75 = vector.broadcast %broadcast_in_dim3A_74 : vector<4x4x1xi32> to vector<4x4x512xi32>
      %select_n3A_76 = arith.select %broadcast_in_dim3A_73, %broadcast_in_dim3A_75, %scan3A_34 : vector<4x4x512xi1>, vector<4x4x512xi32>
      scf.yield %min3A, %broadcast_in_dim3A_66, %select_n3A_76 : vector<4x32x128xf32>, vector<4x1x1xi32>, vector<4x4x512xi32>
    }
    %scan3A_21 = arith.constant 512 : i32
    %slice3A_22 = vector.extract_strided_slice %scan3A_20#2 {offsets = [0, 0, 0], sizes = [4, 1, 512], strides = [1, 1, 1]} : vector<4x4x512xi32> to vector<4x1x512xi32>
    %squeeze3A_23 = vector.shape_cast %slice3A_22 : vector<4x1x512xi32> to vector<4x512xi32>
    %swap3A = arith.constant 0 : index
    %swap3A_24 = arith.constant 0 : index
    %swap3A_25 = vector.load %arg1[%swap3A, %swap3A_24] : memref<4x512xi32, #tpu.memory_space<vmem>>, vector<4x512xi32>
    tpu.vector_store %arg1[%swap3A, %swap3A_24], %squeeze3A_23 {strides = array<i32>} : memref<4x512xi32, #tpu.memory_space<vmem>>, vector<4x512xi32>,
    %slice3A_26 = vector.extract_strided_slice %scan3A_20#2 {offsets = [0, 1, 0], sizes = [4, 3, 512], strides = [1, 1, 1]} : vector<4x4x512xi32> to vector<4x3x512xi32>
    %bitcast_convert_type3A = tpu.bitcast %slice3A_26 : vector<4x3x512xi32> -> vector<4x3x512xf32>
    %swap3A_27 = arith.constant 0 : index
    %swap3A_28 = arith.constant 0 : index
    %swap3A_29 = arith.constant 0 : index
    %swap3A_30 = vector.load %arg2[%swap3A_27, %swap3A_28, %swap3A_29] : memref<4x3x512xf32, #tpu.memory_space<vmem>>, vector<4x3x512xf32>
    tpu.vector_store %arg2[%swap3A_27, %swap3A_28, %swap3A_29], %bitcast_convert_type3A {strides = array<i32>} : memref<4x3x512xf32, #tpu.memory_space<vmem>>, vector<4x3x512xf32>,
    return
  }
}

module attributes {stable_mosaic.version = 14 : i64} {
  func.func @_dist_body(%arg0: i32, %arg1: i32, %arg2: memref<1x64x3xf32, #tpu.memory_space<vmem>>, %arg3: memref<1x3x4096xf32, #tpu.memory_space<vmem>>, %arg4: memref<1x1x1x64xf32, #tpu.memory_space<vmem>>, %arg5: memref<1x1x4096xf32, #tpu.memory_space<vmem>>, %arg6: memref<1x64x4096xf32, #tpu.memory_space<vmem>>, %arg7: memref<1x1x1x64xi32, #tpu.memory_space<vmem>>) attributes {dimension_semantics = [#tpu.dimension_semantics<arbitrary>, #tpu.dimension_semantics<arbitrary>], iteration_bounds = array<i64: 4, 8>, scalar_prefetch = 0 : i64, scratch_operands = 0 : i64, tpu.core_type = #tpu.core_type<tc>, window_params = [{transform_indices = @transform_0, window_bounds = array<i64: 1, 64, 3>}, {transform_indices = @transform_1, window_bounds = array<i64: 1, 3, 4096>}, {transform_indices = @transform_2, window_bounds = array<i64: 1, 1, 1, 64>}, {transform_indices = @transform_3, window_bounds = array<i64: 1, 1, 4096>}, {transform_indices = @transform_4, window_bounds = array<i64: 1, 64, 4096>}, {transform_indices = @transform_5, window_bounds = array<i64: 1, 1, 1, 64>}]} {
    %get3A = arith.constant 0 : index
    %get3A_0 = arith.constant 0 : index
    %get3A_1 = arith.constant 0 : index
    %get3A_2 = vector.load %arg2[%get3A, %get3A_0, %get3A_1] : memref<1x64x3xf32, #tpu.memory_space<vmem>>, vector<1x64x3xf32>
    %get3A_3 = vector.shape_cast %get3A_2 : vector<1x64x3xf32> to vector<64x3xf32>
    %get3A_4 = arith.constant 0 : index
    %get3A_5 = arith.constant 0 : index
    %get3A_6 = arith.constant 0 : index
    %get3A_7 = vector.load %arg3[%get3A_4, %get3A_5, %get3A_6] : memref<1x3x4096xf32, #tpu.memory_space<vmem>>, vector<1x3x4096xf32>
    %get3A_8 = vector.shape_cast %get3A_7 : vector<1x3x4096xf32> to vector<3x4096xf32>
    %dot_general3A = arith.constant dense<0.000000e+00> : vector<64x4096xf32>
    %dot_general3A_9 = tpu.matmul %get3A_3, %get3A_8, %dot_general3A {dimension_numbers = #tpu.dot_dimension_numbers<[1], [0], [0], [1], [0, 0, 1, 1], [], []>, transpose_lhs_hint = false} : vector<64x3xf32>, vector<3x4096xf32>, vector<64x4096xf32> -> vector<64x4096xf32>
    %mul3A = arith.constant -2.000000e+00 : f32
    %mul3A_10 = vector.broadcast %mul3A : f32 to vector<64x4096xf32>
    %mul3A_11 = arith.mulf %mul3A_10, %dot_general3A_9 : vector<64x4096xf32>
    %get3A_12 = arith.constant 0 : index
    %get3A_13 = arith.constant 0 : index
    %get3A_14 = arith.constant 0 : index
    %get3A_15 = arith.constant 0 : index
    %get3A_16 = vector.load %arg4[%get3A_12, %get3A_13, %get3A_14, %get3A_15] : memref<1x1x1x64xf32, #tpu.memory_space<vmem>>, vector<1x1x1x64xf32>
    %get3A_17 = vector.shape_cast %get3A_16 : vector<1x1x1x64xf32> to vector<64xf32>
    %broadcast_in_dim3A = vector.shape_cast %get3A_17 : vector<64xf32> to vector<64x1xf32>
    %add3A = vector.broadcast %broadcast_in_dim3A : vector<64x1xf32> to vector<64x4096xf32>
    %add3A_18 = arith.addf %mul3A_11, %add3A : vector<64x4096xf32>
    %get3A_19 = arith.constant 0 : index
    %get3A_20 = arith.constant 0 : index
    %get3A_21 = arith.constant 0 : index
    %get3A_22 = vector.load %arg5[%get3A_19, %get3A_20, %get3A_21] : memref<1x1x4096xf32, #tpu.memory_space<vmem>>, vector<1x1x4096xf32>
    %get3A_23 = vector.shape_cast %get3A_22 : vector<1x1x4096xf32> to vector<4096xf32>
    %broadcast_in_dim3A_24 = vector.shape_cast %get3A_23 : vector<4096xf32> to vector<1x4096xf32>
    %add3A_25 = vector.broadcast %broadcast_in_dim3A_24 : vector<1x4096xf32> to vector<64x4096xf32>
    %add3A_26 = arith.addf %add3A_18, %add3A_25 : vector<64x4096xf32>
    %swap3A = arith.constant 0 : index
    %swap3A_27 = arith.constant 0 : index
    %swap3A_28 = arith.constant 0 : index
    %swap3A_29 = vector.load %arg6[%swap3A, %swap3A_27, %swap3A_28] : memref<1x64x4096xf32, #tpu.memory_space<vmem>>, vector<1x64x4096xf32>
    %swap3A_30 = vector.shape_cast %swap3A_29 : vector<1x64x4096xf32> to vector<64x4096xf32>
    %swap3A_31 = vector.shape_cast %add3A_26 : vector<64x4096xf32> to vector<1x64x4096xf32>
    tpu.vector_store %arg6[%swap3A, %swap3A_27, %swap3A_28], %swap3A_31 {strides = array<i32>} : memref<1x64x4096xf32, #tpu.memory_space<vmem>>, vector<1x64x4096xf32>,
    %reduce_min3A = arith.constant dense<0x7F800000> : vector<64xf32>
    %reduce_min3A_32 = vector.multi_reduction <minimumf>, %add3A_26, %reduce_min3A [1] : vector<64x4096xf32> to vector<64xf32>
    %broadcast_in_dim3A_33 = vector.shape_cast %reduce_min3A_32 : vector<64xf32> to vector<64x1xf32>
    %iota3A = tpu.iota {dimensions = array<i32: 1>} : vector<64x4096xi32>
    %eq3A = vector.broadcast %broadcast_in_dim3A_33 : vector<64x1xf32> to vector<64x4096xf32>
    %eq3A_34 = arith.cmpf oeq, %add3A_26, %eq3A : vector<64x4096xf32>
    %jit3A = arith.constant 4096 : i32
    %broadcast_in_dim3A_35 = vector.broadcast %jit3A : i32 to vector<64x4096xi32>
    %select_n3A = arith.select %eq3A_34, %iota3A, %broadcast_in_dim3A_35 : vector<64x4096xi1>, vector<64x4096xi32>
    %reduce_min3A_36 = arith.constant dense<2147483647> : vector<64xi32>
    %reduce_min3A_37 = vector.multi_reduction <minsi>, %select_n3A, %reduce_min3A_36 [1] : vector<64x4096xi32> to vector<64xi32>
    %swap3A_38 = arith.constant 0 : index
    %swap3A_39 = arith.constant 0 : index
    %swap3A_40 = arith.constant 0 : index
    %swap3A_41 = arith.constant 0 : index
    %swap3A_42 = vector.load %arg7[%swap3A_38, %swap3A_39, %swap3A_40, %swap3A_41] : memref<1x1x1x64xi32, #tpu.memory_space<vmem>>, vector<1x1x1x64xi32>
    %swap3A_43 = vector.shape_cast %swap3A_42 : vector<1x1x1x64xi32> to vector<64xi32>
    %swap3A_44 = vector.shape_cast %reduce_min3A_37 : vector<64xi32> to vector<1x1x1x64xi32>
    tpu.vector_store %arg7[%swap3A_38, %swap3A_39, %swap3A_40, %swap3A_41], %swap3A_44 {strides = array<i32>} : memref<1x1x1x64xi32, #tpu.memory_space<vmem>>, vector<1x1x1x64xi32>,
    return
  }
  func.func @transform_0(%arg0: i32, %arg1: i32) -> (i32, i32, i32) {
    %c0_i32 = arith.constant 0 : i32
    %c0_i32_0 = arith.constant 0 : i32
    return %arg0, %arg1, %c0_i32 : i32, i32, i32
  }
  func.func @transform_1(%arg0: i32, %arg1: i32) -> (i32, i32, i32) {
    %c0_i32 = arith.constant 0 : i32
    %c0_i32_0 = arith.constant 0 : i32
    %c0_i32_1 = arith.constant 0 : i32
    return %arg0, %c0_i32, %c0_i32_0 : i32, i32, i32
  }
  func.func @transform_2(%arg0: i32, %arg1: i32) -> (i32, i32, i32, i32) {
    %c0_i32 = arith.constant 0 : i32
    %c0_i32_0 = arith.constant 0 : i32
    %c0_i32_1 = arith.constant 0 : i32
    return %arg0, %arg1, %c0_i32, %c0_i32_0 : i32, i32, i32, i32
  }
  func.func @transform_3(%arg0: i32, %arg1: i32) -> (i32, i32, i32) {
    %c0_i32 = arith.constant 0 : i32
    %c0_i32_0 = arith.constant 0 : i32
    %c0_i32_1 = arith.constant 0 : i32
    return %arg0, %c0_i32, %c0_i32_0 : i32, i32, i32
  }
  func.func @transform_4(%arg0: i32, %arg1: i32) -> (i32, i32, i32) {
    %c0_i32 = arith.constant 0 : i32
    %c0_i32_0 = arith.constant 0 : i32
    return %arg0, %arg1, %c0_i32 : i32, i32, i32
  }
  func.func @transform_5(%arg0: i32, %arg1: i32) -> (i32, i32, i32, i32) {
    %c0_i32 = arith.constant 0 : i32
    %c0_i32_0 = arith.constant 0 : i32
    %c0_i32_1 = arith.constant 0 : i32
    return %arg0, %arg1, %c0_i32, %c0_i32_0 : i32, i32, i32, i32
  }
}

module attributes {stable_mosaic.version = 14 : i64} {
  func.func @_mlp_body(%arg0: i32, %arg1: memref<6x4096xf32, #tpu.memory_space<vmem>>, %arg2: memref<32x6xf32, #tpu.memory_space<vmem>>, %arg3: memref<32xf32, #tpu.memory_space<vmem>>, %arg4: memref<32xf32, #tpu.memory_space<vmem>>, %arg5: memref<32x32xf32, #tpu.memory_space<vmem>>, %arg6: memref<32xf32, #tpu.memory_space<vmem>>, %arg7: memref<32xf32, #tpu.memory_space<vmem>>, %arg8: memref<64x32xf32, #tpu.memory_space<vmem>>, %arg9: memref<64xf32, #tpu.memory_space<vmem>>, %arg10: memref<64xf32, #tpu.memory_space<vmem>>, %arg11: memref<64x256xf32, #tpu.memory_space<vmem>>) attributes {dimension_semantics = [#tpu.dimension_semantics<arbitrary>], iteration_bounds = array<i64: 8>, scalar_prefetch = 0 : i64, scratch_operands = 0 : i64, tpu.core_type = #tpu.core_type<tc>, window_params = [{transform_indices = @transform_0, window_bounds = array<i64: 6, 4096>}, {pipeline_mode = #tpu.pipeline_mode<synchronous>, transform_indices = @transform_1, window_bounds = array<i64: 32, 6>}, {pipeline_mode = #tpu.pipeline_mode<synchronous>, transform_indices = @transform_2, window_bounds = array<i64: 32>}, {pipeline_mode = #tpu.pipeline_mode<synchronous>, transform_indices = @transform_3, window_bounds = array<i64: 32>}, {pipeline_mode = #tpu.pipeline_mode<synchronous>, transform_indices = @transform_4, window_bounds = array<i64: 32, 32>}, {pipeline_mode = #tpu.pipeline_mode<synchronous>, transform_indices = @transform_5, window_bounds = array<i64: 32>}, {pipeline_mode = #tpu.pipeline_mode<synchronous>, transform_indices = @transform_6, window_bounds = array<i64: 32>}, {pipeline_mode = #tpu.pipeline_mode<synchronous>, transform_indices = @transform_7, window_bounds = array<i64: 64, 32>}, {pipeline_mode = #tpu.pipeline_mode<synchronous>, transform_indices = @transform_8, window_bounds = array<i64: 64>}, {pipeline_mode = #tpu.pipeline_mode<synchronous>, transform_indices = @transform_9, window_bounds = array<i64: 64>}, {transform_indices = @transform_10, window_bounds = array<i64: 64, 256>}]} {
    %get3A = arith.constant 0 : index
    %get3A_0 = arith.constant 0 : index
    %get3A_1 = vector.load %arg1[%get3A, %get3A_0] : memref<6x4096xf32, #tpu.memory_space<vmem>>, vector<6x4096xf32>
    %get3A_2 = arith.constant 0 : index
    %get3A_3 = arith.constant 0 : index
    %get3A_4 = vector.load %arg2[%get3A_2, %get3A_3] : memref<32x6xf32, #tpu.memory_space<vmem>>, vector<32x6xf32>
    %dot_general3A = arith.constant dense<0.000000e+00> : vector<32x4096xf32>
    %dot_general3A_5 = tpu.matmul %get3A_4, %get3A_1, %dot_general3A {dimension_numbers = #tpu.dot_dimension_numbers<[1], [0], [0], [1], [0, 0, 1, 1], [], []>, transpose_lhs_hint = false} : vector<32x6xf32>, vector<6x4096xf32>, vector<32x4096xf32> -> vector<32x4096xf32>
    %get3A_6 = arith.constant 0 : index
    %get3A_7 = vector.load %arg3[%get3A_6] : memref<32xf32, #tpu.memory_space<vmem>>, vector<32xf32>
    %broadcast_in_dim3A = vector.shape_cast %get3A_7 : vector<32xf32> to vector<32x1xf32>
    %mul3A = vector.broadcast %broadcast_in_dim3A : vector<32x1xf32> to vector<32x4096xf32>
    %mul3A_8 = arith.mulf %mul3A, %dot_general3A_5 : vector<32x4096xf32>
    %get3A_9 = arith.constant 0 : index
    %get3A_10 = vector.load %arg4[%get3A_9] : memref<32xf32, #tpu.memory_space<vmem>>, vector<32xf32>
    %broadcast_in_dim3A_11 = vector.shape_cast %get3A_10 : vector<32xf32> to vector<32x1xf32>
    %add3A = vector.broadcast %broadcast_in_dim3A_11 : vector<32x1xf32> to vector<32x4096xf32>
    %add3A_12 = arith.addf %mul3A_8, %add3A : vector<32x4096xf32>
    %max3A = arith.constant 0.000000e+00 : f32
    %max3A_13 = vector.broadcast %max3A : f32 to vector<32x4096xf32>
    %max3A_14 = arith.maximumf %add3A_12, %max3A_13 : vector<32x4096xf32>
    %get3A_15 = arith.constant 0 : index
    %get3A_16 = arith.constant 0 : index
    %get3A_17 = vector.load %arg5[%get3A_15, %get3A_16] : memref<32x32xf32, #tpu.memory_space<vmem>>, vector<32x32xf32>
    %dot_general3A_18 = arith.constant dense<0.000000e+00> : vector<32x4096xf32>
    %dot_general3A_19 = tpu.matmul %get3A_17, %max3A_14, %dot_general3A_18 {dimension_numbers = #tpu.dot_dimension_numbers<[1], [0], [0], [1], [0, 0, 1, 1], [], []>, transpose_lhs_hint = false} : vector<32x32xf32>, vector<32x4096xf32>, vector<32x4096xf32> -> vector<32x4096xf32>
    %get3A_20 = arith.constant 0 : index
    %get3A_21 = vector.load %arg6[%get3A_20] : memref<32xf32, #tpu.memory_space<vmem>>, vector<32xf32>
    %broadcast_in_dim3A_22 = vector.shape_cast %get3A_21 : vector<32xf32> to vector<32x1xf32>
    %mul3A_23 = vector.broadcast %broadcast_in_dim3A_22 : vector<32x1xf32> to vector<32x4096xf32>
    %mul3A_24 = arith.mulf %mul3A_23, %dot_general3A_19 : vector<32x4096xf32>
    %get3A_25 = arith.constant 0 : index
    %get3A_26 = vector.load %arg7[%get3A_25] : memref<32xf32, #tpu.memory_space<vmem>>, vector<32xf32>
    %broadcast_in_dim3A_27 = vector.shape_cast %get3A_26 : vector<32xf32> to vector<32x1xf32>
    %add3A_28 = vector.broadcast %broadcast_in_dim3A_27 : vector<32x1xf32> to vector<32x4096xf32>
    %add3A_29 = arith.addf %mul3A_24, %add3A_28 : vector<32x4096xf32>
    %max3A_30 = arith.constant 0.000000e+00 : f32
    %max3A_31 = vector.broadcast %max3A_30 : f32 to vector<32x4096xf32>
    %max3A_32 = arith.maximumf %add3A_29, %max3A_31 : vector<32x4096xf32>
    %get3A_33 = arith.constant 0 : index
    %get3A_34 = arith.constant 0 : index
    %get3A_35 = vector.load %arg8[%get3A_33, %get3A_34] : memref<64x32xf32, #tpu.memory_space<vmem>>, vector<64x32xf32>
    %dot_general3A_36 = arith.constant dense<0.000000e+00> : vector<64x4096xf32>
    %dot_general3A_37 = tpu.matmul %get3A_35, %max3A_32, %dot_general3A_36 {dimension_numbers = #tpu.dot_dimension_numbers<[1], [0], [0], [1], [0, 0, 1, 1], [], []>, transpose_lhs_hint = false} : vector<64x32xf32>, vector<32x4096xf32>, vector<64x4096xf32> -> vector<64x4096xf32>
    %get3A_38 = arith.constant 0 : index
    %get3A_39 = vector.load %arg9[%get3A_38] : memref<64xf32, #tpu.memory_space<vmem>>, vector<64xf32>
    %broadcast_in_dim3A_40 = vector.shape_cast %get3A_39 : vector<64xf32> to vector<64x1xf32>
    %mul3A_41 = vector.broadcast %broadcast_in_dim3A_40 : vector<64x1xf32> to vector<64x4096xf32>
    %mul3A_42 = arith.mulf %mul3A_41, %dot_general3A_37 : vector<64x4096xf32>
    %get3A_43 = arith.constant 0 : index
    %get3A_44 = vector.load %arg10[%get3A_43] : memref<64xf32, #tpu.memory_space<vmem>>, vector<64xf32>
    %broadcast_in_dim3A_45 = vector.shape_cast %get3A_44 : vector<64xf32> to vector<64x1xf32>
    %add3A_46 = vector.broadcast %broadcast_in_dim3A_45 : vector<64x1xf32> to vector<64x4096xf32>
    %add3A_47 = arith.addf %mul3A_42, %add3A_46 : vector<64x4096xf32>
    %max3A_48 = arith.constant 0.000000e+00 : f32
    %max3A_49 = vector.broadcast %max3A_48 : f32 to vector<64x4096xf32>
    %max3A_50 = arith.maximumf %add3A_47, %max3A_49 : vector<64x4096xf32>
    %reshape3A = vector.shape_cast %max3A_50 : vector<64x4096xf32> to vector<64x256x16xf32>
    %reduce_max3A = arith.constant dense<0xFF800000> : vector<64x256xf32>
    %reduce_max3A_51 = vector.multi_reduction <maximumf>, %reshape3A, %reduce_max3A [2] : vector<64x256x16xf32> to vector<64x256xf32>
    %swap3A = arith.constant 0 : index
    %swap3A_52 = arith.constant 0 : index
    %swap3A_53 = vector.load %arg11[%swap3A, %swap3A_52] : memref<64x256xf32, #tpu.memory_space<vmem>>, vector<64x256xf32>
    tpu.vector_store %arg11[%swap3A, %swap3A_52], %reduce_max3A_51 {strides = array<i32>} : memref<64x256xf32, #tpu.memory_space<vmem>>, vector<64x256xf32>,
    return
  }
  func.func @transform_0(%arg0: i32) -> (i32, i32) {
    %c0_i32 = arith.constant 0 : i32
    %c0_i32_0 = arith.constant 0 : i32
    return %c0_i32, %arg0 : i32, i32
  }
  func.func @transform_1(%arg0: i32) -> (i32, i32) {
    %c0_i32 = arith.constant 0 : i32
    %c0_i32_0 = arith.constant 0 : i32
    %c0_i32_1 = arith.constant 0 : i32
    return %c0_i32, %c0_i32_0 : i32, i32
  }
  func.func @transform_2(%arg0: i32) -> i32 {
    %c0_i32 = arith.constant 0 : i32
    %c0_i32_0 = arith.constant 0 : i32
    return %c0_i32 : i32
  }
  func.func @transform_3(%arg0: i32) -> i32 {
    %c0_i32 = arith.constant 0 : i32
    %c0_i32_0 = arith.constant 0 : i32
    return %c0_i32 : i32
  }
  func.func @transform_4(%arg0: i32) -> (i32, i32) {
    %c0_i32 = arith.constant 0 : i32
    %c0_i32_0 = arith.constant 0 : i32
    %c0_i32_1 = arith.constant 0 : i32
    return %c0_i32, %c0_i32_0 : i32, i32
  }
  func.func @transform_5(%arg0: i32) -> i32 {
    %c0_i32 = arith.constant 0 : i32
    %c0_i32_0 = arith.constant 0 : i32
    return %c0_i32 : i32
  }
  func.func @transform_6(%arg0: i32) -> i32 {
    %c0_i32 = arith.constant 0 : i32
    %c0_i32_0 = arith.constant 0 : i32
    return %c0_i32 : i32
  }
  func.func @transform_7(%arg0: i32) -> (i32, i32) {
    %c0_i32 = arith.constant 0 : i32
    %c0_i32_0 = arith.constant 0 : i32
    %c0_i32_1 = arith.constant 0 : i32
    return %c0_i32, %c0_i32_0 : i32, i32
  }
  func.func @transform_8(%arg0: i32) -> i32 {
    %c0_i32 = arith.constant 0 : i32
    %c0_i32_0 = arith.constant 0 : i32
    return %c0_i32 : i32
  }
  func.func @transform_9(%arg0: i32) -> i32 {
    %c0_i32 = arith.constant 0 : i32
    %c0_i32_0 = arith.constant 0 : i32
    return %c0_i32 : i32
  }
  func.func @transform_10(%arg0: i32) -> (i32, i32) {
    %c0_i32 = arith.constant 0 : i32
    %c0_i32_0 = arith.constant 0 : i32
    return %c0_i32, %arg0 : i32, i32
  }
}

module attributes {stable_mosaic.version = 14 : i64} {
  func.func @_mlp_body(%arg0: i32, %arg1: memref<6x8192xf32, #tpu.memory_space<vmem>>, %arg2: memref<64x6xf32, #tpu.memory_space<vmem>>, %arg3: memref<64xf32, #tpu.memory_space<vmem>>, %arg4: memref<64xf32, #tpu.memory_space<vmem>>, %arg5: memref<64x64xf32, #tpu.memory_space<vmem>>, %arg6: memref<64xf32, #tpu.memory_space<vmem>>, %arg7: memref<64xf32, #tpu.memory_space<vmem>>, %arg8: memref<128x64xf32, #tpu.memory_space<vmem>>, %arg9: memref<128xf32, #tpu.memory_space<vmem>>, %arg10: memref<128xf32, #tpu.memory_space<vmem>>, %arg11: memref<128x256xf32, #tpu.memory_space<vmem>>) attributes {dimension_semantics = [#tpu.dimension_semantics<arbitrary>], iteration_bounds = array<i64: 8>, scalar_prefetch = 0 : i64, scratch_operands = 0 : i64, tpu.core_type = #tpu.core_type<tc>, window_params = [{transform_indices = @transform_0, window_bounds = array<i64: 6, 8192>}, {pipeline_mode = #tpu.pipeline_mode<synchronous>, transform_indices = @transform_1, window_bounds = array<i64: 64, 6>}, {pipeline_mode = #tpu.pipeline_mode<synchronous>, transform_indices = @transform_2, window_bounds = array<i64: 64>}, {pipeline_mode = #tpu.pipeline_mode<synchronous>, transform_indices = @transform_3, window_bounds = array<i64: 64>}, {pipeline_mode = #tpu.pipeline_mode<synchronous>, transform_indices = @transform_4, window_bounds = array<i64: 64, 64>}, {pipeline_mode = #tpu.pipeline_mode<synchronous>, transform_indices = @transform_5, window_bounds = array<i64: 64>}, {pipeline_mode = #tpu.pipeline_mode<synchronous>, transform_indices = @transform_6, window_bounds = array<i64: 64>}, {pipeline_mode = #tpu.pipeline_mode<synchronous>, transform_indices = @transform_7, window_bounds = array<i64: 128, 64>}, {pipeline_mode = #tpu.pipeline_mode<synchronous>, transform_indices = @transform_8, window_bounds = array<i64: 128>}, {pipeline_mode = #tpu.pipeline_mode<synchronous>, transform_indices = @transform_9, window_bounds = array<i64: 128>}, {transform_indices = @transform_10, window_bounds = array<i64: 128, 256>}]} {
    %get3A = arith.constant 0 : index
    %get3A_0 = arith.constant 0 : index
    %get3A_1 = vector.load %arg1[%get3A, %get3A_0] : memref<6x8192xf32, #tpu.memory_space<vmem>>, vector<6x8192xf32>
    %get3A_2 = arith.constant 0 : index
    %get3A_3 = arith.constant 0 : index
    %get3A_4 = vector.load %arg2[%get3A_2, %get3A_3] : memref<64x6xf32, #tpu.memory_space<vmem>>, vector<64x6xf32>
    %dot_general3A = arith.constant dense<0.000000e+00> : vector<64x8192xf32>
    %dot_general3A_5 = tpu.matmul %get3A_4, %get3A_1, %dot_general3A {dimension_numbers = #tpu.dot_dimension_numbers<[1], [0], [0], [1], [0, 0, 1, 1], [], []>, transpose_lhs_hint = false} : vector<64x6xf32>, vector<6x8192xf32>, vector<64x8192xf32> -> vector<64x8192xf32>
    %get3A_6 = arith.constant 0 : index
    %get3A_7 = vector.load %arg3[%get3A_6] : memref<64xf32, #tpu.memory_space<vmem>>, vector<64xf32>
    %broadcast_in_dim3A = vector.shape_cast %get3A_7 : vector<64xf32> to vector<64x1xf32>
    %mul3A = vector.broadcast %broadcast_in_dim3A : vector<64x1xf32> to vector<64x8192xf32>
    %mul3A_8 = arith.mulf %mul3A, %dot_general3A_5 : vector<64x8192xf32>
    %get3A_9 = arith.constant 0 : index
    %get3A_10 = vector.load %arg4[%get3A_9] : memref<64xf32, #tpu.memory_space<vmem>>, vector<64xf32>
    %broadcast_in_dim3A_11 = vector.shape_cast %get3A_10 : vector<64xf32> to vector<64x1xf32>
    %add3A = vector.broadcast %broadcast_in_dim3A_11 : vector<64x1xf32> to vector<64x8192xf32>
    %add3A_12 = arith.addf %mul3A_8, %add3A : vector<64x8192xf32>
    %max3A = arith.constant 0.000000e+00 : f32
    %max3A_13 = vector.broadcast %max3A : f32 to vector<64x8192xf32>
    %max3A_14 = arith.maximumf %add3A_12, %max3A_13 : vector<64x8192xf32>
    %get3A_15 = arith.constant 0 : index
    %get3A_16 = arith.constant 0 : index
    %get3A_17 = vector.load %arg5[%get3A_15, %get3A_16] : memref<64x64xf32, #tpu.memory_space<vmem>>, vector<64x64xf32>
    %dot_general3A_18 = arith.constant dense<0.000000e+00> : vector<64x8192xf32>
    %dot_general3A_19 = tpu.matmul %get3A_17, %max3A_14, %dot_general3A_18 {dimension_numbers = #tpu.dot_dimension_numbers<[1], [0], [0], [1], [0, 0, 1, 1], [], []>, transpose_lhs_hint = false} : vector<64x64xf32>, vector<64x8192xf32>, vector<64x8192xf32> -> vector<64x8192xf32>
    %get3A_20 = arith.constant 0 : index
    %get3A_21 = vector.load %arg6[%get3A_20] : memref<64xf32, #tpu.memory_space<vmem>>, vector<64xf32>
    %broadcast_in_dim3A_22 = vector.shape_cast %get3A_21 : vector<64xf32> to vector<64x1xf32>
    %mul3A_23 = vector.broadcast %broadcast_in_dim3A_22 : vector<64x1xf32> to vector<64x8192xf32>
    %mul3A_24 = arith.mulf %mul3A_23, %dot_general3A_19 : vector<64x8192xf32>
    %get3A_25 = arith.constant 0 : index
    %get3A_26 = vector.load %arg7[%get3A_25] : memref<64xf32, #tpu.memory_space<vmem>>, vector<64xf32>
    %broadcast_in_dim3A_27 = vector.shape_cast %get3A_26 : vector<64xf32> to vector<64x1xf32>
    %add3A_28 = vector.broadcast %broadcast_in_dim3A_27 : vector<64x1xf32> to vector<64x8192xf32>
    %add3A_29 = arith.addf %mul3A_24, %add3A_28 : vector<64x8192xf32>
    %max3A_30 = arith.constant 0.000000e+00 : f32
    %max3A_31 = vector.broadcast %max3A_30 : f32 to vector<64x8192xf32>
    %max3A_32 = arith.maximumf %add3A_29, %max3A_31 : vector<64x8192xf32>
    %get3A_33 = arith.constant 0 : index
    %get3A_34 = arith.constant 0 : index
    %get3A_35 = vector.load %arg8[%get3A_33, %get3A_34] : memref<128x64xf32, #tpu.memory_space<vmem>>, vector<128x64xf32>
    %dot_general3A_36 = arith.constant dense<0.000000e+00> : vector<128x8192xf32>
    %dot_general3A_37 = tpu.matmul %get3A_35, %max3A_32, %dot_general3A_36 {dimension_numbers = #tpu.dot_dimension_numbers<[1], [0], [0], [1], [0, 0, 1, 1], [], []>, transpose_lhs_hint = false} : vector<128x64xf32>, vector<64x8192xf32>, vector<128x8192xf32> -> vector<128x8192xf32>
    %get3A_38 = arith.constant 0 : index
    %get3A_39 = vector.load %arg9[%get3A_38] : memref<128xf32, #tpu.memory_space<vmem>>, vector<128xf32>
    %broadcast_in_dim3A_40 = vector.shape_cast %get3A_39 : vector<128xf32> to vector<128x1xf32>
    %mul3A_41 = vector.broadcast %broadcast_in_dim3A_40 : vector<128x1xf32> to vector<128x8192xf32>
    %mul3A_42 = arith.mulf %mul3A_41, %dot_general3A_37 : vector<128x8192xf32>
    %get3A_43 = arith.constant 0 : index
    %get3A_44 = vector.load %arg10[%get3A_43] : memref<128xf32, #tpu.memory_space<vmem>>, vector<128xf32>
    %broadcast_in_dim3A_45 = vector.shape_cast %get3A_44 : vector<128xf32> to vector<128x1xf32>
    %add3A_46 = vector.broadcast %broadcast_in_dim3A_45 : vector<128x1xf32> to vector<128x8192xf32>
    %add3A_47 = arith.addf %mul3A_42, %add3A_46 : vector<128x8192xf32>
    %max3A_48 = arith.constant 0.000000e+00 : f32
    %max3A_49 = vector.broadcast %max3A_48 : f32 to vector<128x8192xf32>
    %max3A_50 = arith.maximumf %add3A_47, %max3A_49 : vector<128x8192xf32>
    %reshape3A = vector.shape_cast %max3A_50 : vector<128x8192xf32> to vector<128x256x32xf32>
    %reduce_max3A = arith.constant dense<0xFF800000> : vector<128x256xf32>
    %reduce_max3A_51 = vector.multi_reduction <maximumf>, %reshape3A, %reduce_max3A [2] : vector<128x256x32xf32> to vector<128x256xf32>
    %swap3A = arith.constant 0 : index
    %swap3A_52 = arith.constant 0 : index
    %swap3A_53 = vector.load %arg11[%swap3A, %swap3A_52] : memref<128x256xf32, #tpu.memory_space<vmem>>, vector<128x256xf32>
    tpu.vector_store %arg11[%swap3A, %swap3A_52], %reduce_max3A_51 {strides = array<i32>} : memref<128x256xf32, #tpu.memory_space<vmem>>, vector<128x256xf32>,
    return
  }
  func.func @transform_0(%arg0: i32) -> (i32, i32) {
    %c0_i32 = arith.constant 0 : i32
    %c0_i32_0 = arith.constant 0 : i32
    return %c0_i32, %arg0 : i32, i32
  }
  func.func @transform_1(%arg0: i32) -> (i32, i32) {
    %c0_i32 = arith.constant 0 : i32
    %c0_i32_0 = arith.constant 0 : i32
    %c0_i32_1 = arith.constant 0 : i32
    return %c0_i32, %c0_i32_0 : i32, i32
  }
  func.func @transform_2(%arg0: i32) -> i32 {
    %c0_i32 = arith.constant 0 : i32
    %c0_i32_0 = arith.constant 0 : i32
    return %c0_i32 : i32
  }
  func.func @transform_3(%arg0: i32) -> i32 {
    %c0_i32 = arith.constant 0 : i32
    %c0_i32_0 = arith.constant 0 : i32
    return %c0_i32 : i32
  }
  func.func @transform_4(%arg0: i32) -> (i32, i32) {
    %c0_i32 = arith.constant 0 : i32
    %c0_i32_0 = arith.constant 0 : i32
    %c0_i32_1 = arith.constant 0 : i32
    return %c0_i32, %c0_i32_0 : i32, i32
  }
  func.func @transform_5(%arg0: i32) -> i32 {
    %c0_i32 = arith.constant 0 : i32
    %c0_i32_0 = arith.constant 0 : i32
    return %c0_i32 : i32
  }
  func.func @transform_6(%arg0: i32) -> i32 {
    %c0_i32 = arith.constant 0 : i32
    %c0_i32_0 = arith.constant 0 : i32
    return %c0_i32 : i32
  }
  func.func @transform_7(%arg0: i32) -> (i32, i32) {
    %c0_i32 = arith.constant 0 : i32
    %c0_i32_0 = arith.constant 0 : i32
    %c0_i32_1 = arith.constant 0 : i32
    return %c0_i32, %c0_i32_0 : i32, i32
  }
  func.func @transform_8(%arg0: i32) -> i32 {
    %c0_i32 = arith.constant 0 : i32
    %c0_i32_0 = arith.constant 0 : i32
    return %c0_i32 : i32
  }
  func.func @transform_9(%arg0: i32) -> i32 {
    %c0_i32 = arith.constant 0 : i32
    %c0_i32_0 = arith.constant 0 : i32
    return %c0_i32 : i32
  }
  func.func @transform_10(%arg0: i32) -> (i32, i32) {
    %c0_i32 = arith.constant 0 : i32
    %c0_i32_0 = arith.constant 0 : i32
    return %c0_i32, %arg0 : i32, i32
  }
}

module attributes {stable_mosaic.version = 14 : i64} {
  func.func @_mlp_body(%arg0: i32, %arg1: memref<6x32768xf32, #tpu.memory_space<vmem>>, %arg2: memref<64x6xf32, #tpu.memory_space<vmem>>, %arg3: memref<64xf32, #tpu.memory_space<vmem>>, %arg4: memref<64xf32, #tpu.memory_space<vmem>>, %arg5: memref<96x64xf32, #tpu.memory_space<vmem>>, %arg6: memref<96xf32, #tpu.memory_space<vmem>>, %arg7: memref<96xf32, #tpu.memory_space<vmem>>, %arg8: memref<128x96xf32, #tpu.memory_space<vmem>>, %arg9: memref<128xf32, #tpu.memory_space<vmem>>, %arg10: memref<128xf32, #tpu.memory_space<vmem>>, %arg11: memref<128x256xf32, #tpu.memory_space<vmem>>) attributes {dimension_semantics = [#tpu.dimension_semantics<arbitrary>], iteration_bounds = array<i64: 8>, scalar_prefetch = 0 : i64, scratch_operands = 0 : i64, tpu.core_type = #tpu.core_type<tc>, window_params = [{transform_indices = @transform_0, window_bounds = array<i64: 6, 32768>}, {pipeline_mode = #tpu.pipeline_mode<synchronous>, transform_indices = @transform_1, window_bounds = array<i64: 64, 6>}, {pipeline_mode = #tpu.pipeline_mode<synchronous>, transform_indices = @transform_2, window_bounds = array<i64: 64>}, {pipeline_mode = #tpu.pipeline_mode<synchronous>, transform_indices = @transform_3, window_bounds = array<i64: 64>}, {pipeline_mode = #tpu.pipeline_mode<synchronous>, transform_indices = @transform_4, window_bounds = array<i64: 96, 64>}, {pipeline_mode = #tpu.pipeline_mode<synchronous>, transform_indices = @transform_5, window_bounds = array<i64: 96>}, {pipeline_mode = #tpu.pipeline_mode<synchronous>, transform_indices = @transform_6, window_bounds = array<i64: 96>}, {pipeline_mode = #tpu.pipeline_mode<synchronous>, transform_indices = @transform_7, window_bounds = array<i64: 128, 96>}, {pipeline_mode = #tpu.pipeline_mode<synchronous>, transform_indices = @transform_8, window_bounds = array<i64: 128>}, {pipeline_mode = #tpu.pipeline_mode<synchronous>, transform_indices = @transform_9, window_bounds = array<i64: 128>}, {transform_indices = @transform_10, window_bounds = array<i64: 128, 256>}]} {
    %get3A = arith.constant 0 : index
    %get3A_0 = arith.constant 0 : index
    %get3A_1 = vector.load %arg1[%get3A, %get3A_0] : memref<6x32768xf32, #tpu.memory_space<vmem>>, vector<6x32768xf32>
    %get3A_2 = arith.constant 0 : index
    %get3A_3 = arith.constant 0 : index
    %get3A_4 = vector.load %arg2[%get3A_2, %get3A_3] : memref<64x6xf32, #tpu.memory_space<vmem>>, vector<64x6xf32>
    %dot_general3A = arith.constant dense<0.000000e+00> : vector<64x32768xf32>
    %dot_general3A_5 = tpu.matmul %get3A_4, %get3A_1, %dot_general3A {dimension_numbers = #tpu.dot_dimension_numbers<[1], [0], [0], [1], [0, 0, 1, 1], [], []>, transpose_lhs_hint = false} : vector<64x6xf32>, vector<6x32768xf32>, vector<64x32768xf32> -> vector<64x32768xf32>
    %get3A_6 = arith.constant 0 : index
    %get3A_7 = vector.load %arg3[%get3A_6] : memref<64xf32, #tpu.memory_space<vmem>>, vector<64xf32>
    %broadcast_in_dim3A = vector.shape_cast %get3A_7 : vector<64xf32> to vector<64x1xf32>
    %mul3A = vector.broadcast %broadcast_in_dim3A : vector<64x1xf32> to vector<64x32768xf32>
    %mul3A_8 = arith.mulf %mul3A, %dot_general3A_5 : vector<64x32768xf32>
    %get3A_9 = arith.constant 0 : index
    %get3A_10 = vector.load %arg4[%get3A_9] : memref<64xf32, #tpu.memory_space<vmem>>, vector<64xf32>
    %broadcast_in_dim3A_11 = vector.shape_cast %get3A_10 : vector<64xf32> to vector<64x1xf32>
    %add3A = vector.broadcast %broadcast_in_dim3A_11 : vector<64x1xf32> to vector<64x32768xf32>
    %add3A_12 = arith.addf %mul3A_8, %add3A : vector<64x32768xf32>
    %max3A = arith.constant 0.000000e+00 : f32
    %max3A_13 = vector.broadcast %max3A : f32 to vector<64x32768xf32>
    %max3A_14 = arith.maximumf %add3A_12, %max3A_13 : vector<64x32768xf32>
    %get3A_15 = arith.constant 0 : index
    %get3A_16 = arith.constant 0 : index
    %get3A_17 = vector.load %arg5[%get3A_15, %get3A_16] : memref<96x64xf32, #tpu.memory_space<vmem>>, vector<96x64xf32>
    %dot_general3A_18 = arith.constant dense<0.000000e+00> : vector<96x32768xf32>
    %dot_general3A_19 = tpu.matmul %get3A_17, %max3A_14, %dot_general3A_18 {dimension_numbers = #tpu.dot_dimension_numbers<[1], [0], [0], [1], [0, 0, 1, 1], [], []>, transpose_lhs_hint = false} : vector<96x64xf32>, vector<64x32768xf32>, vector<96x32768xf32> -> vector<96x32768xf32>
    %get3A_20 = arith.constant 0 : index
    %get3A_21 = vector.load %arg6[%get3A_20] : memref<96xf32, #tpu.memory_space<vmem>>, vector<96xf32>
    %broadcast_in_dim3A_22 = vector.shape_cast %get3A_21 : vector<96xf32> to vector<96x1xf32>
    %mul3A_23 = vector.broadcast %broadcast_in_dim3A_22 : vector<96x1xf32> to vector<96x32768xf32>
    %mul3A_24 = arith.mulf %mul3A_23, %dot_general3A_19 : vector<96x32768xf32>
    %get3A_25 = arith.constant 0 : index
    %get3A_26 = vector.load %arg7[%get3A_25] : memref<96xf32, #tpu.memory_space<vmem>>, vector<96xf32>
    %broadcast_in_dim3A_27 = vector.shape_cast %get3A_26 : vector<96xf32> to vector<96x1xf32>
    %add3A_28 = vector.broadcast %broadcast_in_dim3A_27 : vector<96x1xf32> to vector<96x32768xf32>
    %add3A_29 = arith.addf %mul3A_24, %add3A_28 : vector<96x32768xf32>
    %max3A_30 = arith.constant 0.000000e+00 : f32
    %max3A_31 = vector.broadcast %max3A_30 : f32 to vector<96x32768xf32>
    %max3A_32 = arith.maximumf %add3A_29, %max3A_31 : vector<96x32768xf32>
    %get3A_33 = arith.constant 0 : index
    %get3A_34 = arith.constant 0 : index
    %get3A_35 = vector.load %arg8[%get3A_33, %get3A_34] : memref<128x96xf32, #tpu.memory_space<vmem>>, vector<128x96xf32>
    %dot_general3A_36 = arith.constant dense<0.000000e+00> : vector<128x32768xf32>
    %dot_general3A_37 = tpu.matmul %get3A_35, %max3A_32, %dot_general3A_36 {dimension_numbers = #tpu.dot_dimension_numbers<[1], [0], [0], [1], [0, 0, 1, 1], [], []>, transpose_lhs_hint = false} : vector<128x96xf32>, vector<96x32768xf32>, vector<128x32768xf32> -> vector<128x32768xf32>
    %get3A_38 = arith.constant 0 : index
    %get3A_39 = vector.load %arg9[%get3A_38] : memref<128xf32, #tpu.memory_space<vmem>>, vector<128xf32>
    %broadcast_in_dim3A_40 = vector.shape_cast %get3A_39 : vector<128xf32> to vector<128x1xf32>
    %mul3A_41 = vector.broadcast %broadcast_in_dim3A_40 : vector<128x1xf32> to vector<128x32768xf32>
    %mul3A_42 = arith.mulf %mul3A_41, %dot_general3A_37 : vector<128x32768xf32>
    %get3A_43 = arith.constant 0 : index
    %get3A_44 = vector.load %arg10[%get3A_43] : memref<128xf32, #tpu.memory_space<vmem>>, vector<128xf32>
    %broadcast_in_dim3A_45 = vector.shape_cast %get3A_44 : vector<128xf32> to vector<128x1xf32>
    %add3A_46 = vector.broadcast %broadcast_in_dim3A_45 : vector<128x1xf32> to vector<128x32768xf32>
    %add3A_47 = arith.addf %mul3A_42, %add3A_46 : vector<128x32768xf32>
    %max3A_48 = arith.constant 0.000000e+00 : f32
    %max3A_49 = vector.broadcast %max3A_48 : f32 to vector<128x32768xf32>
    %max3A_50 = arith.maximumf %add3A_47, %max3A_49 : vector<128x32768xf32>
    %reshape3A = vector.shape_cast %max3A_50 : vector<128x32768xf32> to vector<128x256x128xf32>
    %reduce_max3A = arith.constant dense<0xFF800000> : vector<128x256xf32>
    %reduce_max3A_51 = vector.multi_reduction <maximumf>, %reshape3A, %reduce_max3A [2] : vector<128x256x128xf32> to vector<128x256xf32>
    %swap3A = arith.constant 0 : index
    %swap3A_52 = arith.constant 0 : index
    %swap3A_53 = vector.load %arg11[%swap3A, %swap3A_52] : memref<128x256xf32, #tpu.memory_space<vmem>>, vector<128x256xf32>
    tpu.vector_store %arg11[%swap3A, %swap3A_52], %reduce_max3A_51 {strides = array<i32>} : memref<128x256xf32, #tpu.memory_space<vmem>>, vector<128x256xf32>,
    return
  }
  func.func @transform_0(%arg0: i32) -> (i32, i32) {
    %c0_i32 = arith.constant 0 : i32
    %c0_i32_0 = arith.constant 0 : i32
    return %c0_i32, %arg0 : i32, i32
  }
  func.func @transform_1(%arg0: i32) -> (i32, i32) {
    %c0_i32 = arith.constant 0 : i32
    %c0_i32_0 = arith.constant 0 : i32
    %c0_i32_1 = arith.constant 0 : i32
    return %c0_i32, %c0_i32_0 : i32, i32
  }
  func.func @transform_2(%arg0: i32) -> i32 {
    %c0_i32 = arith.constant 0 : i32
    %c0_i32_0 = arith.constant 0 : i32
    return %c0_i32 : i32
  }
  func.func @transform_3(%arg0: i32) -> i32 {
    %c0_i32 = arith.constant 0 : i32
    %c0_i32_0 = arith.constant 0 : i32
    return %c0_i32 : i32
  }
  func.func @transform_4(%arg0: i32) -> (i32, i32) {
    %c0_i32 = arith.constant 0 : i32
    %c0_i32_0 = arith.constant 0 : i32
    %c0_i32_1 = arith.constant 0 : i32
    return %c0_i32, %c0_i32_0 : i32, i32
  }
  func.func @transform_5(%arg0: i32) -> i32 {
    %c0_i32 = arith.constant 0 : i32
    %c0_i32_0 = arith.constant 0 : i32
    return %c0_i32 : i32
  }
  func.func @transform_6(%arg0: i32) -> i32 {
    %c0_i32 = arith.constant 0 : i32
    %c0_i32_0 = arith.constant 0 : i32
    return %c0_i32 : i32
  }
  func.func @transform_7(%arg0: i32) -> (i32, i32) {
    %c0_i32 = arith.constant 0 : i32
    %c0_i32_0 = arith.constant 0 : i32
    %c0_i32_1 = arith.constant 0 : i32
    return %c0_i32, %c0_i32_0 : i32, i32
  }
  func.func @transform_8(%arg0: i32) -> i32 {
    %c0_i32 = arith.constant 0 : i32
    %c0_i32_0 = arith.constant 0 : i32
    return %c0_i32 : i32
  }
  func.func @transform_9(%arg0: i32) -> i32 {
    %c0_i32 = arith.constant 0 : i32
    %c0_i32_0 = arith.constant 0 : i32
    return %c0_i32 : i32
  }
  func.func @transform_10(%arg0: i32) -> (i32, i32) {
    %c0_i32 = arith.constant 0 : i32
    %c0_i32_0 = arith.constant 0 : i32
    return %c0_i32, %arg0 : i32, i32
  }
}

</mosaic_0001>

<sc_bundles>
// kernel: kernel.8.cloned.1.call-start
scs
__scs_entry_jumppad:
0x0: {  	(pc) =	sbr.rel $0x88, $3  }
0x1: {  	(tag) =	ssettag $0x0;
	lr =	simm.s32 $0x1  }
0x2: {  	[smem:$0x3F84] =	sst lr;
	_ =	strace $0xD0000000  }
0x3: {  	_ = 	snop  }
0x4: {  	_ = 	snop  }
0x5: {  	_ = 	snop  }
0x6: {  	_ = 	snop  }
0x7: {  	_ = 	snop  }
__scs_overlays_trampoline_lowered:
0x8: {  	[smem:$0x3F93] =	sst s0  }
0x9: {  	[smem:$0x3F94] =	sst s1  }
0xa: {  	[smem:$0x3F95] =	sst s2  }
0xb: {  	[smem:$0x3F96] =	sst s3  }
0xc: {  	[smem:$0x3F97] =	sst s4  }
0xd: {  	[smem:$0x3F98] =	sst s5  }
0xe: {  	[smem:$0x3F99] =	sst s6  }
0xf: {  	[smem:$0x3F9A] =	sst s7  }
0x10: {  	[smem:$0x3F9B] =	sst s8  }
0x11: {  	[smem:$0x3F9C] =	sst s9;
	s0 =	simm.s32 @!p0 $0x0  }
0x12: {  	s1 =	sld [smem:$0x3F82];
	s0 =	simm.s32 @p0 $0x1  }
0x13: {  	[smem:$0x3F9D] =	sst s0;
	s0 =	simm.s32 @!p1 $0x0  }
0x14: {  	s2 =	sld [smem:$0x3F81];
	s0 =	simm.s32 @p1 $0x1  }
0x15: {  	[smem:$0x3F9E] =	sst s0;
	s0 =	simm.s32 @!p2 $0x0  }
0x16: {  	s3 =	sld [smem:$0x3FDB];
	s0 =	simm.s32 @p2 $0x1  }
0x17: {  	s4 =	simm.s32 $0x1BF5;
	[smem:$0x3FA0] =	sst s0  }
0x18: {  	s0 =	sld [smem:$0x3F83];
	_ =	swait.ge [sflag:s4], $0x0  }
0x19: {  	s7 =	sld [smem:$0x3F84]  }
0x1a: {  	s8 =	sadd.s32 $0xFFFFE003, lr  }
0x1b: {  	s9 =	sadd.s32 $0xFFFFFEF7, lr;
	s5 =	simm.s32 $0xFFFFFFFF;
	p2 =	slt.u32 s8, $0xFFFFF086  }
0x1c: {  	p1 =	slt.u32 s9, $0xF7A;
	s5 =	simm.s32 @!p2 $0x0  }
0x1d: {  	s5 =	simm.s32 @p1 $0x1;
	p0 =	seq.s32 s7, s2  }
0x1e: {  	s7 =	smul.u32 @!p0 $0xF7A, s2;
	p2 =	seq.s32 @!p0 s5, $0x0  }
0x1f: {  	s9 =	smul.u32 $0xF7A, s1;
	s8 =	simm.s32 @!p0 $0x1BF5;
	p2 =	por !p2, p0  }
0x20: {  	[sflag:s8] =	ssyncset.s32 @!p0 $0xFFFFF086;
	s6 =	sadd.s32 @!p0 s3, s7;
	s7 =	simm.s32 @!p0 $0x108  }
0x21: {  	s3 =	sadd.s32 s3, s9;
	s6 =	sadd.s32 @!p0 $0x88, s6;
	s7 =	simm.s32 @p2 $0x1082  }
0x22: {  	[simem:s7], [sflag:s8] =	dma.local @!p0 [hbm:s6], $0xF7A  }
0x23: {  	s9 =	sor.u32 $0xD0000000, s2;
	s6 =	simm.s32 $0x108;
	_ =	swait.ge @!p0 [sflag:s8], $0x0  }
0x24: {  	s3 =	sadd.s32 $0x88, s3;
	s6 =	simm.s32 @!p1 $0x1082;
	[sflag:s4] =	ssyncset.s32 $0xFFFFF086  }
0x25: {  	[simem:s6], [sflag:s4] =	dma.local [hbm:s3], $0xF7A  }
0x26: {  	[smem:$0x3F84] =	sst s1;
	(tag) =	ssettag s2;
	_ =	strace s9  }
0x27: {  	s1 =	sld [smem:$0x3F94]  }
0x28: {  	s2 =	sld [smem:$0x3F95]  }
0x29: {  	s4 =	sld [smem:$0x3F97]  }
0x2a: {  	p0 =	seq.s32 s5, $0x0;
	s5 =	sld [smem:$0x3F98]  }
0x2b: {  	s6 =	sld [smem:$0x3F99]  }
0x2c: {  	s7 =	sld [smem:$0x3F9A]  }
0x2d: {  	s3 =	simm.s32 $0x108;
	s8 =	sld [smem:$0x3F9B]  }
0x2e: {  	s3 =	simm.s32 @!p0 $0x1082;
	s9 =	sld [smem:$0x3F9C]  }
0x2f: {  	lr =	sadd.s32 s0, s3;
	s0 =	sld [smem:$0x3F93]  }
0x30: {  	s3 =	sld [smem:$0x3F96]  }
0x31: {  	[smem:$0x3F9F] =	sst s10  }
0x32: {  	s10 =	sld [smem:$0x3F9D];
	_ =	sdelay $0x3  }
0x33: {  	p0 =	seq.s32 s10, $0x1;
	s10 =	sld [smem:$0x3F9F];
	_ =	sdelay $0x3  }
0x34: {  	[smem:$0x3F9F] =	sst s10  }
0x35: {  	s10 =	sld [smem:$0x3F9E];
	_ =	sdelay $0x3  }
0x36: {  	p1 =	seq.s32 s10, $0x1;
	s10 =	sld [smem:$0x3F9F];
	_ =	sdelay $0x3  }
0x37: {  	[smem:$0x3F9F] =	sst s10  }
0x38: {  	s10 =	sld [smem:$0x3FA0]  }
0x39: {  	_ = 	snop;
	(pc) =	sbr.ind lr, $3  }
0x3a: {  	_ = 	snop  }
0x3b: {  	_ = 	snop  }
0x3c: {  	p2 =	seq.s32 s10, $0x1;
	s10 =	sld [smem:$0x3F9F]  }
0x3d: {  	_ =	shalt  }
0x3e: {  	_ =	shalt  }
0x3f: {  	_ =	shalt  }
0x40: {  	_ =	shalt  }
0x41: {  	_ =	shalt  }
0x42: {  	_ =	shalt  }
0x43: {  	_ =	shalt  }
0x44: {  	_ =	shalt  }
0x45: {  	_ =	shalt  }
0x46: {  	_ =	shalt  }
0x47: {  	_ =	shalt  }
0x48: {  	_ =	shalt  }
0x49: {  	_ =	shalt  }
0x4a: {  	_ =	shalt  }
0x4b: {  	_ =	shalt  }
0x4c: {  	_ =	shalt  }
0x4d: {  	_ =	shalt  }
0x4e: {  	_ =	shalt  }
0x4f: {  	_ =	shalt  }
0x50: {  	_ =	shalt  }
0x51: {  	_ =	shalt  }
0x52: {  	_ =	shalt  }
0x53: {  	_ =	shalt  }
0x54: {  	_ =	shalt  }
0x55: {  	_ =	shalt  }
0x56: {  	_ =	shalt  }
0x57: {  	_ =	shalt  }
0x58: {  	_ =	shalt  }
0x59: {  	_ =	shalt  }
0x5a: {  	_ =	shalt  }
0x5b: {  	_ =	shalt  }
0x5c: {  	_ =	shalt  }
0x5d: {  	_ =	shalt  }
0x5e: {  	_ =	shalt  }
0x5f: {  	_ =	shalt  }
0x60: {  	_ =	shalt  }
0x61: {  	_ =	shalt  }
0x62: {  	_ =	shalt  }
0x63: {  	_ =	shalt  }
0x64: {  	_ =	shalt  }
0x65: {  	_ =	shalt  }
0x66: {  	_ =	shalt  }
0x67: {  	_ =	shalt  }
0x68: {  	_ =	shalt  }
0x69: {  	_ =	shalt  }
0x6a: {  	_ =	shalt  }
0x6b: {  	_ =	shalt  }
0x6c: {  	_ =	shalt  }
0x6d: {  	_ =	shalt  }
0x6e: {  	_ =	shalt  }
0x6f: {  	_ =	shalt  }
0x70: {  	_ =	shalt  }
0x71: {  	_ =	shalt  }
0x72: {  	_ =	shalt  }
0x73: {  	_ =	shalt  }
0x74: {  	_ =	shalt  }
0x75: {  	_ =	shalt  }
0x76: {  	_ =	shalt  }
0x77: {  	_ =	shalt  }
0x78: {  	_ =	shalt  }
0x79: {  	_ =	shalt  }
0x7a: {  	_ =	shalt  }
0x7b: {  	_ =	shalt  }
0x7c: {  	_ =	shalt  }
0x7d: {  	_ =	shalt  }
0x7e: {  	_ =	shalt  }
0x7f: {  	_ =	shalt  }
0x80: {  	_ =	shalt  }
0x81: {  	_ =	shalt  }
0x82: {  	_ =	shalt  }
0x83: {  	_ =	shalt  }
0x84: {  	_ =	shalt  }
0x85: {  	_ =	shalt  }
0x86: {  	_ =	shalt  }
0x87: {  	_ =	shalt  }
.Lfunc_end0:
.L_simem_size_0:
called_computation_lowered:
.L_overlay_start_0:
0x88: {  	s2 =	sld [smem:$0x3FD9]  }
0x89: {  	s3 =	sld [smem:$0x3FFE];
	_ =	sdelay $0x1  }
0x8a: {  	s1 =	srdreg.scid  }
0x8b: {  	s0 =	sand.u32 $0x1, s1  }
0x8c: {  	s14 =	sshll.u32 s0, $0xA;
	s2 =	sadd.s32 s3, s2  }
0x8d: {  	s2 =	sadd.s32 s2, s14  }
0x8e: {  	[smem:$0x3FAB] =	sst s2  }
0x8f: {  	_ = 	snop  }
0x90: {  	s2 =	sld [smem:$0x3FD0];
	_ =	sdelay $0x2  }
0x91: {  	s15 =	simm.s32 $0xA;
	s4 =	simm.s32 $0x10  }
0x92: {  	[smem:s4], [sflag:s15] =	dma.local [hbm:s2], $0x1  }
0x93: {  	_ =	swait.eq [sflag:s15], $0x1  }
0x94: {  	[sflag:s15] =	ssyncset.done $0x0  }
0x95: {  	[sflag:s15] =	ssyncadd.s32 $0xFFFFFFFF  }
0x96: {  	s16 =	sld [smem:$0x11];
	(tm) =	ssettm $0x1  }
0x97: {  	s17 =	sld [smem:$0x3FFB];
	_ =	sdelay $0x3  }
0x98: {  	_ =	strace s17  }
0x99: {  	s3 =	sld [smem:$0x3FFC];
	_ =	sdelay $0x3  }
0x9a: {  	_ =	strace s3  }
0x9b: {  	s3 =	sld [smem:$0x3FFD];
	_ =	sdelay $0x3  }
0x9c: {  	_ =	strace s3  }
0x9d: {  	_ =	strace $0x8FFFFFFF  }
0x9e: {  	s18 =	sld [smem:$0x3FDB];
	_ =	sdelay $0x1  }
0x9f: {  	s19 =	simm.s32 $_scs_section_size  }
0xa0: {  	s5 =	simm.s32 $_size__tile_overlayer_lowered;
	s6 =	simm.s32 $_tile_overlayer_lowered  }
0xa1: {  	s22 =	simm.s32 $0x1BFF;
	s21 =	sshll.u32 s6, $0x1;
	s3 =	sadd.s32 s19, s18  }
0xa2: {  	s7 =	simm.s32 $0x0;
	s20 =	sshll.u32 s5, $0x1;
	s5 =	sadd.s32 s21, s3  }
0xa3: {  	[timem:s7], [sflag:s22] =	dma.local [hbm:s5], s20  }
0xa4: {  	_ =	swait.ge [sflag:s22], s20  }
0xa5: {  	s4 =	ssub.s32 $0x0, s20;
	[sflag:s22] =	ssyncset.done $0x0  }
0xa6: {  	[sflag:s22] =	ssyncadd.s32 s4;
	_ =	sdelay $0x1  }
0xa7: {  	s23 =	simm.s32 $0x1B8B  }
0xa8: {  	_ =	swait.ge [sflag:s23], $0x1  }
0xa9: {  	[sflag:s23] =	ssyncset.done $0x0  }
0xaa: {  	s25 =	simm.s32 $0x1B8E;
	s24 =	sld [smem:$0x3FFE];
	[sflag:s23] =	ssyncadd.s32 $0xFFFFFFFF  }
0xab: {  	s26 =	simm.s32 $execute0_lowered;
	[smem:$0x3FD2] =	sst s25  }
0xac: {  	s5 =	sshll.u32 s26, $0x1;
	_ =	strace $0x80000046;
	[dreg:$0x1] =	wrdreg $0xFFFFFFFF  }
0xad: {  	s28 =	simm.s32 $_size_execute0_lowered;
	s3 =	sadd.s32 s3, s5;
	[dreg:$0x0] =	wrdreg $0x0  }
0xae: {  	s5 =	sshll.u32 s28, $0x1;
	[dreg:$0x2] =	wrdreg s3  }
0xaf: {  	[dreg:$0x3] =	wrdreg s5  }
0xb0: {  	[dreg:$0x4] =	wrdreg $0xC0  }
0xb1: {  	_ =	task [dreg:s7], $0x5FFFF  }
0xb2: {  	[dreg:$0x1] =	wrdreg $0xFFFFFFFF  }
0xb3: {  	[dreg:$0x0] =	wrdreg $0x60  }
0xb4: {  	[dreg:$0x2] =	wrdreg s24  }
0xb5: {  	[dreg:$0x3] =	wrdreg s16  }
0xb6: {  	[dreg:$0x4] =	wrdreg $0x9  }
0xb7: {  	_ =	task.clear_ibuf [dreg:s7], $0x5FFFF;
	_ =	strace $0x90000046  }
0xb8: {  	s29 =	simm.s32 $0x9;
	_ =	strace $0x80000048  }
0xb9: {  	_ =	swait.ge [sflag:s29], $0x1  }
0xba: {  	[sflag:s29] =	ssyncadd.s32 $0xFFFFFFFF  }
0xbb: {  	_ =	strace $0x90000048  }
0xbc: {  	_ =	sfence  }
0xbd: {  	s30 =	sld [smem:$0x0];
	_ =	sdelay $0x2  }
0xbe: {  	s31 =	sshll.u32 s1, $0xD;
	s1 =	sshrl.u32 s1, $0x2  }
0xbf: {  	s3 =	sand.u32 $0x4000, s31;
	s1 =	sadd.s32 s1, s30  }
0xc0: {  	s0 =	sor.u32 s3, s0;
	s1 =	sshll.u32 s1, $0x11  }
0xc1: {  	s0 =	sor.u32 s1, s0  }
0xc2: {  	s0 =	sadd.s32 $0x8F2B, s0  }
0xc3: {  	[sflag:s0] =	ssyncadd.remote.s32 $0x1  }
0xc4: {  	_ =	sfence.sel $0xFFFF  }
0xc5: {  	[dreg:$0x0] =	wrdreg $0xFFFFFFFF;
	(pc) =	sbr.abs _section_cstart, $3  }
0xc6: {  	[dreg:$0x1] =	wrdreg $0xFFFFFFFF  }
0xc7: {  	_ =	task.clear_ibuf [dreg:s7], $0x2FFFF;
	_ =	strace $0x9FFFFFFF  }
0xc8: {  	(tm) =	ssettm $0x7FFFFFFF  }
0xc9: {  	_ =	shalt  }
tec
execute0_lowered:
.L_overlay_start_1:
0x0: {  	(tag) =	ssettag $0x1  }
0x1: {  	s0 =	rddreg [dreg:$0x0];
	s3 =	simm.s32 $0x0  }
0x2: {  	s1 =	srdreg.scid;
	s4 =	stileid.u32;
	s16 =	simm.s32 $0x1  }
0x3: {  	s17 =	simm.s32 $0x8200;
	s18 =	simm.s32 $0x8180;
	s19 =	simm.s32 $0x8100  }
0x4: {  	s20 =	simm.s32 $0x3;
	s21 =	simm.s32 $0x8300;
	s22 =	simm.s32 $0x8600  }
0x5: {  	s23 =	simm.s32 $0x8C00;
	s1 =	sand.u32 $0x1, s1;
	s2 =	sshll.u32 s4, $0x1  }
0x6: {  	s4 =	sshrl.u32 s4, $0x2;
	[smem:$0x7FF] =	sst s3;
	s10 =	sadd.s32 $0x6C00, s0  }
0x7: {  	s6 =	sadd.s32 $0x106E00, s0;
	s7 =	sadd.s32 $0x10CE00, s0;
	s2 =	sor.u32 s1, s2  }
0x8: {  	s4 =	smul.u32 $0xC00, s4;
	_ =	strace $0x80000047;
	s1 =	ssub.s32 $0x2, s1  }
0x9: {  	[dreg:$0x3] =	wrdreg s10;
	s5 =	sshll.u32 s2, $0x3;
	s8 =	sshrl.u32 s1, $0x1  }
.Ltmp0:
0xa: {  	s31 =	sshll.u32 s2, $0xF;
	s4 =	sadd.s32 s4, s0;
	(pc) =	sbr.rel .LBB2_1-.Ltmp0, $4  }
0xb: {  	v0 =	vlaneseq.u32;
	v1 =	vimm.s32 $0x0;
	vm0 =	vcmask $0x300;
	s9 =	sadd.s32 s5, s0;
	s5 =	sadd.s32 $0x3400, s0;
	s29 =	sadd.s32 $0x3C00, s4  }
0xc: {  	v2 =	vor.u32 $0x10, v0;
	v3 =	vsel vm0, $0x7, v1;
	s28 =	ssub.s32 s1, s8;
	s30 =	sadd.s32 $0x106C00, s9;
	[dreg:$0x4] =	wrdreg s29  }
0xd: {  	v4 =	vor.u32 $0x20, v0;
	v5 =	vor.u32 $0x30, v0;
	v6 =	vor.u32 $0x40, v0;
	s8 =	sshll.u32 s2, $0x6;
	s0 =	smax.u32 s28, $0x1;
	[dreg:$0x5] =	wrdreg s30  }
0xe: {  	v7 =	vor.u32 $0x50, v0;
	v8 =	vor.u32 $0x60, v0;
	v9 =	vor.u32 $0x70, v0;
	s11 =	sadd.s32 s10, s31;
	s2 =	simm.s32 $0x0;
	[dreg:$0x6] =	wrdreg s0  }
.LBB2_12:
0xf: {  	s1 =	simm.s32 $0x2  }
0x10: {  	_ =	swait.ge [sflag:s1], $0x80  }
0x11: {  	[sflag:s1] =	ssyncset.done $0x0  }
0x12: {  	[sflag:s1] =	ssyncadd.s32 $0xFFFFFF80  }
0x13: {  	_ =	swait.ge [sflag:s1], $0x80  }
0x14: {  	[sflag:s1] =	ssyncset.done $0x0  }
0x15: {  	[sflag:s1] =	ssyncadd.s32 $0xFFFFFF80  }
0x16: {  	_ =	swait.ge [sflag:s1], $0x80  }
0x17: {  	[sflag:s1] =	ssyncset.done $0x0  }
0x18: {  	[sflag:s1] =	ssyncadd.s32 $0xFFFFFF80  }
0x19: {  	_ =	swait.ge [sflag:s1], $0x80  }
0x1a: {  	[sflag:s1] =	ssyncset.done $0x0  }
0x1b: {  	[sflag:s1] =	ssyncadd.s32 $0xFFFFFF80  }
0x1c: {  	_ =	swait.ge [sflag:s1], $0x80  }
0x1d: {  	[sflag:s1] =	ssyncset.done $0x0  }
0x1e: {  	[sflag:s1] =	ssyncadd.s32 $0xFFFFFF80  }
0x1f: {  	_ =	swait.ge [sflag:s1], $0x80  }
0x20: {  	[sflag:s1] =	ssyncset.done $0x0  }
0x21: {  	[sflag:s1] =	ssyncadd.s32 $0xFFFFFF80  }
0x22: {  	_ =	swait.ge [sflag:s1], $0x100  }
0x23: {  	[sflag:s1] =	ssyncset.done $0x0  }
0x24: {  	[sflag:s1] =	ssyncadd.s32 $0xFFFFFF00  }
0x25: {  	_ =	swait.ge [sflag:s1], $0x100  }
0x26: {  	[sflag:s1] =	ssyncset.done $0x0  }
0x27: {  	[sflag:s1] =	ssyncadd.s32 $0xFFFFFF00  }
0x28: {  	_ =	swait.ge [sflag:s1], $0x100  }
0x29: {  	[sflag:s1] =	ssyncset.done $0x0  }
0x2a: {  	[sflag:s1] =	ssyncadd.s32 $0xFFFFFF00  }
0x2b: {  	_ =	swait.ge [sflag:s1], $0x100  }
0x2c: {  	[sflag:s1] =	ssyncset.done $0x0  }
0x2d: {  	[sflag:s1] =	ssyncadd.s32 $0xFFFFFF00  }
0x2e: {  	_ =	swait.ge [sflag:s1], $0x100  }
0x2f: {  	[sflag:s1] =	ssyncset.done $0x0  }
0x30: {  	[sflag:s1] =	ssyncadd.s32 $0xFFFFFF00  }
0x31: {  	_ =	swait.ge [sflag:s1], $0x100  }
0x32: {  	[sflag:s1] =	ssyncset.done $0x0  }
0x33: {  	[sflag:s1] =	ssyncadd.s32 $0xFFFFFF00  }
0x34: {  	_ =	swait.ge [sflag:s1], $0x400  }
0x35: {  	[sflag:s1] =	ssyncset.done $0x0  }
0x36: {  	[sflag:s1] =	ssyncadd.s32 $0xFFFFFC00  }
0x37: {  	_ =	swait.ge [sflag:s1], $0x400  }
0x38: {  	[sflag:s1] =	ssyncset.done $0x0  }
0x39: {  	[sflag:s1] =	ssyncadd.s32 $0xFFFFFC00  }
0x3a: {  	_ =	swait.ge [sflag:s1], $0x400  }
0x3b: {  	[sflag:s1] =	ssyncset.done $0x0  }
0x3c: {  	[sflag:s1] =	ssyncadd.s32 $0xFFFFFC00  }
0x3d: {  	_ =	swait.ge [sflag:s1], $0x400  }
0x3e: {  	[sflag:s1] =	ssyncset.done $0x0  }
0x3f: {  	[sflag:s1] =	ssyncadd.s32 $0xFFFFFC00  }
0x40: {  	_ =	swait.ge [sflag:s1], $0x400  }
0x41: {  	[sflag:s1] =	ssyncset.done $0x0  }
0x42: {  	[sflag:s1] =	ssyncadd.s32 $0xFFFFFC00  }
0x43: {  	_ =	swait.ge [sflag:s1], $0x400  }
0x44: {  	s2 =	rddreg [dreg:$0x7]  }
0x45: {  	s0 =	rddreg [dreg:$0x6];
	s2 =	sadd.s32 $0x1, s2  }
0x46: {  	p0 =	sne.s32 s2, s0  }
.Ltmp1:
0x47: {  	_ = 	snop;
	(pc) =	sbr.rel @!p0 .LBB2_13-.Ltmp1, $3  }
0x48: {  	_ =	sdelay $0x1  }
0x49: {  	[sflag:s1] =	ssyncset.done $0x0  }
0x4a: {  	[sflag:s1] =	ssyncadd.s32 $0xFFFFFC00  }
.LBB2_1:
0x4b: {  	[dreg:$0x7] =	wrdreg s2  }
0x4c: {  	s0 =	rddreg [dreg:$0x4];
	s1 =	simm.s32 $0x4  }
0x4d: {  	[tilespmem:s3], [sflag:$0x4] =	stream.linear.gather [hbm4b:s0+s3], $0x6000, $0x38;
	[tilespmem:$0xA400] =	vst v63  }
0x4e: {  	_ =	swait.ge [sflag:s1], $0x6000  }
0x4f: {  	[sflag:s1] =	ssyncset.done $0x0  }
0x50: {  	s30 =	simm.s32 $0x8000;
	s29 =	rddreg [dreg:$0x5];
	[sflag:s1] =	ssyncadd.s32 $0xFFFFA000  }
0x51: {  	[tilespmem:s30], [sflag:$0x4] =	stream.linear.gather [hbm4b:s29+s3], $0x40, $0x38;
	[tilespmem:$0xA400] =	vst v63  }
0x52: {  	_ =	swait.ge [sflag:s1], $0x40  }
0x53: {  	s31 =	sadd.s32 $0x0, s11;
	[sflag:s1] =	ssyncset.done $0x0  }
0x54: {  	s0 =	simm.s32 $0x6000;
	[sflag:s1] =	ssyncadd.s32 $0xFFFFFFC0;
	s1 =	simm.s32 $0x80  }
0x55: {  	[tilespmem:s0], [sflag:$0x1] =	stream.linear.gather [hbm4b:s31+s3], $0x80, $0x38;
	[tilespmem:$0xA400] =	vst v63  }
.LBB2_2:
0x56: {  	p0 =	sne.s32 s1, $0xF80  }
.Ltmp2:
0x57: {  	_ = 	snop;
	(pc) =	sbr.rel @p0 .LBB2_2-.Ltmp2, $4  }
0x58: {  	_ = 	snop  }
0x59: {  	s2 =	sadd.s32 s1, s11;
	s0 =	sadd.s32 $0x100, s0  }
0x5a: {  	s26 =	simm.s32 $0x0;
	s1 =	sadd.s32 $0x80, s1  }
0x5b: {  	[tilespmem:s0], [sflag:$0x1] =	stream.linear.gather [hbm4b:s2+s26], $0x80, $0x38;
	[tilespmem:$0xA400] =	vst v63  }
.Ltmp3:
0x5c: {  	_ = 	snop;
	(pc) =	sbr.rel .LBB2_3-.Ltmp3, $1  }
0x5d: {  	_ =	sdelay $0x3  }
.LBB2_11:
0x5e: {  	p0 =	sne.s32 s30, $0x40  }
.Ltmp4:
0x5f: {  	_ = 	snop;
	(pc) =	sbr.rel @!p0 .LBB2_12-.Ltmp4, $2  }
0x60: {  	_ =	sdelay $0x2  }
0x61: {  	s26 =	smov.u32 s30  }
.LBB2_3:
0x62: {  	s0 =	sadd.s32 s8, s26;
	p0 =	seq.s32 s26, $0x3F  }
.Ltmp5:
0x63: {  	s2 =	simm.s32 $0x8080;
	s1 =	sadd.s32 s5, s0;
	(pc) =	sbr.rel @p0 .LBB2_7-.Ltmp5, $4  }
0x64: {  	[tilespmem:s2], [sflag:$0x3] =	stream.linear.gather [hbm4b:s1+s3], $0x8, $0x38;
	[tilespmem:$0xA400] =	vst v63  }
0x65: {  	_ =	swait.ge [sflag:s16], $0x1000  }
0x66: {  	[sflag:s16] =	ssyncset.done $0x0  }
0x67: {  	s1 =	simm.s32 $0x80;
	[sflag:s16] =	ssyncadd.s32 $0xFFFFF000  }
0x68: {  	s2 =	sadd.s32 $0x1, s0  }
0x69: {  	s1 =	sshll.u32 s26, $0x7;
	s31 =	rddreg [dreg:$0x3];
	s4 =	sshll.u32 s2, $0x4  }
0x6a: {  	s1 =	sand.u32 $0x80, s1;
	s2 =	sshll.u32 s2, $0x9;
	s4 =	sand.u32 $0x70, s4  }
0x6b: {  	s9 =	sxor.u32 $0x80, s1;
	s10 =	sand.u32 $0xFFFF000, s2;
	s4 =	sadd.s32 s31, s4  }
0x6c: {  	s2 =	sor.u32 $0x6000, s9;
	s4 =	sadd.s32 s10, s4  }
0x6d: {  	s9 =	simm.s32 $0x80;
	s10 =	sadd.s32 $0x100, s2;
	s12 =	sadd.s32 $0x0, s4  }
.LBB2_5:
0x6e: {  	[tilespmem:s2], [sflag:$0x1] =	stream.linear.gather [hbm4b:s12+s3], $0x80, $0x38;
	[tilespmem:$0xA400] =	vst v63  }
0x6f: {  	s12 =	smov.u32 s9;
	s2 =	smov.u32 s10;
	p0 =	sne.s32 s9, $0xF80  }
.Ltmp6:
0x70: {  	s9 =	sadd.s32 $0x80, s9;
	(pc) =	sbr.rel @p0 .LBB2_5-.Ltmp6, $2  }
0x71: {  	_ =	sdelay $0x2  }
0x72: {  	s10 =	sadd.s32 $0x100, s10;
	s12 =	sadd.s32 s12, s4  }
0x73: {  	[tilespmem:s2], [sflag:$0x1] =	stream.linear.gather [hbm4b:s12+s3], $0x80, $0x38;
	[tilespmem:$0xA400] =	vst v63  }
.LBB2_7:
0x74: {  	v10 =	vmov s1  }
0x75: {  	s2 =	simm.s32 $0x0  }
0x76: {  	s14 =	simm.s32 $0x0;
	s24 =	sand.u32 $0x1F00, s2  }
0x77: {  	s4 =	sand.u32 $0x60, s14;
	s1 =	sor.u32 $0x6000, s24  }
0x78: {  	s4 =	sor.u32 s4, s1  }
0x79: {  	v11 =	vld.idx.msk [tilespmem:v10+s4+$0x0 ss:$0x1], $0xffff;
	_ =	sdelay $0x4  }
0x7a: {  	vm0 =	vle.f32 v11, $1.599999960e-01  }
0x7b: {  	vm1 =	vle.f32 v11, $3.999999910e-02;
	v12 =	vsel vm0, $0x1, v1  }
0x7c: {  	vm2 =	vle.f32 v11, $9.999999770e-03;
	v11 =	vsel vm1, $0x1, v1;
	(xrf0) =	vadd.scan.msk.s32 $0xffff, v12  }
0x7d: {  	s29 =	sand.u32 $0x7, s26;
	s30 =	sadd.s32 $0x1, s26;
	v14 =	vsel vm2, $0x1, v1;
	(xrf0) =	vadd.scan.msk.s32 $0xffff, v11  }
0x7e: {  	s13 =	simm.s32 $0x40;
	s10 =	simm.s32 $0x20;
	s31 =	simm.s32 $0x30;
	(xrf0) =	vadd.scan.msk.s32 $0xffff, v14  }
0x7f: {  	s15 =	simm.s32 $0x0;
	s28 =	ssub.s32 s0, s29;
	s25 =	sand.u32 $0x1F00, s13;
	v13 =	vmov s2  }
0x80: {  	s0 =	simm.s32 $0x10;
	s9 =	sand.u32 $0x60, s10;
	s12 =	sor.u32 $0x6000, s25;
	v12 =	vadd.s32 $0xFFFFFFFF, v13  }
0x81: {  	s24 =	simm.s32 $0x2;
	s9 =	sor.u32 s9, s12;
	s4 =	simm.s32 $0x0;
	v11 =	vbroadcast v12, $0x0;
	v13 =	vbroadcast v12, $0x0  }
.LBB2_8:
0x82: {  	s24 =	sadd.s32 $0x2, s24;
	v14, _, _ =	vpop (xrf0)  }
0x83: {  	v12 =	vbroadcast v12, $0x0;
	p0 =	slt.u32 s24, $0xFE;
	v13 =	vadd.s32 v14, v13;
	v15, _, _ =	vpop (xrf0);
	(v2sf) =	vpush v14, $0xF  }
0x84: {  	v11 =	vadd.s32 v15, v11;
	vm3 =	vlt.s32 v13, $0x80;
	v14, _, _ =	vpop (xrf0);
	(v2sf) =	vpush v15, $0xF  }
0x85: {  	v12 =	vadd.s32 v14, v12;
	vm0 =	vmand vm0, vm3;
	vm3 =	vlt.s32 v11, $0x20  }
0x86: {  	vm1 =	vmand vm1, vm3;
	vm3 =	vlt.s32 v12, $0x10;
	(v2sf) =	vpush v14, $0xF  }
0x87: {  	vm2 =	vmand vm2, vm3;
	_ =	sdelay $0x2  }
0x88: {  	v14 =	vor.u32 s14, v0;
	s14 =	smov.u32 s10  }
0x89: {  	[tilespmem:v13+s17+$0x0] =	vst.idx.msk vm0, v14  }
0x8a: {  	s10 =	sand.u32 $0x70, s0;
	[tilespmem:v11+s18+$0x0] =	vst.idx.msk vm1, v14  }
0x8b: {  	s10 =	sor.u32 s10, s1;
	s1 =	smov.u32 s12;
	[tilespmem:v12+s19+$0x0] =	vst.idx.msk vm2, v14  }
0x8c: {  	v11 =	vld.idx.msk [tilespmem:v10+s10+$0x0 ss:$0x1], $0xffff;
	_ =	sdelay $0x3  }
0x8d: {  	s10 =	spop (v2sf)  }
0x8e: {  	s12 =	spop (v2sf)  }
0x8f: {  	vm2 =	vle.f32 v11, $1.599999960e-01;
	vm1 =	vle.f32 v11, $3.999999910e-02;
	vm0 =	vle.f32 v11, $9.999999770e-03;
	s2 =	sadd.s32 s2, s12  }
0x90: {  	v11 =	vsel vm2, $0x1, v1;
	v12 =	vsel vm1, $0x1, v1;
	v13 =	vsel vm0, $0x1, v1;
	s12 =	spop (v2sf)  }
0x91: {  	v14 =	vmov s2;
	(xrf0) =	vadd.scan.msk.s32 $0xffff, v11  }
0x92: {  	v11 =	vadd.s32 $0xFFFFFFFF, v14;
	(xrf0) =	vadd.scan.msk.s32 $0xffff, v12  }
0x93: {  	s4 =	sadd.s32 s4, s10;
	(xrf0) =	vadd.scan.msk.s32 $0xffff, v13  }
0x94: {  	v12 =	vmov s4  }
0x95: {  	s15 =	sadd.s32 s15, s12;
	v12 =	vadd.s32 $0xFFFFFFFF, v12  }
0x96: {  	v13 =	vmov s15;
	v12 =	vbroadcast v12, $0x0  }
0x97: {  	v11 =	vbroadcast v11, $0x0;
	v13 =	vadd.s32 $0xFFFFFFFF, v13;
	v14, _, _ =	vpop (xrf0)  }
0x98: {  	v13 =	vbroadcast v13, $0x0;
	v12 =	vadd.s32 v14, v12;
	v15, _, _ =	vpop (xrf0);
	(v2sf) =	vpush v14, $0xF  }
0x99: {  	v11 =	vadd.s32 v15, v11;
	vm3 =	vlt.s32 v12, $0x80;
	v14, _, _ =	vpop (xrf0);
	(v2sf) =	vpush v15, $0xF  }
0x9a: {  	v13 =	vadd.s32 v14, v13;
	vm2 =	vmand vm2, vm3;
	vm3 =	vlt.s32 v11, $0x20  }
0x9b: {  	vm1 =	vmand vm1, vm3;
	vm3 =	vlt.s32 v13, $0x10;
	(v2sf) =	vpush v14, $0xF  }
0x9c: {  	vm0 =	vmand vm0, vm3;
	_ =	sdelay $0x2  }
0x9d: {  	v14 =	vor.u32 s0, v0;
	s0 =	smov.u32 s31  }
0x9e: {  	[tilespmem:v12+s17+$0x0] =	vst.idx.msk vm2, v14  }
0x9f: {  	[tilespmem:v11+s18+$0x0] =	vst.idx.msk vm1, v14  }
0xa0: {  	[tilespmem:v13+s19+$0x0] =	vst.idx.msk vm0, v14  }
0xa1: {  	v11 =	vld.idx.msk [tilespmem:v10+s9+$0x0 ss:$0x1], $0xffff;
	_ =	sdelay $0x3  }
0xa2: {  	s31 =	sadd.s32 $0x20, s31;
	s9 =	spop (v2sf)  }
0xa3: {  	s13 =	sadd.s32 $0x40, s13;
	s4 =	sadd.s32 s4, s9;
	s9 =	spop (v2sf)  }
0xa4: {  	s12 =	sand.u32 $0x1F00, s13;
	s10 =	sadd.s32 $0xFFFFFFF0, s31;
	vm0 =	vle.f32 v11, $1.599999960e-01;
	vm1 =	vle.f32 v11, $3.999999910e-02;
	v12 =	vmov s4;
	s2 =	sadd.s32 s2, s9  }
0xa5: {  	s12 =	sor.u32 $0x6000, s12;
	vm2 =	vle.f32 v11, $9.999999770e-03;
	s9 =	sand.u32 $0x60, s10;
	v11 =	vsel vm0, $0x1, v1;
	v13 =	vsel vm1, $0x1, v1;
	s25 =	spop (v2sf)  }
0xa6: {  	v14 =	vsel vm2, $0x1, v1;
	s9 =	sor.u32 s9, s12;
	v15 =	vadd.s32 $0xFFFFFFFF, v12;
	v12 =	vmov s2;
	(xrf0) =	vadd.scan.msk.s32 $0xffff, v11;
	s15 =	sadd.s32 s15, s25  }
.Ltmp7:
0xa7: {  	v11 =	vadd.s32 $0xFFFFFFFF, v12;
	v12 =	vmov s15;
	(xrf0) =	vadd.scan.msk.s32 $0xffff, v13;
	(pc) =	sbr.rel @p0 .LBB2_8-.Ltmp7, $2  }
0xa8: {  	v11 =	vbroadcast v11, $0x0;
	v12 =	vadd.s32 $0xFFFFFFFF, v12;
	(xrf0) =	vadd.scan.msk.s32 $0xffff, v14;
	_ =	sdelay $0x2  }
0xa9: {  	v13 =	vbroadcast v15, $0x0  }
0xaa: {  	v14, _, _ =	vpop (xrf0)  }
0xab: {  	v12 =	vbroadcast v12, $0x0;
	v13 =	vadd.s32 v14, v13;
	v15, _, _ =	vpop (xrf0)  }
0xac: {  	v11 =	vadd.s32 v15, v11;
	vm3 =	vlt.s32 v13, $0x80;
	v16, _, _ =	vpop (xrf0)  }
0xad: {  	v12 =	vadd.s32 v16, v12;
	vm0 =	vmand vm0, vm3;
	vm6 =	vlt.s32 v11, $0x20  }
0xae: {  	vm1 =	vmand vm1, vm6;
	vm7 =	vlt.s32 v12, $0x10  }
0xaf: {  	(v2sf) =	vpush v14, $0xF;
	vm2 =	vmand vm2, vm7  }
0xb0: {  	(v2sf) =	vpush v15, $0xF  }
0xb1: {  	(v2sf) =	vpush v16, $0xF  }
0xb2: {  	v44 =	vor.u32 s14, v0  }
0xb3: {  	[tilespmem:v13+s17+$0x0] =	vst.idx.msk vm0, v44  }
0xb4: {  	s13 =	sand.u32 $0x70, s0;
	[tilespmem:v11+s18+$0x0] =	vst.idx.msk vm1, v44  }
0xb5: {  	s1 =	sor.u32 s13, s1;
	[tilespmem:v12+s19+$0x0] =	vst.idx.msk vm2, v44  }
0xb6: {  	v11 =	vld.idx.msk [tilespmem:v10+s1+$0x0 ss:$0x1], $0xffff;
	_ =	sdelay $0x4  }
0xb7: {  	vm8 =	vle.f32 v11, $1.599999960e-01  }
0xb8: {  	vm9 =	vle.f32 v11, $3.999999910e-02;
	v45 =	vsel vm8, $0x1, v1  }
0xb9: {  	vm10 =	vle.f32 v11, $9.999999770e-03;
	v11 =	vsel vm9, $0x1, v1;
	(xrf0) =	vadd.scan.msk.s32 $0xffff, v45  }
0xba: {  	s24 =	spop (v2sf);
	v46 =	vsel vm10, $0x1, v1;
	(xrf0) =	vadd.scan.msk.s32 $0xffff, v11  }
0xbb: {  	s25 =	spop (v2sf);
	s1 =	sadd.s32 s4, s24;
	(xrf0) =	vadd.scan.msk.s32 $0xffff, v46  }
0xbc: {  	s2 =	sadd.s32 s2, s25;
	s14 =	spop (v2sf);
	v11 =	vmov s1  }
0xbd: {  	v47 =	vmov s2;
	s4 =	sadd.s32 s15, s14;
	v11 =	vadd.s32 $0xFFFFFFFF, v11  }
0xbe: {  	v12 =	vadd.s32 $0xFFFFFFFF, v47;
	v48 =	vmov s4;
	v11 =	vbroadcast v11, $0x0  }
0xbf: {  	v12 =	vbroadcast v12, $0x0;
	v13 =	vadd.s32 $0xFFFFFFFF, v48;
	v49, _, _ =	vpop (xrf0)  }
0xc0: {  	v13 =	vbroadcast v13, $0x0;
	v11 =	vadd.s32 v49, v11;
	v50, _, _ =	vpop (xrf0)  }
0xc1: {  	v12 =	vadd.s32 v50, v12;
	vm11 =	vlt.s32 v11, $0x80;
	v51, _, _ =	vpop (xrf0)  }
0xc2: {  	v13 =	vadd.s32 v51, v13;
	vm1 =	vmand vm8, vm11;
	vm12 =	vlt.s32 v12, $0x20  }
0xc3: {  	vm2 =	vmand vm9, vm12;
	vm13 =	vlt.s32 v13, $0x10  }
0xc4: {  	(v2sf) =	vpush v49, $0xF;
	vm0 =	vmand vm10, vm13  }
0xc5: {  	(v2sf) =	vpush v50, $0xF  }
0xc6: {  	(v2sf) =	vpush v51, $0xF  }
0xc7: {  	v52 =	vor.u32 s0, v0  }
0xc8: {  	[tilespmem:v11+s17+$0x0] =	vst.idx.msk vm1, v52  }
0xc9: {  	[tilespmem:v12+s18+$0x0] =	vst.idx.msk vm2, v52  }
0xca: {  	[tilespmem:v13+s19+$0x0] =	vst.idx.msk vm0, v52  }
0xcb: {  	v11 =	vld.idx.msk [tilespmem:v10+s9+$0x0 ss:$0x1], $0xffff;
	_ =	sdelay $0x4  }
0xcc: {  	vm14 =	vle.f32 v11, $1.599999960e-01  }
0xcd: {  	vm15 =	vle.f32 v11, $3.999999910e-02;
	v53 =	vsel vm14, $0x1, v1  }
0xce: {  	vm6 =	vle.f32 v11, $9.999999770e-03;
	v11 =	vsel vm15, $0x1, v1;
	(xrf0) =	vadd.scan.msk.s32 $0xffff, v53  }
0xcf: {  	s24 =	spop (v2sf);
	v54 =	vsel vm6, $0x1, v1;
	(xrf0) =	vadd.scan.msk.s32 $0xffff, v11  }
0xd0: {  	s0 =	sadd.s32 s1, s24;
	s25 =	spop (v2sf);
	(xrf0) =	vadd.scan.msk.s32 $0xffff, v54  }
0xd1: {  	s1 =	sadd.s32 s2, s25;
	s9 =	spop (v2sf);
	v11 =	vmov s0  }
0xd2: {  	v55 =	vmov s1;
	s4 =	sadd.s32 s4, s9;
	v11 =	vadd.s32 $0xFFFFFFFF, v11  }
0xd3: {  	v12 =	vadd.s32 $0xFFFFFFFF, v55;
	v56 =	vmov s4;
	v11 =	vbroadcast v11, $0x0  }
0xd4: {  	v12 =	vbroadcast v12, $0x0;
	v13 =	vadd.s32 $0xFFFFFFFF, v56;
	v57, _, _ =	vpop (xrf0)  }
0xd5: {  	v13 =	vbroadcast v13, $0x0;
	v11 =	vadd.s32 v57, v11;
	v58, _, _ =	vpop (xrf0)  }
0xd6: {  	v12 =	vadd.s32 v58, v12;
	vm7 =	vlt.s32 v11, $0x80;
	v59, _, _ =	vpop (xrf0)  }
0xd7: {  	v13 =	vadd.s32 v59, v13;
	vm0 =	vmand vm14, vm7;
	vm8 =	vlt.s32 v12, $0x20  }
0xd8: {  	vm1 =	vmand vm15, vm8;
	vm9 =	vlt.s32 v13, $0x10  }
0xd9: {  	vm2 =	vmand vm6, vm9;
	_ =	sdelay $0x2  }
0xda: {  	v17 =	vor.u32 s10, v0  }
0xdb: {  	[tilespmem:v11+s17+$0x0] =	vst.idx.msk vm0, v17  }
0xdc: {  	s10 =	sand.u32 $0x70, s31;
	[tilespmem:v12+s18+$0x0] =	vst.idx.msk vm1, v17  }
0xdd: {  	s2 =	sor.u32 s10, s12;
	[tilespmem:v13+s19+$0x0] =	vst.idx.msk vm2, v17  }
0xde: {  	(v2sf) =	vpush v57, $0xF;
	v10 =	vld.idx.msk [tilespmem:v10+s2+$0x0 ss:$0x1], $0xffff  }
0xdf: {  	(v2sf) =	vpush v58, $0xF  }
0xe0: {  	(v2sf) =	vpush v59, $0xF;
	_ =	sdelay $0x2  }
0xe1: {  	vm10 =	vle.f32 v10, $1.599999960e-01  }
0xe2: {  	vm11 =	vle.f32 v10, $3.999999910e-02;
	v11 =	vsel vm10, $0x1, v1  }
0xe3: {  	vm12 =	vle.f32 v10, $9.999999770e-03;
	v10 =	vsel vm11, $0x1, v1;
	(xrf0) =	vadd.scan.msk.s32 $0xffff, v11  }
0xe4: {  	v11 =	vsel vm12, $0x1, v1;
	(xrf0) =	vadd.scan.msk.s32 $0xffff, v10  }
0xe5: {  	(xrf0) =	vadd.scan.msk.s32 $0xffff, v11;
	_ =	sdelay $0x3  }
0xe6: {  	v10, _, _ =	vpop (xrf0)  }
0xe7: {  	v11, _, _ =	vpop (xrf0);
	(v2sf) =	vpush v10, $0xF  }
0xe8: {  	s12 =	spop (v2sf);
	v60, _, _ =	vpop (xrf0);
	(v2sf) =	vpush v11, $0xF  }
0xe9: {  	s13 =	spop (v2sf);
	s0 =	sadd.s32 s0, s12;
	(v2sf) =	vpush v60, $0xF  }
0xea: {  	s14 =	spop (v2sf);
	s2 =	sadd.s32 s1, s13;
	v61 =	vmov s0  }
0xeb: {  	v62 =	vmov s2;
	s15 =	sadd.s32 s4, s14;
	v13 =	vadd.s32 $0xFFFFFFFF, v61  }
0xec: {  	v14 =	vadd.s32 $0xFFFFFFFF, v62;
	v13 =	vbroadcast v13, $0x0;
	v63 =	vmov s15  }
0xed: {  	v14 =	vbroadcast v14, $0x0;
	v15 =	vadd.s32 $0xFFFFFFFF, v63  }
0xee: {  	v18 =	vbroadcast v15, $0x0;
	v10 =	vadd.s32 v10, v13  }
0xef: {  	v11 =	vadd.s32 v11, v14;
	vm13 =	vlt.s32 v10, $0x80  }
0xf0: {  	v12 =	vadd.s32 v60, v18;
	vm2 =	vmand vm10, vm13;
	vm14 =	vlt.s32 v11, $0x20  }
0xf1: {  	vm0 =	vmand vm11, vm14;
	vm15 =	vlt.s32 v12, $0x10  }
0xf2: {  	vm1 =	vmand vm12, vm15;
	_ =	sdelay $0x2  }
0xf3: {  	v19 =	vor.u32 s31, v0;
	p0 =	slt.u32 s26, $0x8  }
0xf4: {  	p1 =	sne.s32 @!p0 s29, $0x0;
	[tilespmem:v10+s17+$0x0] =	vst.idx.msk vm2, v19;
	s1 =	spop (v2sf)  }
0xf5: {  	p0 =	por p1, p0;
	[tilespmem:v11+s18+$0x0] =	vst.idx.msk vm0, v19;
	s24 =	spop (v2sf)  }
0xf6: {  	s12 =	simm.s32 @!p0 $0x2;
	[tilespmem:v12+s19+$0x0] =	vst.idx.msk vm1, v19;
	s25 =	spop (v2sf)  }
0xf7: {  	_ =	swait.ge @!p0 [sflag:s12], $0x80  }
0xf8: {  	[sflag:s12] =	ssyncset.done @!p0 $0x0  }
0xf9: {  	[sflag:s12] =	ssyncadd.s32 @!p0 $0xFFFFFF80  }
0xfa: {  	_ =	swait.ge @!p0 [sflag:s12], $0x80  }
0xfb: {  	[sflag:s12] =	ssyncset.done @!p0 $0x0  }
0xfc: {  	[sflag:s12] =	ssyncadd.s32 @!p0 $0xFFFFFF80  }
0xfd: {  	_ =	swait.ge @!p0 [sflag:s12], $0x80  }
0xfe: {  	[sflag:s12] =	ssyncset.done @!p0 $0x0  }
0xff: {  	[sflag:s12] =	ssyncadd.s32 @!p0 $0xFFFFFF80  }
0x100: {  	_ =	swait.ge @!p0 [sflag:s12], $0x80  }
0x101: {  	[sflag:s12] =	ssyncset.done @!p0 $0x0  }
0x102: {  	[sflag:s12] =	ssyncadd.s32 @!p0 $0xFFFFFF80  }
0x103: {  	_ =	swait.ge @!p0 [sflag:s12], $0x80  }
0x104: {  	[sflag:s12] =	ssyncset.done @!p0 $0x0  }
0x105: {  	[sflag:s12] =	ssyncadd.s32 @!p0 $0xFFFFFF80  }
0x106: {  	_ =	swait.ge @!p0 [sflag:s12], $0x80  }
0x107: {  	[sflag:s12] =	ssyncset.done @!p0 $0x0  }
0x108: {  	[sflag:s12] =	ssyncadd.s32 @!p0 $0xFFFFFF80  }
0x109: {  	_ =	swait.ge @!p0 [sflag:s12], $0x100  }
0x10a: {  	[sflag:s12] =	ssyncset.done @!p0 $0x0  }
0x10b: {  	[sflag:s12] =	ssyncadd.s32 @!p0 $0xFFFFFF00  }
0x10c: {  	_ =	swait.ge @!p0 [sflag:s12], $0x100  }
0x10d: {  	[sflag:s12] =	ssyncset.done @!p0 $0x0  }
0x10e: {  	[sflag:s12] =	ssyncadd.s32 @!p0 $0xFFFFFF00  }
0x10f: {  	_ =	swait.ge @!p0 [sflag:s12], $0x100  }
0x110: {  	[sflag:s12] =	ssyncset.done @!p0 $0x0  }
0x111: {  	[sflag:s12] =	ssyncadd.s32 @!p0 $0xFFFFFF00  }
0x112: {  	_ =	swait.ge @!p0 [sflag:s12], $0x100  }
0x113: {  	[sflag:s12] =	ssyncset.done @!p0 $0x0  }
0x114: {  	[sflag:s12] =	ssyncadd.s32 @!p0 $0xFFFFFF00  }
0x115: {  	_ =	swait.ge @!p0 [sflag:s12], $0x100  }
0x116: {  	[sflag:s12] =	ssyncset.done @!p0 $0x0  }
0x117: {  	[sflag:s12] =	ssyncadd.s32 @!p0 $0xFFFFFF00  }
0x118: {  	_ =	swait.ge @!p0 [sflag:s12], $0x100  }
0x119: {  	[sflag:s12] =	ssyncset.done @!p0 $0x0  }
0x11a: {  	[sflag:s12] =	ssyncadd.s32 @!p0 $0xFFFFFF00  }
0x11b: {  	_ =	swait.ge @!p0 [sflag:s12], $0x400  }
0x11c: {  	[sflag:s12] =	ssyncset.done @!p0 $0x0  }
0x11d: {  	[sflag:s12] =	ssyncadd.s32 @!p0 $0xFFFFFC00  }
0x11e: {  	_ =	swait.ge @!p0 [sflag:s12], $0x400  }
0x11f: {  	[sflag:s12] =	ssyncset.done @!p0 $0x0  }
0x120: {  	[sflag:s12] =	ssyncadd.s32 @!p0 $0xFFFFFC00  }
0x121: {  	_ =	swait.ge @!p0 [sflag:s12], $0x400  }
0x122: {  	[sflag:s12] =	ssyncset.done @!p0 $0x0  }
0x123: {  	[sflag:s12] =	ssyncadd.s32 @!p0 $0xFFFFFC00  }
0x124: {  	_ =	swait.ge @!p0 [sflag:s12], $0x400  }
0x125: {  	[sflag:s12] =	ssyncset.done @!p0 $0x0  }
0x126: {  	[sflag:s12] =	ssyncadd.s32 @!p0 $0xFFFFFC00  }
0x127: {  	_ =	swait.ge @!p0 [sflag:s12], $0x400  }
0x128: {  	[sflag:s12] =	ssyncset.done @!p0 $0x0  }
0x129: {  	[sflag:s12] =	ssyncadd.s32 @!p0 $0xFFFFFC00  }
0x12a: {  	_ =	swait.ge @!p0 [sflag:s12], $0x400  }
0x12b: {  	[sflag:s12] =	ssyncset.done @!p0 $0x0  }
0x12c: {  	[sflag:s12] =	ssyncadd.s32 @!p0 $0xFFFFFC00  }
0x12d: {  	v10 =	vld.msk [tilespmem:s26+$0x8000 ss:$0x0], $0xffff;
	_ =	swait.ge [sflag:s20], $0x8  }
0x12e: {  	[sflag:s20] =	ssyncset.done $0x0  }
0x12f: {  	[sflag:s20] =	ssyncadd.s32 $0xFFFFFFF8  }
0x130: {  	v11 =	vld [tilespmem:$0x8100];
	_ =	sdelay $0x1  }
0x131: {  	s9 =	sadd.s32 s15, s25  }
0x132: {  	v20 =	vmov s9  }
0x133: {  	vm5 =	vgt.s32 v20, v0  }
0x134: {  	v11 =	vsel vm5, v11, v10  }
0x135: {  	v21 =	vmul.u32 $0x6, v11;
	_ =	sdelay $0x3  }
0x136: {  	v22 =	vld [tilespmem:$0x8080];
	_ =	sdelay $0x1  }
0x137: {  	v23 =	vld.idx.msk [tilespmem:v21+s3+$0x0], $0xffff  }
0x138: {  	s26 =	sshll.u32 s29, $0x4  }
0x139: {  	v24 =	vor.u32 s26, v0  }
0x13a: {  	v11 =	vbroadcast v22, $0x0;
	v25 =	vor.u32 $0x1, v21;
	_ =	sdelay $0x1  }
0x13b: {  	v12 =	vsub.f32 v23, v11;
	_ =	sdelay $0x1  }
0x13c: {  	[tilespmem:v24+s21+$0x0] =	vst.idx.msk $0xffff, v12  }
0x13d: {  	v15 =	vld.idx.msk [tilespmem:v25+s3+$0x0], $0xffff  }
0x13e: {  	s31 =	sor.u32 $0x80, s26  }
0x13f: {  	v26 =	vor.u32 s31, v0  }
0x140: {  	v27 =	vadd.s32 $0x2, v21;
	v12 =	vbroadcast v22, $0x1;
	_ =	sdelay $0x1  }
0x141: {  	v15 =	vsub.f32 v15, v12;
	_ =	sdelay $0x1  }
0x142: {  	[tilespmem:v26+s21+$0x0] =	vst.idx.msk $0xffff, v15  }
0x143: {  	v15 =	vld.idx.msk [tilespmem:v27+s3+$0x0], $0xffff  }
0x144: {  	s12 =	sor.u32 $0x100, s26  }
0x145: {  	v28 =	vor.u32 s12, v0  }
0x146: {  	v13 =	vbroadcast v22, $0x2;
	v29 =	vadd.s32 $0x3, v21;
	_ =	sdelay $0x1  }
0x147: {  	v15 =	vsub.f32 v15, v13;
	_ =	sdelay $0x1  }
0x148: {  	s13 =	sor.u32 $0x180, s26;
	[tilespmem:v28+s21+$0x0] =	vst.idx.msk $0xffff, v15  }
0x149: {  	v30 =	vor.u32 s13, v0;
	v15 =	vld.idx.msk [tilespmem:v29+s3+$0x0], $0xffff  }
0x14a: {  	v31 =	vadd.s32 $0x4, v21;
	_ =	sdelay $0x3  }
0x14b: {  	s14 =	sor.u32 $0x200, s26;
	[tilespmem:v30+s21+$0x0] =	vst.idx.msk $0xffff, v15  }
0x14c: {  	v32 =	vor.u32 s14, v0;
	v15 =	vld.idx.msk [tilespmem:v31+s3+$0x0], $0xffff  }
0x14d: {  	v14 =	vadd.s32 $0x5, v21;
	_ =	sdelay $0x3  }
0x14e: {  	s9 =	sor.u32 $0x280, s26;
	[tilespmem:v32+s21+$0x0] =	vst.idx.msk $0xffff, v15  }
0x14f: {  	v33 =	vor.u32 s9, v0;
	v14 =	vld.idx.msk [tilespmem:v14+s3+$0x0], $0xffff;
	_ =	sdelay $0x4  }
0x150: {  	[tilespmem:v33+s21+$0x0] =	vst.idx.msk $0xffff, v14  }
0x151: {  	v14 =	vld [tilespmem:$0x8180];
	_ =	sdelay $0x1  }
0x152: {  	s2 =	sadd.s32 s2, s24  }
0x153: {  	v34 =	vmov s2  }
0x154: {  	vm6 =	vgt.s32 v34, v0  }
0x155: {  	v14 =	vsel vm6, v14, v10  }
0x156: {  	v14 =	vmul.u32 $0x6, v14;
	_ =	sdelay $0x5  }
0x157: {  	v16 =	vld.idx.msk [tilespmem:v14+s3+$0x0], $0xffff  }
0x158: {  	s2 =	sshll.u32 s29, $0x5  }
0x159: {  	v35 =	vor.u32 s2, v0  }
0x15a: {  	v18 =	vor.u32 $0x1, v14;
	_ =	sdelay $0x1  }
0x15b: {  	v16 =	vsub.f32 v16, v11;
	_ =	sdelay $0x1  }
0x15c: {  	[tilespmem:v35+s22+$0x0] =	vst.idx.msk $0xffff, v16  }
0x15d: {  	v16 =	vld.idx.msk [tilespmem:v18+s3+$0x0], $0xffff  }
0x15e: {  	s15 =	sor.u32 $0x100, s2  }
0x15f: {  	v36 =	vor.u32 s15, v0  }
0x160: {  	v37 =	vadd.s32 $0x2, v14;
	_ =	sdelay $0x1  }
0x161: {  	v16 =	vsub.f32 v16, v12;
	_ =	sdelay $0x1  }
0x162: {  	[tilespmem:v36+s22+$0x0] =	vst.idx.msk $0xffff, v16  }
0x163: {  	v16 =	vld.idx.msk [tilespmem:v37+s3+$0x0], $0xffff  }
0x164: {  	s24 =	sor.u32 $0x200, s2  }
0x165: {  	v38 =	vor.u32 s24, v0  }
0x166: {  	v39 =	vadd.s32 $0x3, v14;
	_ =	sdelay $0x1  }
0x167: {  	v16 =	vsub.f32 v16, v13;
	_ =	sdelay $0x1  }
0x168: {  	s25 =	sor.u32 $0x300, s2;
	[tilespmem:v38+s22+$0x0] =	vst.idx.msk $0xffff, v16  }
0x169: {  	v40 =	vor.u32 s25, v0;
	v16 =	vld.idx.msk [tilespmem:v39+s3+$0x0], $0xffff  }
0x16a: {  	v41 =	vadd.s32 $0x4, v14;
	_ =	sdelay $0x3  }
0x16b: {  	s26 =	sor.u32 $0x400, s2;
	[tilespmem:v40+s22+$0x0] =	vst.idx.msk $0xffff, v16  }
0x16c: {  	v42 =	vor.u32 s26, v0;
	v16 =	vld.idx.msk [tilespmem:v41+s3+$0x0], $0xffff  }
0x16d: {  	v14 =	vadd.s32 $0x5, v14;
	_ =	sdelay $0x3  }
0x16e: {  	s31 =	sor.u32 $0x500, s2;
	[tilespmem:v42+s22+$0x0] =	vst.idx.msk $0xffff, v16  }
0x16f: {  	v43 =	vor.u32 s31, v0;
	v14 =	vld.idx.msk [tilespmem:v14+s3+$0x0], $0xffff;
	_ =	sdelay $0x4  }
0x170: {  	[tilespmem:v43+s22+$0x0] =	vst.idx.msk $0xffff, v14  }
0x171: {  	v14 =	vld [tilespmem:$0x8190];
	_ =	sdelay $0x3  }
0x172: {  	vm7 =	vgt.s32 v34, v2  }
0x173: {  	v14 =	vsel vm7, v14, v10  }
0x174: {  	v14 =	vmul.u32 $0x6, v14;
	_ =	sdelay $0x5  }
0x175: {  	v44 =	vld.idx.msk [tilespmem:v14+s3+$0x0], $0xffff  }
0x176: {  	s9 =	sor.u32 $0x10, s2  }
0x177: {  	v45 =	vor.u32 s9, v0  }
0x178: {  	v46 =	vor.u32 $0x1, v14;
	_ =	sdelay $0x1  }
0x179: {  	v15 =	vsub.f32 v44, v11;
	_ =	sdelay $0x1  }
0x17a: {  	[tilespmem:v45+s22+$0x0] =	vst.idx.msk $0xffff, v15  }
0x17b: {  	v15 =	vld.idx.msk [tilespmem:v46+s3+$0x0], $0xffff  }
0x17c: {  	s10 =	sor.u32 $0x110, s2  }
0x17d: {  	v47 =	vor.u32 s10, v0  }
0x17e: {  	v48 =	vadd.s32 $0x2, v14;
	_ =	sdelay $0x1  }
0x17f: {  	v15 =	vsub.f32 v15, v12;
	_ =	sdelay $0x1  }
0x180: {  	[tilespmem:v47+s22+$0x0] =	vst.idx.msk $0xffff, v15  }
0x181: {  	v15 =	vld.idx.msk [tilespmem:v48+s3+$0x0], $0xffff  }
0x182: {  	s12 =	sor.u32 $0x210, s2  }
0x183: {  	v49 =	vor.u32 s12, v0  }
0x184: {  	v50 =	vadd.s32 $0x3, v14;
	_ =	sdelay $0x1  }
0x185: {  	v15 =	vsub.f32 v15, v13;
	_ =	sdelay $0x1  }
0x186: {  	s13 =	sor.u32 $0x310, s2;
	[tilespmem:v49+s22+$0x0] =	vst.idx.msk $0xffff, v15  }
0x187: {  	v51 =	vor.u32 s13, v0;
	v15 =	vld.idx.msk [tilespmem:v50+s3+$0x0], $0xffff  }
0x188: {  	v52 =	vadd.s32 $0x4, v14;
	_ =	sdelay $0x3  }
0x189: {  	s14 =	sor.u32 $0x410, s2;
	[tilespmem:v51+s22+$0x0] =	vst.idx.msk $0xffff, v15  }
0x18a: {  	v53 =	vor.u32 s14, v0;
	v15 =	vld.idx.msk [tilespmem:v52+s3+$0x0], $0xffff  }
0x18b: {  	v14 =	vadd.s32 $0x5, v14;
	_ =	sdelay $0x3  }
0x18c: {  	s2 =	sor.u32 $0x510, s2;
	[tilespmem:v53+s22+$0x0] =	vst.idx.msk $0xffff, v15  }
0x18d: {  	v54 =	vor.u32 s2, v0;
	v14 =	vld.idx.msk [tilespmem:v14+s3+$0x0], $0xffff;
	_ =	sdelay $0x4  }
0x18e: {  	[tilespmem:v54+s22+$0x0] =	vst.idx.msk $0xffff, v14  }
0x18f: {  	v15 =	vld [tilespmem:$0x8200];
	_ =	sdelay $0x1  }
0x190: {  	s0 =	sadd.s32 s0, s1  }
0x191: {  	v14 =	vmov s0  }
0x192: {  	vm8 =	vgt.s32 v14, v0  }
0x193: {  	v15 =	vsel vm8, v15, v10  }
0x194: {  	v20 =	vmul.u32 $0x6, v15;
	_ =	sdelay $0x1  }
0x195: {  	s15 =	sshll.u32 s29, $0x7  }
0x196: {  	v55 =	vmov s15  }
0x197: {  	v15 =	vshrl.u32 v55, $0x7  }
0x198: {  	v15 =	vshll.u32 v15, v3  }
0x199: {  	v15 =	vbroadcast v15, $0x0;
	v16 =	vld.idx.msk [tilespmem:v20+s3+$0x0], $0xffff;
	_ =	sdelay $0x1  }
0x19a: {  	v56 =	vor.u32 v0, v15  }
0x19b: {  	v57 =	vor.u32 $0x1, v20  }
0x19c: {  	s24 =	sor.u32 $0x400, s15  }
0x19d: {  	v19 =	vmov s24;
	v16 =	vsub.f32 v16, v11  }
0x19e: {  	v19 =	vshrl.u32 v19, $0x7  }
0x19f: {  	v58 =	vshll.u32 v19, v3;
	[tilespmem:v56+s23+$0x0] =	vst.idx.msk $0xffff, v16  }
0x1a0: {  	v16 =	vbroadcast v58, $0x0;
	v17 =	vld.idx.msk [tilespmem:v57+s3+$0x0], $0xffff;
	_ =	sdelay $0x1  }
0x1a1: {  	v59 =	vor.u32 v0, v16  }
0x1a2: {  	v60 =	vadd.s32 $0x2, v20  }
0x1a3: {  	s25 =	sor.u32 $0x800, s15  }
0x1a4: {  	v21 =	vmov s25;
	v17 =	vsub.f32 v17, v12  }
0x1a5: {  	v21 =	vshrl.u32 v21, $0x7  }
0x1a6: {  	v61 =	vshll.u32 v21, v3;
	[tilespmem:v59+s23+$0x0] =	vst.idx.msk $0xffff, v17  }
0x1a7: {  	v17 =	vbroadcast v61, $0x0;
	v18 =	vld.idx.msk [tilespmem:v60+s3+$0x0], $0xffff;
	_ =	sdelay $0x1  }
0x1a8: {  	s26 =	sor.u32 $0xC00, s15;
	v62 =	vor.u32 v0, v17  }
0x1a9: {  	v22 =	vmov s26;
	v63 =	vadd.s32 $0x3, v20  }
0x1aa: {  	v22 =	vshrl.u32 v22, $0x7  }
0x1ab: {  	v24 =	vshll.u32 v22, v3;
	v23 =	vsub.f32 v18, v13  }
0x1ac: {  	v18 =	vbroadcast v24, $0x0  }
0x1ad: {  	[tilespmem:v62+s23+$0x0] =	vst.idx.msk $0xffff, v23  }
0x1ae: {  	s31 =	sor.u32 $0x1000, s15;
	v25 =	vor.u32 v0, v18;
	v21 =	vld.idx.msk [tilespmem:v63+s3+$0x0], $0xffff  }
0x1af: {  	v27 =	vmov s31;
	v26 =	vadd.s32 $0x4, v20  }
0x1b0: {  	v19 =	vshrl.u32 v27, $0x7  }
0x1b1: {  	v19 =	vshll.u32 v19, v3  }
0x1b2: {  	v19 =	vbroadcast v19, $0x0  }
0x1b3: {  	[tilespmem:v25+s23+$0x0] =	vst.idx.msk $0xffff, v21  }
0x1b4: {  	v28 =	vor.u32 v0, v19;
	s0 =	sor.u32 $0x1400, s15;
	v21 =	vld.idx.msk [tilespmem:v26+s3+$0x0], $0xffff  }
0x1b5: {  	v30 =	vmov s0;
	v29 =	vadd.s32 $0x5, v20  }
0x1b6: {  	v20 =	vshrl.u32 v30, $0x7  }
0x1b7: {  	v20 =	vshll.u32 v20, v3  }
0x1b8: {  	v20 =	vbroadcast v20, $0x0  }
0x1b9: {  	[tilespmem:v28+s23+$0x0] =	vst.idx.msk $0xffff, v21  }
0x1ba: {  	v31 =	vor.u32 v0, v20;
	v21 =	vld.idx.msk [tilespmem:v29+s3+$0x0], $0xffff;
	_ =	sdelay $0x4  }
0x1bb: {  	[tilespmem:v31+s23+$0x0] =	vst.idx.msk $0xffff, v21  }
0x1bc: {  	v21 =	vld [tilespmem:$0x8210];
	_ =	sdelay $0x3  }
0x1bd: {  	vm9 =	vgt.s32 v14, v2  }
0x1be: {  	v21 =	vsel vm9, v21, v10  }
0x1bf: {  	v21 =	vmul.u32 $0x6, v21;
	_ =	sdelay $0x5  }
0x1c0: {  	v22 =	vld.idx.msk [tilespmem:v21+s3+$0x0], $0xffff;
	_ =	sdelay $0x1  }
0x1c1: {  	v32 =	vor.u32 v2, v15  }
0x1c2: {  	v24 =	vor.u32 $0x1, v21;
	_ =	sdelay $0x1  }
0x1c3: {  	v22 =	vsub.f32 v22, v11;
	_ =	sdelay $0x1  }
0x1c4: {  	[tilespmem:v32+s23+$0x0] =	vst.idx.msk $0xffff, v22  }
0x1c5: {  	v22 =	vld.idx.msk [tilespmem:v24+s3+$0x0], $0xffff;
	_ =	sdelay $0x1  }
0x1c6: {  	v33 =	vor.u32 v2, v16  }
0x1c7: {  	v34 =	vadd.s32 $0x2, v21;
	_ =	sdelay $0x1  }
0x1c8: {  	v22 =	vsub.f32 v22, v12;
	_ =	sdelay $0x1  }
0x1c9: {  	[tilespmem:v33+s23+$0x0] =	vst.idx.msk $0xffff, v22  }
0x1ca: {  	v22 =	vld.idx.msk [tilespmem:v34+s3+$0x0], $0xffff;
	_ =	sdelay $0x1  }
0x1cb: {  	v35 =	vor.u32 v2, v17  }
0x1cc: {  	v36 =	vadd.s32 $0x3, v21;
	_ =	sdelay $0x1  }
0x1cd: {  	v22 =	vsub.f32 v22, v13;
	_ =	sdelay $0x1  }
0x1ce: {  	[tilespmem:v35+s23+$0x0] =	vst.idx.msk $0xffff, v22  }
0x1cf: {  	v37 =	vor.u32 v2, v18;
	v22 =	vld.idx.msk [tilespmem:v36+s3+$0x0], $0xffff  }
0x1d0: {  	v38 =	vadd.s32 $0x4, v21;
	_ =	sdelay $0x3  }
0x1d1: {  	[tilespmem:v37+s23+$0x0] =	vst.idx.msk $0xffff, v22  }
0x1d2: {  	v39 =	vor.u32 v2, v19;
	v22 =	vld.idx.msk [tilespmem:v38+s3+$0x0], $0xffff  }
0x1d3: {  	v21 =	vadd.s32 $0x5, v21;
	_ =	sdelay $0x3  }
0x1d4: {  	[tilespmem:v39+s23+$0x0] =	vst.idx.msk $0xffff, v22  }
0x1d5: {  	v40 =	vor.u32 v2, v20;
	v21 =	vld.idx.msk [tilespmem:v21+s3+$0x0], $0xffff;
	_ =	sdelay $0x4  }
0x1d6: {  	[tilespmem:v40+s23+$0x0] =	vst.idx.msk $0xffff, v21  }
0x1d7: {  	v21 =	vld [tilespmem:$0x8220];
	_ =	sdelay $0x3  }
0x1d8: {  	vm10 =	vgt.s32 v14, v4  }
0x1d9: {  	v21 =	vsel vm10, v21, v10  }
0x1da: {  	v21 =	vmul.u32 $0x6, v21;
	_ =	sdelay $0x5  }
0x1db: {  	v22 =	vld.idx.msk [tilespmem:v21+s3+$0x0], $0xffff;
	_ =	sdelay $0x1  }
0x1dc: {  	v41 =	vor.u32 v4, v15  }
0x1dd: {  	v42 =	vor.u32 $0x1, v21;
	_ =	sdelay $0x1  }
0x1de: {  	v22 =	vsub.f32 v22, v11;
	_ =	sdelay $0x1  }
0x1df: {  	[tilespmem:v41+s23+$0x0] =	vst.idx.msk $0xffff, v22  }
0x1e0: {  	v22 =	vld.idx.msk [tilespmem:v42+s3+$0x0], $0xffff;
	_ =	sdelay $0x1  }
0x1e1: {  	v43 =	vor.u32 v4, v16  }
0x1e2: {  	v44 =	vadd.s32 $0x2, v21;
	_ =	sdelay $0x1  }
0x1e3: {  	v22 =	vsub.f32 v22, v12;
	_ =	sdelay $0x1  }
0x1e4: {  	[tilespmem:v43+s23+$0x0] =	vst.idx.msk $0xffff, v22  }
0x1e5: {  	v22 =	vld.idx.msk [tilespmem:v44+s3+$0x0], $0xffff;
	_ =	sdelay $0x1  }
0x1e6: {  	v45 =	vor.u32 v4, v17  }
0x1e7: {  	v46 =	vadd.s32 $0x3, v21;
	_ =	sdelay $0x1  }
0x1e8: {  	v22 =	vsub.f32 v22, v13;
	_ =	sdelay $0x1  }
0x1e9: {  	[tilespmem:v45+s23+$0x0] =	vst.idx.msk $0xffff, v22  }
0x1ea: {  	v47 =	vor.u32 v4, v18;
	v22 =	vld.idx.msk [tilespmem:v46+s3+$0x0], $0xffff  }
0x1eb: {  	v48 =	vadd.s32 $0x4, v21;
	_ =	sdelay $0x3  }
0x1ec: {  	[tilespmem:v47+s23+$0x0] =	vst.idx.msk $0xffff, v22  }
0x1ed: {  	v49 =	vor.u32 v4, v19;
	v22 =	vld.idx.msk [tilespmem:v48+s3+$0x0], $0xffff  }
0x1ee: {  	v21 =	vadd.s32 $0x5, v21;
	_ =	sdelay $0x3  }
0x1ef: {  	[tilespmem:v49+s23+$0x0] =	vst.idx.msk $0xffff, v22  }
0x1f0: {  	v50 =	vor.u32 v4, v20;
	v21 =	vld.idx.msk [tilespmem:v21+s3+$0x0], $0xffff;
	_ =	sdelay $0x4  }
0x1f1: {  	[tilespmem:v50+s23+$0x0] =	vst.idx.msk $0xffff, v21  }
0x1f2: {  	v21 =	vld [tilespmem:$0x8230];
	_ =	sdelay $0x3  }
0x1f3: {  	vm11 =	vgt.s32 v14, v5  }
0x1f4: {  	v21 =	vsel vm11, v21, v10  }
0x1f5: {  	v21 =	vmul.u32 $0x6, v21;
	_ =	sdelay $0x5  }
0x1f6: {  	v22 =	vld.idx.msk [tilespmem:v21+s3+$0x0], $0xffff;
	_ =	sdelay $0x1  }
0x1f7: {  	v51 =	vor.u32 v5, v15  }
0x1f8: {  	v52 =	vor.u32 $0x1, v21;
	_ =	sdelay $0x1  }
0x1f9: {  	v22 =	vsub.f32 v22, v11;
	_ =	sdelay $0x1  }
0x1fa: {  	[tilespmem:v51+s23+$0x0] =	vst.idx.msk $0xffff, v22  }
0x1fb: {  	v22 =	vld.idx.msk [tilespmem:v52+s3+$0x0], $0xffff;
	_ =	sdelay $0x1  }
0x1fc: {  	v53 =	vor.u32 v5, v16  }
0x1fd: {  	v54 =	vadd.s32 $0x2, v21;
	_ =	sdelay $0x1  }
0x1fe: {  	v22 =	vsub.f32 v22, v12;
	_ =	sdelay $0x1  }
0x1ff: {  	[tilespmem:v53+s23+$0x0] =	vst.idx.msk $0xffff, v22  }
0x200: {  	v22 =	vld.idx.msk [tilespmem:v54+s3+$0x0], $0xffff;
	_ =	sdelay $0x1  }
0x201: {  	v55 =	vor.u32 v5, v17  }
0x202: {  	v56 =	vadd.s32 $0x3, v21;
	_ =	sdelay $0x1  }
0x203: {  	v22 =	vsub.f32 v22, v13;
	_ =	sdelay $0x1  }
0x204: {  	[tilespmem:v55+s23+$0x0] =	vst.idx.msk $0xffff, v22  }
0x205: {  	v57 =	vor.u32 v5, v18;
	v22 =	vld.idx.msk [tilespmem:v56+s3+$0x0], $0xffff  }
0x206: {  	v58 =	vadd.s32 $0x4, v21;
	_ =	sdelay $0x3  }
0x207: {  	[tilespmem:v57+s23+$0x0] =	vst.idx.msk $0xffff, v22  }
0x208: {  	v59 =	vor.u32 v5, v19;
	v22 =	vld.idx.msk [tilespmem:v58+s3+$0x0], $0xffff  }
0x209: {  	v21 =	vadd.s32 $0x5, v21;
	_ =	sdelay $0x3  }
0x20a: {  	[tilespmem:v59+s23+$0x0] =	vst.idx.msk $0xffff, v22  }
0x20b: {  	v60 =	vor.u32 v5, v20;
	v21 =	vld.idx.msk [tilespmem:v21+s3+$0x0], $0xffff;
	_ =	sdelay $0x4  }
0x20c: {  	[tilespmem:v60+s23+$0x0] =	vst.idx.msk $0xffff, v21  }
0x20d: {  	v21 =	vld [tilespmem:$0x8240];
	_ =	sdelay $0x3  }
0x20e: {  	vm12 =	vgt.s32 v14, v6  }
0x20f: {  	v21 =	vsel vm12, v21, v10  }
0x210: {  	v21 =	vmul.u32 $0x6, v21;
	_ =	sdelay $0x5  }
0x211: {  	v22 =	vld.idx.msk [tilespmem:v21+s3+$0x0], $0xffff;
	_ =	sdelay $0x1  }
0x212: {  	v61 =	vor.u32 v6, v15  }
0x213: {  	v62 =	vor.u32 $0x1, v21;
	_ =	sdelay $0x1  }
0x214: {  	v22 =	vsub.f32 v22, v11;
	_ =	sdelay $0x1  }
0x215: {  	[tilespmem:v61+s23+$0x0] =	vst.idx.msk $0xffff, v22  }
0x216: {  	v22 =	vld.idx.msk [tilespmem:v62+s3+$0x0], $0xffff;
	_ =	sdelay $0x1  }
0x217: {  	v63 =	vor.u32 v6, v16  }
0x218: {  	v28 =	vadd.s32 $0x2, v21;
	_ =	sdelay $0x1  }
0x219: {  	v22 =	vsub.f32 v22, v12;
	_ =	sdelay $0x1  }
0x21a: {  	[tilespmem:v63+s23+$0x0] =	vst.idx.msk $0xffff, v22  }
0x21b: {  	v22 =	vld.idx.msk [tilespmem:v28+s3+$0x0], $0xffff;
	_ =	sdelay $0x1  }
0x21c: {  	v29 =	vor.u32 v6, v17  }
0x21d: {  	v30 =	vadd.s32 $0x3, v21;
	_ =	sdelay $0x1  }
0x21e: {  	v22 =	vsub.f32 v22, v13;
	_ =	sdelay $0x1  }
0x21f: {  	[tilespmem:v29+s23+$0x0] =	vst.idx.msk $0xffff, v22  }
0x220: {  	v31 =	vor.u32 v6, v18;
	v22 =	vld.idx.msk [tilespmem:v30+s3+$0x0], $0xffff  }
0x221: {  	v32 =	vadd.s32 $0x4, v21;
	_ =	sdelay $0x3  }
0x222: {  	[tilespmem:v31+s23+$0x0] =	vst.idx.msk $0xffff, v22  }
0x223: {  	v33 =	vor.u32 v6, v19;
	v22 =	vld.idx.msk [tilespmem:v32+s3+$0x0], $0xffff  }
0x224: {  	v21 =	vadd.s32 $0x5, v21;
	_ =	sdelay $0x3  }
0x225: {  	[tilespmem:v33+s23+$0x0] =	vst.idx.msk $0xffff, v22  }
0x226: {  	v34 =	vor.u32 v6, v20;
	v21 =	vld.idx.msk [tilespmem:v21+s3+$0x0], $0xffff;
	_ =	sdelay $0x4  }
0x227: {  	[tilespmem:v34+s23+$0x0] =	vst.idx.msk $0xffff, v21  }
0x228: {  	v21 =	vld [tilespmem:$0x8250];
	_ =	sdelay $0x3  }
0x229: {  	vm13 =	vgt.s32 v14, v7  }
0x22a: {  	v21 =	vsel vm13, v21, v10  }
0x22b: {  	v21 =	vmul.u32 $0x6, v21;
	_ =	sdelay $0x5  }
0x22c: {  	v22 =	vld.idx.msk [tilespmem:v21+s3+$0x0], $0xffff;
	_ =	sdelay $0x1  }
0x22d: {  	v35 =	vor.u32 v7, v15  }
0x22e: {  	v36 =	vor.u32 $0x1, v21;
	_ =	sdelay $0x1  }
0x22f: {  	v22 =	vsub.f32 v22, v11;
	_ =	sdelay $0x1  }
0x230: {  	[tilespmem:v35+s23+$0x0] =	vst.idx.msk $0xffff, v22  }
0x231: {  	v22 =	vld.idx.msk [tilespmem:v36+s3+$0x0], $0xffff;
	_ =	sdelay $0x1  }
0x232: {  	v37 =	vor.u32 v7, v16  }
0x233: {  	v38 =	vadd.s32 $0x2, v21;
	_ =	sdelay $0x1  }
0x234: {  	v22 =	vsub.f32 v22, v12;
	_ =	sdelay $0x1  }
0x235: {  	[tilespmem:v37+s23+$0x0] =	vst.idx.msk $0xffff, v22  }
0x236: {  	v22 =	vld.idx.msk [tilespmem:v38+s3+$0x0], $0xffff;
	_ =	sdelay $0x1  }
0x237: {  	v39 =	vor.u32 v7, v17  }
0x238: {  	v40 =	vadd.s32 $0x3, v21;
	_ =	sdelay $0x1  }
0x239: {  	v22 =	vsub.f32 v22, v13;
	_ =	sdelay $0x1  }
0x23a: {  	[tilespmem:v39+s23+$0x0] =	vst.idx.msk $0xffff, v22  }
0x23b: {  	v41 =	vor.u32 v7, v18;
	v22 =	vld.idx.msk [tilespmem:v40+s3+$0x0], $0xffff  }
0x23c: {  	v42 =	vadd.s32 $0x4, v21;
	_ =	sdelay $0x3  }
0x23d: {  	[tilespmem:v41+s23+$0x0] =	vst.idx.msk $0xffff, v22  }
0x23e: {  	v43 =	vor.u32 v7, v19;
	v22 =	vld.idx.msk [tilespmem:v42+s3+$0x0], $0xffff  }
0x23f: {  	v21 =	vadd.s32 $0x5, v21;
	_ =	sdelay $0x3  }
0x240: {  	[tilespmem:v43+s23+$0x0] =	vst.idx.msk $0xffff, v22  }
0x241: {  	v44 =	vor.u32 v7, v20;
	v21 =	vld.idx.msk [tilespmem:v21+s3+$0x0], $0xffff;
	_ =	sdelay $0x4  }
0x242: {  	[tilespmem:v44+s23+$0x0] =	vst.idx.msk $0xffff, v21  }
0x243: {  	v21 =	vld [tilespmem:$0x8260];
	_ =	sdelay $0x3  }
0x244: {  	vm14 =	vgt.s32 v14, v8  }
0x245: {  	v21 =	vsel vm14, v21, v10  }
0x246: {  	v21 =	vmul.u32 $0x6, v21;
	_ =	sdelay $0x5  }
0x247: {  	v22 =	vld.idx.msk [tilespmem:v21+s3+$0x0], $0xffff;
	_ =	sdelay $0x1  }
0x248: {  	v45 =	vor.u32 v8, v15  }
0x249: {  	v46 =	vor.u32 $0x1, v21;
	_ =	sdelay $0x1  }
0x24a: {  	v22 =	vsub.f32 v22, v11;
	_ =	sdelay $0x1  }
0x24b: {  	[tilespmem:v45+s23+$0x0] =	vst.idx.msk $0xffff, v22  }
0x24c: {  	v22 =	vld.idx.msk [tilespmem:v46+s3+$0x0], $0xffff;
	_ =	sdelay $0x1  }
0x24d: {  	v47 =	vor.u32 v8, v16  }
0x24e: {  	v48 =	vadd.s32 $0x2, v21;
	_ =	sdelay $0x1  }
0x24f: {  	v22 =	vsub.f32 v22, v12;
	_ =	sdelay $0x1  }
0x250: {  	[tilespmem:v47+s23+$0x0] =	vst.idx.msk $0xffff, v22  }
0x251: {  	v22 =	vld.idx.msk [tilespmem:v48+s3+$0x0], $0xffff;
	_ =	sdelay $0x1  }
0x252: {  	v49 =	vor.u32 v8, v17  }
0x253: {  	v50 =	vadd.s32 $0x3, v21;
	_ =	sdelay $0x1  }
0x254: {  	v22 =	vsub.f32 v22, v13;
	_ =	sdelay $0x1  }
0x255: {  	[tilespmem:v49+s23+$0x0] =	vst.idx.msk $0xffff, v22  }
0x256: {  	v51 =	vor.u32 v8, v18;
	v22 =	vld.idx.msk [tilespmem:v50+s3+$0x0], $0xffff  }
0x257: {  	v52 =	vadd.s32 $0x4, v21;
	_ =	sdelay $0x3  }
0x258: {  	[tilespmem:v51+s23+$0x0] =	vst.idx.msk $0xffff, v22  }
0x259: {  	v53 =	vor.u32 v8, v19;
	v22 =	vld.idx.msk [tilespmem:v52+s3+$0x0], $0xffff  }
0x25a: {  	v21 =	vadd.s32 $0x5, v21;
	_ =	sdelay $0x3  }
0x25b: {  	[tilespmem:v53+s23+$0x0] =	vst.idx.msk $0xffff, v22  }
0x25c: {  	v54 =	vor.u32 v8, v20;
	v21 =	vld.idx.msk [tilespmem:v21+s3+$0x0], $0xffff;
	_ =	sdelay $0x4  }
0x25d: {  	[tilespmem:v54+s23+$0x0] =	vst.idx.msk $0xffff, v21  }
0x25e: {  	v21 =	vld [tilespmem:$0x8270];
	_ =	sdelay $0x3  }
0x25f: {  	vm15 =	vgt.s32 v14, v9  }
0x260: {  	v10 =	vsel vm15, v21, v10  }
0x261: {  	v10 =	vmul.u32 $0x6, v10;
	_ =	sdelay $0x5  }
0x262: {  	v55 =	vld.idx.msk [tilespmem:v10+s3+$0x0], $0xffff;
	_ =	sdelay $0x1  }
0x263: {  	v15 =	vor.u32 v9, v15  }
0x264: {  	v56 =	vor.u32 $0x1, v10;
	_ =	sdelay $0x1  }
0x265: {  	v11 =	vsub.f32 v55, v11;
	_ =	sdelay $0x1  }
0x266: {  	[tilespmem:v15+s23+$0x0] =	vst.idx.msk $0xffff, v11  }
0x267: {  	v11 =	vld.idx.msk [tilespmem:v56+s3+$0x0], $0xffff;
	_ =	sdelay $0x1  }
0x268: {  	v57 =	vor.u32 v9, v16  }
0x269: {  	v58 =	vadd.s32 $0x2, v10;
	_ =	sdelay $0x1  }
0x26a: {  	v11 =	vsub.f32 v11, v12;
	_ =	sdelay $0x1  }
0x26b: {  	[tilespmem:v57+s23+$0x0] =	vst.idx.msk $0xffff, v11  }
0x26c: {  	v11 =	vld.idx.msk [tilespmem:v58+s3+$0x0], $0xffff;
	_ =	sdelay $0x1  }
0x26d: {  	v59 =	vor.u32 v9, v17  }
0x26e: {  	v60 =	vadd.s32 $0x3, v10;
	_ =	sdelay $0x1  }
0x26f: {  	v11 =	vsub.f32 v11, v13;
	_ =	sdelay $0x1  }
0x270: {  	[tilespmem:v59+s23+$0x0] =	vst.idx.msk $0xffff, v11  }
0x271: {  	v61 =	vor.u32 v9, v18;
	v11 =	vld.idx.msk [tilespmem:v60+s3+$0x0], $0xffff  }
0x272: {  	v62 =	vadd.s32 $0x4, v10;
	_ =	sdelay $0x3  }
0x273: {  	[tilespmem:v61+s23+$0x0] =	vst.idx.msk $0xffff, v11  }
0x274: {  	v63 =	vor.u32 v9, v19;
	v11 =	vld.idx.msk [tilespmem:v62+s3+$0x0], $0xffff  }
0x275: {  	v10 =	vadd.s32 $0x5, v10;
	_ =	sdelay $0x3  }
0x276: {  	[tilespmem:v63+s23+$0x0] =	vst.idx.msk $0xffff, v11  }
0x277: {  	p0 =	sne.s32 s29, $0x7;
	v11 =	vor.u32 v9, v20;
	v10 =	vld.idx.msk [tilespmem:v10+s3+$0x0], $0xffff  }
.Ltmp8:
0x278: {  	_ = 	snop;
	(pc) =	sbr.rel @p0 .LBB2_11-.Ltmp8, $2  }
0x279: {  	_ =	sdelay $0x2  }
0x27a: {  	[tilespmem:v11+s23+$0x0] =	vst.idx.msk $0xffff, v10  }
0x27b: {  	s0 =	sshll.u32 s28, $0x1;
	s1 =	sshll.u32 s28, $0x4  }
0x27c: {  	s0 =	sadd.s32 s6, s0;
	s14 =	sshrl.u32 s1, $0x3  }
0x27d: {  	[hbm4b:s0+s3] =	stream.linear.scatter [tilespmem:s21], [sflag:$0x2], $0x80, $0x38;
	[tilespmem:$0xA400] =	vst v63  }
0x27e: {  	s0 =	sadd.s32 s6, s14  }
0x27f: {  	s4 =	simm.s32 $0x8380;
	s2 =	sadd.s32 $0x1000, s0  }
0x280: {  	[hbm4b:s2+s3] =	stream.linear.scatter [tilespmem:s4], [sflag:$0x2], $0x80, $0x38;
	[tilespmem:$0xA400] =	vst v63  }
0x281: {  	s24 =	simm.s32 $0x8400;
	s15 =	sadd.s32 $0x2000, s0  }
0x282: {  	[hbm4b:s15+s3] =	stream.linear.scatter [tilespmem:s24], [sflag:$0x2], $0x80, $0x38;
	[tilespmem:$0xA400] =	vst v63  }
0x283: {  	s26 =	simm.s32 $0x8480;
	s25 =	sadd.s32 $0x3000, s0  }
0x284: {  	[hbm4b:s25+s3] =	stream.linear.scatter [tilespmem:s26], [sflag:$0x2], $0x80, $0x38;
	[tilespmem:$0xA400] =	vst v63  }
0x285: {  	s31 =	simm.s32 $0x8500;
	s29 =	sadd.s32 $0x4000, s0  }
0x286: {  	[hbm4b:s29+s3] =	stream.linear.scatter [tilespmem:s31], [sflag:$0x2], $0x80, $0x38;
	[tilespmem:$0xA400] =	vst v63  }
0x287: {  	s9 =	simm.s32 $0x8580;
	s10 =	sshll.u32 s28, $0x2;
	s0 =	sadd.s32 $0x5000, s0  }
0x288: {  	[hbm4b:s0+s3] =	stream.linear.scatter [tilespmem:s9], [sflag:$0x2], $0x80, $0x38;
	[tilespmem:$0xA400] =	vst v63  }
0x289: {  	s12 =	rddreg [dreg:$0x1];
	s0 =	sand.u32 $0x1FFFFFFC, s10  }
0x28a: {  	s13 =	sadd.s32 s12, s10;
	s0 =	sadd.s32 s12, s0  }
0x28b: {  	[hbm4b:s13+s3] =	stream.linear.scatter [tilespmem:s22], [sflag:$0x2], $0x100, $0x38;
	[tilespmem:$0xA400] =	vst v63  }
0x28c: {  	s15 =	simm.s32 $0x8700;
	s14 =	sadd.s32 $0x2000, s0  }
0x28d: {  	[hbm4b:s14+s3] =	stream.linear.scatter [tilespmem:s15], [sflag:$0x2], $0x100, $0x38;
	[tilespmem:$0xA400] =	vst v63  }
0x28e: {  	s25 =	simm.s32 $0x8800;
	s24 =	sadd.s32 $0x4000, s0  }
0x28f: {  	[hbm4b:s24+s3] =	stream.linear.scatter [tilespmem:s25], [sflag:$0x2], $0x100, $0x38;
	[tilespmem:$0xA400] =	vst v63  }
0x290: {  	s28 =	simm.s32 $0x8900;
	s26 =	sadd.s32 $0x6000, s0  }
0x291: {  	[hbm4b:s26+s3] =	stream.linear.scatter [tilespmem:s28], [sflag:$0x2], $0x100, $0x38;
	[tilespmem:$0xA400] =	vst v63  }
0x292: {  	s31 =	simm.s32 $0x8A00;
	s29 =	sadd.s32 $0x8000, s0  }
0x293: {  	[hbm4b:s29+s3] =	stream.linear.scatter [tilespmem:s31], [sflag:$0x2], $0x100, $0x38;
	[tilespmem:$0xA400] =	vst v63  }
0x294: {  	s9 =	simm.s32 $0x8B00;
	s10 =	sand.u32 $0x1FFFFF80, s1;
	s0 =	sadd.s32 $0xA000, s0  }
0x295: {  	[hbm4b:s0+s3] =	stream.linear.scatter [tilespmem:s9], [sflag:$0x2], $0x100, $0x38;
	[tilespmem:$0xA400] =	vst v63  }
0x296: {  	s12 =	sand.u32 $0x1FFFFFF0, s1;
	s0 =	sadd.s32 s7, s10  }
0x297: {  	[hbm4b:s0+s3] =	stream.linear.scatter [tilespmem:s23], [sflag:$0x2], $0x400, $0x38;
	[tilespmem:$0xA400] =	vst v63  }
0x298: {  	s0 =	sadd.s32 s7, s12  }
0x299: {  	s14 =	simm.s32 $0x9000;
	s13 =	sadd.s32 $0x8000, s0  }
0x29a: {  	[hbm4b:s13+s3] =	stream.linear.scatter [tilespmem:s14], [sflag:$0x2], $0x400, $0x38;
	[tilespmem:$0xA400] =	vst v63  }
0x29b: {  	s24 =	simm.s32 $0x9400;
	s15 =	sadd.s32 $0x10000, s0  }
0x29c: {  	[hbm4b:s15+s3] =	stream.linear.scatter [tilespmem:s24], [sflag:$0x2], $0x400, $0x38;
	[tilespmem:$0xA400] =	vst v63  }
0x29d: {  	s26 =	simm.s32 $0x9800;
	s25 =	sadd.s32 $0x18000, s0  }
0x29e: {  	[hbm4b:s25+s3] =	stream.linear.scatter [tilespmem:s26], [sflag:$0x2], $0x400, $0x38;
	[tilespmem:$0xA400] =	vst v63  }
.Ltmp9:
0x29f: {  	_ = 	snop;
	(pc) =	sbr.rel .LBB2_11-.Ltmp9, $4  }
0x2a0: {  	s29 =	simm.s32 $0x9C00;
	s28 =	sadd.s32 $0x20000, s0  }
0x2a1: {  	[hbm4b:s28+s3] =	stream.linear.scatter [tilespmem:s29], [sflag:$0x2], $0x400, $0x38;
	[tilespmem:$0xA400] =	vst v63  }
0x2a2: {  	s31 =	simm.s32 $0xA000;
	s0 =	sadd.s32 $0x28000, s0  }
0x2a3: {  	[hbm4b:s0+s3] =	stream.linear.scatter [tilespmem:s31], [sflag:$0x2], $0x400, $0x38;
	[tilespmem:$0xA400] =	vst v63  }
.LBB2_13:
0x2a4: {  	_ =	sfence.sel $0x180000  }
0x2a5: {  	[bflag:$0x0] =	sbarrier.arrive $0xFFFF  }
0x2a6: {  	_ =	strace $0x90000047  }
0x2a7: {  	s0 =	stileid.u32;
	[bflag:$0x2] =	sbarrier.arrive $0xFFFF  }
0x2a8: {  	p0 =	sne.s32 s0, $0x0;
	s0 =	rddreg [dreg:$0x2]  }
0x2a9: {  	s0 =	sadd.s32 @!p0 $0x100000, s0  }
0x2aa: {  	[sflag:s0] =	ssyncadd.tile.s32 @!p0 $0x1;
	_ =	shalt  }
.Lfunc_end2:
_tile_overlayer_lowered:
.L_overlay_start_2:
0x2ab: {  	(tag) =	ssettag $0x2  }
0x2ac: {  	s0 =	rddreg [dreg:$0x0];
	s2 =	stileid.u32  }
0x2ad: {  	s1 =	rddreg [dreg:$0x1];
	p0 =	sne.s32 s2, $0x0  }
0x2ae: {  	s3 =	rddreg [dreg:$0x2];
	[bflag:$0x3] =	sbarrier.arrive $0xFFFF;
	s2 =	simm.s32 @!p0 $0x1C04  }
0x2af: {  	[timem:s3], [sflag:s2] =	dma.local @!p0 [hbm:s0], s1  }
0x2b0: {  	s0 =	simm.s32 @!p0 $0x4  }
0x2b1: {  	_ =	swait.ge @!p0 [sflag:s0], s1  }
0x2b2: {  	s1 =	ssub.s32 @!p0 $0x0, s1;
	[sflag:s0] =	ssyncset.done @!p0 $0x0  }
0x2b3: {  	[sflag:s0] =	ssyncadd.s32 @!p0 s1  }
0x2b4: {  	[bflag:$0x3] =	sbarrier.arrive $0xFFFF  }
0x2b5: {  	_ =	shalt  }

</sc_bundles>
